<compile_context>
chip_gen: v7x
topology: tpu7x:2x2x1
jax: 0.10.2.dev20260603
libtpu: 0.0.44.dev20260713+nightly
codegen_flags: <defaults>
</compile_context>

<pallas_src>
import functools

import jax
import jax.numpy as jnp
from jax import lax
from jax.experimental import pallas as pl
from jax.experimental.pallas import tpu as pltpu
from jax.experimental.pallas import tpu_sc as plsc

_LANES = 16


@functools.lru_cache(maxsize=None)
def _make_warp(B, C, D, H, W):
    assert C == 1
    N = D * H * W
    TOTAL = B * N
    HW = H * W
    info = plsc.get_sparse_core_info()
    NW = info.num_cores * info.num_subcores
    wpb = NW // B
    per_w = N // wpb
    CH = 2048
    n_pairs = per_w // (2 * CH)
    assert W & (W - 1) == 0 and H & (H - 1) == 0
    w_sh = W.bit_length() - 1
    hw_sh = HW.bit_length() - 1
    offs = [0, 1, W, W + 1, HW, HW + 1, HW + W, HW + W + 1]

    mesh = plsc.VectorSubcoreMesh(core_axis_name="c", subcore_axis_name="s")

    _set = (
        [pltpu.VMEM((CH,), jnp.float32)] * 3
        + [pltpu.VMEM((CH,), jnp.int32)] * 8
        + [pltpu.VMEM((CH,), jnp.float32)] * 8
    )

    @functools.partial(
        pl.kernel,
        mesh=mesh,
        out_type=jax.ShapeDtypeStruct((TOTAL,), jnp.float32),
        scratch_types=(
            _set + _set
            + [pltpu.VMEM((CH,), jnp.float32)]
            + [pltpu.SemaphoreType.DMA] * 2
        ),
    )
    def warp(vol_hbm, phi_hbm, out_hbm, *scratch):
        sets = (scratch[0:19], scratch[19:38])
        obuf = scratch[38]
        sems = scratch[39:41]
        wid = lax.axis_index("c") * info.num_subcores + lax.axis_index("s")
        b = wid // wpb
        s0 = (wid % wpb) * per_w
        vi = lax.iota(jnp.int32, _LANES)

        def fire(sbase, bufs, sem):
            wbuf, ibuf = bufs[0:3], bufs[3:11]
            for ch3 in range(3):
                pltpu.sync_copy(
                    phi_hbm.at[pl.ds((b * 3 + ch3) * N + sbase, CH)],
                    wbuf[ch3],
                )

            @plsc.parallel_loop(0, CH // _LANES, unroll=4)
            def grp(g):
                o = g * _LANES
                s = sbase + o + vi
                wg = s & (W - 1)
                hg = (s >> w_sh) & (H - 1)
                dg = s >> hw_sh

                def corner(grid_i, pval, lim):
                    cf = grid_i.astype(jnp.float32) + pval
                    cf = jnp.minimum(jnp.maximum(cf, 0.0), float(lim - 1))
                    i0 = jnp.minimum(cf.astype(jnp.int32), lim - 2)
                    return i0, cf - i0.astype(jnp.float32)

                d0, wd = corner(dg, wbuf[0][pl.ds(o, _LANES)], D)
                h0, wh = corner(hg, wbuf[1][pl.ds(o, _LANES)], H)
                w0, ww = corner(wg, wbuf[2][pl.ds(o, _LANES)], W)
                idx0 = b * N + (d0 * H + h0) * W + w0
                for k in range(8):
                    ibuf[k][pl.ds(o, _LANES)] = idx0 + offs[k]
                wbuf[0][pl.ds(o, _LANES)] = wd
                wbuf[1][pl.ds(o, _LANES)] = wh
                wbuf[2][pl.ds(o, _LANES)] = ww

            for k in range(8):
                pltpu.async_copy(vol_hbm.at[ibuf[k]], bufs[11 + k], sem)

        def drain(sbase, bufs, sem):
            wbuf, ibuf, gbuf = bufs[0:3], bufs[3:11], bufs[11:19]
            for k in range(8):
                pltpu.make_async_copy(
                    vol_hbm.at[ibuf[k]], gbuf[k], sem
                ).wait()

            @plsc.parallel_loop(0, CH // _LANES, unroll=4)
            def blend(g):
                o = g * _LANES
                c = [gbuf[k][pl.ds(o, _LANES)] for k in range(8)]
                wd = wbuf[0][pl.ds(o, _LANES)]
                wh = wbuf[1][pl.ds(o, _LANES)]
                ww = wbuf[2][pl.ds(o, _LANES)]
                a00 = c[0] + ww * (c[1] - c[0])
                a01 = c[2] + ww * (c[3] - c[2])
                a10 = c[4] + ww * (c[5] - c[4])
                a11 = c[6] + ww * (c[7] - c[6])
                b0 = a00 + wh * (a01 - a00)
                b1 = a10 + wh * (a11 - a10)
                obuf[pl.ds(o, _LANES)] = b0 + wd * (b1 - b0)

            pltpu.sync_copy(obuf, out_hbm.at[pl.ds(b * N + sbase, CH)])

        def pair_body(pi, _):
            sa = s0 + pi * 2 * CH
            sb = sa + CH
            fire(sb, sets[1], sems[1])
            drain(sa, sets[0], sems[0])

            @pl.when(pi + 1 < n_pairs)
            def _():
                fire(sa + 2 * CH, sets[0], sems[0])

            drain(sb, sets[1], sems[1])

        fire(s0, sets[0], sems[0])
        lax.fori_loop(0, n_pairs, pair_body, None)

    return warp


def kernel(vol, phi):
    B, C, D, H, W = vol.shape
    warp = _make_warp(B, C, D, H, W)
    out = warp(vol.reshape(-1), phi.reshape(-1))
    return out.reshape(B, C, D, H, W)

# --- scband reference (transcript-rebuilt; emitter-appended) ---
"""Pipeline reference for scband-spatial-transformer-pure-45578192945735 (READ-ONLY COPY).

The authoritative reference and input builder live on the scoring server;
editing this copy changes nothing except your own understanding.
"""

import jax, jax.numpy as jnp
import numpy as np

def setup_inputs(seed: int = 0):
    key = jax.random.key(seed)
    k1, k2 = jax.random.split(key)
    vol = jax.random.normal(k1, (2, 1, 128, 128, 128), dtype=jnp.float32)
    phi = jax.random.normal(k2, (2, 3, 128, 128, 128), dtype=jnp.float32)
    return {"vol": vol, "phi": phi}

def _warp(vol, phi):
    B, C, D, H, W = vol.shape
    gd, gh, gw = jnp.meshgrid(jnp.arange(D, dtype=jnp.float32), jnp.arange(H, dtype=jnp.float32), jnp.arange(W, dtype=jnp.float32), indexing='ij')
    identity = jnp.stack([gd, gh, gw], axis=0)[None]
    coords = identity + phi
    # border padding + align_corners=True is equivalent to clamping voxel coords
    d = jnp.clip(coords[:, 0], 0.0, float(D - 1))
    h = jnp.clip(coords[:, 1], 0.0, float(H - 1))
    w = jnp.clip(coords[:, 2], 0.0, float(W - 1))
    d0 = jnp.floor(d); h0 = jnp.floor(h); w0 = jnp.floor(w)
    wd = (d - d0)[:, None]; wh = (h - h0)[:, None]; ww = (w - w0)[:, None]
    d0i = d0.astype(jnp.int32); h0i = h0.astype(jnp.int32); w0i = w0.astype(jnp.int32)
    d1i = jnp.minimum(d0i + 1, D - 1); h1i = jnp.minimum(h0i + 1, H - 1); w1i = jnp.minimum(w0i + 1, W - 1)
    vf = vol.reshape(B, C, D * H * W)
    def gather(di, hi, wi):
        idx = ((di * H + hi) * W + wi).reshape(B, 1, -1)
        g = jnp.take_along_axis(vf, jnp.broadcast_to(idx, (B, C, idx.shape[-1])), axis=2)
        return g.reshape(B, C, D, H, W)
    c000 = gather(d0i, h0i, w0i); c001 = gather(d0i, h0i, w1i)
    c010 = gather(d0i, h1i, w0i); c011 = gather(d0i, h1i, w1i)
    c100 = gather(d1i, h0i, w0i); c101 = gather(d1i, h0i, w1i)
    c110 = gather(d1i, h1i, w0i); c111 = gather(d1i, h1i, w1i)
    out = (c000 * (1 - wd) * (1 - wh) * (1 - ww)
         + c001 * (1 - wd) * (1 - wh) * ww
         + c010 * (1 - wd) * wh * (1 - ww)
         + c011 * (1 - wd) * wh * ww
         + c100 * wd * (1 - wh) * (1 - ww)
         + c101 * wd * (1 - wh) * ww
         + c110 * wd * wh * (1 - ww)
         + c111 * wd * wh * ww)
    return out

def reference(vol, phi):
    return _warp(vol, phi)

if __name__ == "__main__":
    import jax
    _d = setup_inputs()
    print(jax.jit(kernel)(*tuple(_d.values())))

</pallas_src>

<mosaic_0001>
#map = affine_map<(d0, d1) -> (0)>
module attributes {stable_mosaic.version = 14 : i64} {
  func.func @warp(%arg0: i32, %arg1: i32, %arg2: memref<4194304xf32, #tpu.memory_space<hbm>>, %arg3: memref<12582912xf32, #tpu.memory_space<hbm>>, %arg4: memref<4194304xf32, #tpu.memory_space<hbm>>, %arg5: memref<2048xf32, #tpu.memory_space<vmem>>, %arg6: memref<2048xf32, #tpu.memory_space<vmem>>, %arg7: memref<2048xf32, #tpu.memory_space<vmem>>, %arg8: memref<2048xi32, #tpu.memory_space<vmem>>, %arg9: memref<2048xi32, #tpu.memory_space<vmem>>, %arg10: memref<2048xi32, #tpu.memory_space<vmem>>, %arg11: memref<2048xi32, #tpu.memory_space<vmem>>, %arg12: memref<2048xi32, #tpu.memory_space<vmem>>, %arg13: memref<2048xi32, #tpu.memory_space<vmem>>, %arg14: memref<2048xi32, #tpu.memory_space<vmem>>, %arg15: memref<2048xi32, #tpu.memory_space<vmem>>, %arg16: memref<2048xf32, #tpu.memory_space<vmem>>, %arg17: memref<2048xf32, #tpu.memory_space<vmem>>, %arg18: memref<2048xf32, #tpu.memory_space<vmem>>, %arg19: memref<2048xf32, #tpu.memory_space<vmem>>, %arg20: memref<2048xf32, #tpu.memory_space<vmem>>, %arg21: memref<2048xf32, #tpu.memory_space<vmem>>, %arg22: memref<2048xf32, #tpu.memory_space<vmem>>, %arg23: memref<2048xf32, #tpu.memory_space<vmem>>, %arg24: memref<2048xf32, #tpu.memory_space<vmem>>, %arg25: memref<2048xf32, #tpu.memory_space<vmem>>, %arg26: memref<2048xf32, #tpu.memory_space<vmem>>, %arg27: memref<2048xi32, #tpu.memory_space<vmem>>, %arg28: memref<2048xi32, #tpu.memory_space<vmem>>, %arg29: memref<2048xi32, #tpu.memory_space<vmem>>, %arg30: memref<2048xi32, #tpu.memory_space<vmem>>, %arg31: memref<2048xi32, #tpu.memory_space<vmem>>, %arg32: memref<2048xi32, #tpu.memory_space<vmem>>, %arg33: memref<2048xi32, #tpu.memory_space<vmem>>, %arg34: memref<2048xi32, #tpu.memory_space<vmem>>, %arg35: memref<2048xf32, #tpu.memory_space<vmem>>, %arg36: memref<2048xf32, #tpu.memory_space<vmem>>, %arg37: memref<2048xf32, #tpu.memory_space<vmem>>, %arg38: memref<2048xf32, #tpu.memory_space<vmem>>, %arg39: memref<2048xf32, #tpu.memory_space<vmem>>, %arg40: memref<2048xf32, #tpu.memory_space<vmem>>, %arg41: memref<2048xf32, #tpu.memory_space<vmem>>, %arg42: memref<2048xf32, #tpu.memory_space<vmem>>, %arg43: memref<2048xf32, #tpu.memory_space<vmem>>, %arg44: memref<!tpu.dma_semaphore, #tpu.memory_space<semaphore_mem>>, %arg45: memref<!tpu.dma_semaphore, #tpu.memory_space<semaphore_mem>>) attributes {dimension_semantics = [#tpu.dimension_semantics<core_parallel>, #tpu.dimension_semantics<subcore_parallel>], iteration_bounds = array<i64: 2, 16>, scalar_prefetch = 0 : i64, scratch_operands = 41 : i64, tpu.core_type = #tpu.core_type<sc_vector_subcore>, window_params = [{transform_indices = #map}, {transform_indices = #map}, {transform_indices = #map}]} {
    %mul3A = arith.constant 16 : i32
    %mul3A_0 = arith.muli %arg0, %mul3A : i32
    %add3A = arith.addi %mul3A_0, %arg1 : i32
    %jit3A = arith.constant 16 : i32
    %div3A = arith.divsi %add3A, %jit3A : i32
    %sign3A = arith.constant 0 : i32
    %sign3A_1 = arith.cmpi sgt, %add3A, %sign3A : i32
    %sign3A_2 = arith.extui %sign3A_1 : i1 to i32
    %sign3A_3 = arith.constant 0 : i32
    %sign3A_4 = arith.cmpi slt, %add3A, %sign3A_3 : i32
    %sign3A_5 = arith.extui %sign3A_4 : i1 to i32
    %sign3A_6 = arith.subi %sign3A_2, %sign3A_5 : i32
    %sign3A_7 = arith.constant 0 : i32
    %sign3A_8 = arith.cmpi sgt, %jit3A, %sign3A_7 : i32
    %sign3A_9 = arith.extui %sign3A_8 : i1 to i32
    %sign3A_10 = arith.constant 0 : i32
    %sign3A_11 = arith.cmpi slt, %jit3A, %sign3A_10 : i32
    %sign3A_12 = arith.extui %sign3A_11 : i1 to i32
    %sign3A_13 = arith.subi %sign3A_9, %sign3A_12 : i32
    %ne3A = arith.cmpi ne, %sign3A_6, %sign3A_13 : i32
    %rem3A = arith.remsi %add3A, %jit3A : i32
    %ne3A_14 = arith.constant 0 : i32
    %ne3A_15 = arith.cmpi ne, %rem3A, %ne3A_14 : i32
    %and3A = arith.andi %ne3A, %ne3A_15 : i1
    %sub3A = arith.constant 1 : i32
    %sub3A_16 = arith.subi %div3A, %sub3A : i32
    %select_n3A = arith.select %and3A, %sub3A_16, %div3A : i32
    %jit3A_17 = arith.constant 16 : i32
    %eq3A = arith.constant 0 : i32
    %eq3A_18 = arith.cmpi eq, %jit3A_17, %eq3A : i32
    %jit3A_19 = arith.constant 1 : i32
    %select_n3A_20 = arith.select %eq3A_18, %jit3A_19, %jit3A_17 : i32
    %rem3A_21 = arith.remsi %add3A, %select_n3A_20 : i32
    %ne3A_22 = arith.constant 0 : i32
    %ne3A_23 = arith.cmpi ne, %rem3A_21, %ne3A_22 : i32
    %lt3A = arith.constant 0 : i32
    %lt3A_24 = arith.cmpi slt, %rem3A_21, %lt3A : i32
    %lt3A_25 = arith.constant 0 : i32
    %lt3A_26 = arith.cmpi slt, %select_n3A_20, %lt3A_25 : i32
    %ne3A_27 = arith.xori %lt3A_24, %lt3A_26 : i1
    %and3A_28 = arith.andi %ne3A_27, %ne3A_23 : i1
    %add3A_29 = arith.addi %rem3A_21, %select_n3A_20 : i32
    %select_n3A_30 = arith.select %and3A_28, %add3A_29, %rem3A_21 : i32
    %mul3A_31 = arith.constant 131072 : i32
    %mul3A_32 = arith.muli %select_n3A_30, %mul3A_31 : i32
    %iota3A = tpu.iota {dimensions = array<i32: 0>} : vector<16xi32>
    %mul3A_33 = arith.constant 3 : i32
    %mul3A_34 = arith.muli %select_n3A, %mul3A_33 : i32
    %add3A_35 = arith.constant 0 : i32
    %add3A_36 = arith.addi %mul3A_34, %add3A_35 : i32
    %mul3A_37 = arith.constant 2097152 : i32
    %mul3A_38 = arith.muli %add3A_36, %mul3A_37 : i32
    %add3A_39 = arith.addi %mul3A_38, %mul3A_32 : i32
    "tpu.region"() ({
      %run_scoped3A = tpu.sem_alloc : memref<!tpu.dma_semaphore, #tpu.memory_space<semaphore_mem>>
      %dma_start3A_75 = tpu.memref_slice %arg3[%add3A_39] : memref<12582912xf32, #tpu.memory_space<hbm>> -> memref<2048xf32, #tpu.memory_space<hbm>>
      %dma_start3A_76 = tpu.memref_slice %arg3[%add3A_39] : memref<12582912xf32, #tpu.memory_space<hbm>> -> memref<2048xf32, #tpu.memory_space<hbm>>
      tpu.enqueue_dma source(%dma_start3A_76 : memref<2048xf32, #tpu.memory_space<hbm>>) target(%arg5 : memref<2048xf32, #tpu.memory_space<vmem>>) target_semaphore(%run_scoped3A : memref<!tpu.dma_semaphore, #tpu.memory_space<semaphore_mem>>)
      %dma_wait3A = tpu.memref_slice %arg3[%add3A_39] : memref<12582912xf32, #tpu.memory_space<hbm>> -> memref<2048xf32, #tpu.memory_space<hbm>>
      %dma_wait3A_77 = tpu.memref_slice %arg3[%add3A_39] : memref<12582912xf32, #tpu.memory_space<hbm>> -> memref<2048xf32, #tpu.memory_space<hbm>>
      tpu.wait_dma2 semaphore(%run_scoped3A : memref<!tpu.dma_semaphore, #tpu.memory_space<semaphore_mem>>) src(%dma_wait3A_77 : memref<2048xf32, #tpu.memory_space<hbm>>) dst(%arg5 : memref<2048xf32, #tpu.memory_space<vmem>>)
      tpu.yield
    }) : () -> ()
    %mul3A_40 = arith.constant 3 : i32
    %mul3A_41 = arith.muli %select_n3A, %mul3A_40 : i32
    %add3A_42 = arith.constant 1 : i32
    %add3A_43 = arith.addi %mul3A_41, %add3A_42 : i32
    %mul3A_44 = arith.constant 2097152 : i32
    %mul3A_45 = arith.muli %add3A_43, %mul3A_44 : i32
    %add3A_46 = arith.addi %mul3A_45, %mul3A_32 : i32
    "tpu.region"() ({
      %run_scoped3A = tpu.sem_alloc : memref<!tpu.dma_semaphore, #tpu.memory_space<semaphore_mem>>
      %dma_start3A_75 = tpu.memref_slice %arg3[%add3A_46] : memref<12582912xf32, #tpu.memory_space<hbm>> -> memref<2048xf32, #tpu.memory_space<hbm>>
      %dma_start3A_76 = tpu.memref_slice %arg3[%add3A_46] : memref<12582912xf32, #tpu.memory_space<hbm>> -> memref<2048xf32, #tpu.memory_space<hbm>>
      tpu.enqueue_dma source(%dma_start3A_76 : memref<2048xf32, #tpu.memory_space<hbm>>) target(%arg6 : memref<2048xf32, #tpu.memory_space<vmem>>) target_semaphore(%run_scoped3A : memref<!tpu.dma_semaphore, #tpu.memory_space<semaphore_mem>>)
      %dma_wait3A = tpu.memref_slice %arg3[%add3A_46] : memref<12582912xf32, #tpu.memory_space<hbm>> -> memref<2048xf32, #tpu.memory_space<hbm>>
      %dma_wait3A_77 = tpu.memref_slice %arg3[%add3A_46] : memref<12582912xf32, #tpu.memory_space<hbm>> -> memref<2048xf32, #tpu.memory_space<hbm>>
      tpu.wait_dma2 semaphore(%run_scoped3A : memref<!tpu.dma_semaphore, #tpu.memory_space<semaphore_mem>>) src(%dma_wait3A_77 : memref<2048xf32, #tpu.memory_space<hbm>>) dst(%arg6 : memref<2048xf32, #tpu.memory_space<vmem>>)
      tpu.yield
    }) : () -> ()
    %mul3A_47 = arith.constant 3 : i32
    %mul3A_48 = arith.muli %select_n3A, %mul3A_47 : i32
    %add3A_49 = arith.constant 2 : i32
    %add3A_50 = arith.addi %mul3A_48, %add3A_49 : i32
    %mul3A_51 = arith.constant 2097152 : i32
    %mul3A_52 = arith.muli %add3A_50, %mul3A_51 : i32
    %add3A_53 = arith.addi %mul3A_52, %mul3A_32 : i32
    "tpu.region"() ({
      %run_scoped3A = tpu.sem_alloc : memref<!tpu.dma_semaphore, #tpu.memory_space<semaphore_mem>>
      %dma_start3A_75 = tpu.memref_slice %arg3[%add3A_53] : memref<12582912xf32, #tpu.memory_space<hbm>> -> memref<2048xf32, #tpu.memory_space<hbm>>
      %dma_start3A_76 = tpu.memref_slice %arg3[%add3A_53] : memref<12582912xf32, #tpu.memory_space<hbm>> -> memref<2048xf32, #tpu.memory_space<hbm>>
      tpu.enqueue_dma source(%dma_start3A_76 : memref<2048xf32, #tpu.memory_space<hbm>>) target(%arg7 : memref<2048xf32, #tpu.memory_space<vmem>>) target_semaphore(%run_scoped3A : memref<!tpu.dma_semaphore, #tpu.memory_space<semaphore_mem>>)
      %dma_wait3A = tpu.memref_slice %arg3[%add3A_53] : memref<12582912xf32, #tpu.memory_space<hbm>> -> memref<2048xf32, #tpu.memory_space<hbm>>
      %dma_wait3A_77 = tpu.memref_slice %arg3[%add3A_53] : memref<12582912xf32, #tpu.memory_space<hbm>> -> memref<2048xf32, #tpu.memory_space<hbm>>
      tpu.wait_dma2 semaphore(%run_scoped3A : memref<!tpu.dma_semaphore, #tpu.memory_space<semaphore_mem>>) src(%dma_wait3A_77 : memref<2048xf32, #tpu.memory_space<hbm>>) dst(%arg7 : memref<2048xf32, #tpu.memory_space<vmem>>)
      tpu.yield
    }) : () -> ()
    %parallel_loop3A = arith.constant 0 : i32
    %parallel_loop3A_54 = arith.constant 128 : i32
    %parallel_loop3A_55 = arith.constant 1 : i32
    scf.for %parallel_loop3A_75 = %parallel_loop3A to %parallel_loop3A_54 step %parallel_loop3A_55  : i32 {
      %parallel_loop3A_76 = arith.constant 16 : i32
      %parallel_loop3A_77 = arith.muli %parallel_loop3A_75, %parallel_loop3A_76 : i32
      %parallel_loop3A_78 = arith.addi %mul3A_32, %parallel_loop3A_77 : i32
      %parallel_loop3A_79 = vector.broadcast %parallel_loop3A_78 : i32 to vector<16xi32>
      %parallel_loop3A_80 = arith.addi %parallel_loop3A_79, %iota3A : vector<16xi32>
      %parallel_loop3A_81 = arith.constant 127 : i32
      %parallel_loop3A_82 = vector.broadcast %parallel_loop3A_81 : i32 to vector<16xi32>
      %parallel_loop3A_83 = arith.andi %parallel_loop3A_80, %parallel_loop3A_82 : vector<16xi32>
      %parallel_loop3A_84 = arith.constant 7 : i32
      %parallel_loop3A_85 = vector.broadcast %parallel_loop3A_84 : i32 to vector<16xi32>
      %parallel_loop3A_86 = arith.shrsi %parallel_loop3A_80, %parallel_loop3A_85 : vector<16xi32>
      %parallel_loop3A_87 = arith.constant 127 : i32
      %parallel_loop3A_88 = vector.broadcast %parallel_loop3A_87 : i32 to vector<16xi32>
      %parallel_loop3A_89 = arith.andi %parallel_loop3A_86, %parallel_loop3A_88 : vector<16xi32>
      %parallel_loop3A_90 = arith.constant 14 : i32
      %parallel_loop3A_91 = vector.broadcast %parallel_loop3A_90 : i32 to vector<16xi32>
      %parallel_loop3A_92 = arith.shrsi %parallel_loop3A_80, %parallel_loop3A_91 : vector<16xi32>
      %parallel_loop3A_93 = arith.index_cast %parallel_loop3A_77 : i32 to index
      %parallel_loop3A_94 = tpu.vector_load %arg5[%parallel_loop3A_93] {strides = array<i32>} : memref<2048xf32, #tpu.memory_space<vmem>>, vector<16xf32>,
      %parallel_loop3A_95 = vector.shape_cast %parallel_loop3A_94 : vector<16xf32> to vector<16xf32>
      %parallel_loop3A_96 = arith.sitofp %parallel_loop3A_92 : vector<16xi32> to vector<16xf32>
      %parallel_loop3A_97 = arith.addf %parallel_loop3A_96, %parallel_loop3A_95 : vector<16xf32>
      %parallel_loop3A_98 = arith.constant 0.000000e+00 : f32
      %parallel_loop3A_99 = vector.broadcast %parallel_loop3A_98 : f32 to vector<16xf32>
      %parallel_loop3A_100 = arith.maximumf %parallel_loop3A_97, %parallel_loop3A_99 : vector<16xf32>
      %parallel_loop3A_101 = arith.constant 1.270000e+02 : f32
      %parallel_loop3A_102 = vector.broadcast %parallel_loop3A_101 : f32 to vector<16xf32>
      %parallel_loop3A_103 = arith.minimumf %parallel_loop3A_100, %parallel_loop3A_102 : vector<16xf32>
      %parallel_loop3A_104 = arith.fptosi %parallel_loop3A_103 : vector<16xf32> to vector<16xi32>
      %parallel_loop3A_105 = arith.constant 126 : i32
      %parallel_loop3A_106 = vector.broadcast %parallel_loop3A_105 : i32 to vector<16xi32>
      %parallel_loop3A_107 = arith.minsi %parallel_loop3A_104, %parallel_loop3A_106 : vector<16xi32>
      %parallel_loop3A_108 = arith.sitofp %parallel_loop3A_107 : vector<16xi32> to vector<16xf32>
      %parallel_loop3A_109 = arith.subf %parallel_loop3A_103, %parallel_loop3A_108 : vector<16xf32>
      %parallel_loop3A_110 = arith.index_cast %parallel_loop3A_77 : i32 to index
      %parallel_loop3A_111 = tpu.vector_load %arg6[%parallel_loop3A_110] {strides = array<i32>} : memref<2048xf32, #tpu.memory_space<vmem>>, vector<16xf32>,
      %parallel_loop3A_112 = vector.shape_cast %parallel_loop3A_111 : vector<16xf32> to vector<16xf32>
      %parallel_loop3A_113 = arith.sitofp %parallel_loop3A_89 : vector<16xi32> to vector<16xf32>
      %parallel_loop3A_114 = arith.addf %parallel_loop3A_113, %parallel_loop3A_112 : vector<16xf32>
      %parallel_loop3A_115 = arith.constant 0.000000e+00 : f32
      %parallel_loop3A_116 = vector.broadcast %parallel_loop3A_115 : f32 to vector<16xf32>
      %parallel_loop3A_117 = arith.maximumf %parallel_loop3A_114, %parallel_loop3A_116 : vector<16xf32>
      %parallel_loop3A_118 = arith.constant 1.270000e+02 : f32
      %parallel_loop3A_119 = vector.broadcast %parallel_loop3A_118 : f32 to vector<16xf32>
      %parallel_loop3A_120 = arith.minimumf %parallel_loop3A_117, %parallel_loop3A_119 : vector<16xf32>
      %parallel_loop3A_121 = arith.fptosi %parallel_loop3A_120 : vector<16xf32> to vector<16xi32>
      %parallel_loop3A_122 = arith.constant 126 : i32
      %parallel_loop3A_123 = vector.broadcast %parallel_loop3A_122 : i32 to vector<16xi32>
      %parallel_loop3A_124 = arith.minsi %parallel_loop3A_121, %parallel_loop3A_123 : vector<16xi32>
      %parallel_loop3A_125 = arith.sitofp %parallel_loop3A_124 : vector<16xi32> to vector<16xf32>
      %parallel_loop3A_126 = arith.subf %parallel_loop3A_120, %parallel_loop3A_125 : vector<16xf32>
      %parallel_loop3A_127 = arith.index_cast %parallel_loop3A_77 : i32 to index
      %parallel_loop3A_128 = tpu.vector_load %arg7[%parallel_loop3A_127] {strides = array<i32>} : memref<2048xf32, #tpu.memory_space<vmem>>, vector<16xf32>,
      %parallel_loop3A_129 = vector.shape_cast %parallel_loop3A_128 : vector<16xf32> to vector<16xf32>
      %parallel_loop3A_130 = arith.sitofp %parallel_loop3A_83 : vector<16xi32> to vector<16xf32>
      %parallel_loop3A_131 = arith.addf %parallel_loop3A_130, %parallel_loop3A_129 : vector<16xf32>
      %parallel_loop3A_132 = arith.constant 0.000000e+00 : f32
      %parallel_loop3A_133 = vector.broadcast %parallel_loop3A_132 : f32 to vector<16xf32>
      %parallel_loop3A_134 = arith.maximumf %parallel_loop3A_131, %parallel_loop3A_133 : vector<16xf32>
      %parallel_loop3A_135 = arith.constant 1.270000e+02 : f32
      %parallel_loop3A_136 = vector.broadcast %parallel_loop3A_135 : f32 to vector<16xf32>
      %parallel_loop3A_137 = arith.minimumf %parallel_loop3A_134, %parallel_loop3A_136 : vector<16xf32>
      %parallel_loop3A_138 = arith.fptosi %parallel_loop3A_137 : vector<16xf32> to vector<16xi32>
      %parallel_loop3A_139 = arith.constant 126 : i32
      %parallel_loop3A_140 = vector.broadcast %parallel_loop3A_139 : i32 to vector<16xi32>
      %parallel_loop3A_141 = arith.minsi %parallel_loop3A_138, %parallel_loop3A_140 : vector<16xi32>
      %parallel_loop3A_142 = arith.sitofp %parallel_loop3A_141 : vector<16xi32> to vector<16xf32>
      %parallel_loop3A_143 = arith.subf %parallel_loop3A_137, %parallel_loop3A_142 : vector<16xf32>
      %parallel_loop3A_144 = arith.constant 2097152 : i32
      %parallel_loop3A_145 = arith.muli %select_n3A, %parallel_loop3A_144 : i32
      %parallel_loop3A_146 = arith.constant 128 : i32
      %parallel_loop3A_147 = vector.broadcast %parallel_loop3A_146 : i32 to vector<16xi32>
      %parallel_loop3A_148 = arith.muli %parallel_loop3A_107, %parallel_loop3A_147 : vector<16xi32>
      %parallel_loop3A_149 = arith.addi %parallel_loop3A_148, %parallel_loop3A_124 : vector<16xi32>
      %parallel_loop3A_150 = arith.constant 128 : i32
      %parallel_loop3A_151 = vector.broadcast %parallel_loop3A_150 : i32 to vector<16xi32>
      %parallel_loop3A_152 = arith.muli %parallel_loop3A_149, %parallel_loop3A_151 : vector<16xi32>
      %parallel_loop3A_153 = vector.broadcast %parallel_loop3A_145 : i32 to vector<16xi32>
      %parallel_loop3A_154 = arith.addi %parallel_loop3A_153, %parallel_loop3A_152 : vector<16xi32>
      %parallel_loop3A_155 = arith.addi %parallel_loop3A_154, %parallel_loop3A_141 : vector<16xi32>
      %parallel_loop3A_156 = arith.constant 0 : i32
      %parallel_loop3A_157 = vector.broadcast %parallel_loop3A_156 : i32 to vector<16xi32>
      %parallel_loop3A_158 = arith.addi %parallel_loop3A_155, %parallel_loop3A_157 : vector<16xi32>
      %parallel_loop3A_159 = arith.index_cast %parallel_loop3A_77 : i32 to index
      %parallel_loop3A_160 = tpu.vector_load %arg8[%parallel_loop3A_159] {strides = array<i32>} : memref<2048xi32, #tpu.memory_space<vmem>>, vector<16xi32>,
      %parallel_loop3A_161 = vector.shape_cast %parallel_loop3A_160 : vector<16xi32> to vector<16xi32>
      %parallel_loop3A_162 = vector.shape_cast %parallel_loop3A_158 : vector<16xi32> to vector<16xi32>
      tpu.vector_store %arg8[%parallel_loop3A_159], %parallel_loop3A_162 {strides = array<i32>} : memref<2048xi32, #tpu.memory_space<vmem>>, vector<16xi32>,
      %parallel_loop3A_163 = arith.constant 1 : i32
      %parallel_loop3A_164 = vector.broadcast %parallel_loop3A_163 : i32 to vector<16xi32>
      %parallel_loop3A_165 = arith.addi %parallel_loop3A_155, %parallel_loop3A_164 : vector<16xi32>
      %parallel_loop3A_166 = arith.index_cast %parallel_loop3A_77 : i32 to index
      %parallel_loop3A_167 = tpu.vector_load %arg9[%parallel_loop3A_166] {strides = array<i32>} : memref<2048xi32, #tpu.memory_space<vmem>>, vector<16xi32>,
      %parallel_loop3A_168 = vector.shape_cast %parallel_loop3A_167 : vector<16xi32> to vector<16xi32>
      %parallel_loop3A_169 = vector.shape_cast %parallel_loop3A_165 : vector<16xi32> to vector<16xi32>
      tpu.vector_store %arg9[%parallel_loop3A_166], %parallel_loop3A_169 {strides = array<i32>} : memref<2048xi32, #tpu.memory_space<vmem>>, vector<16xi32>,
      %parallel_loop3A_170 = arith.constant 128 : i32
      %parallel_loop3A_171 = vector.broadcast %parallel_loop3A_170 : i32 to vector<16xi32>
      %parallel_loop3A_172 = arith.addi %parallel_loop3A_155, %parallel_loop3A_171 : vector<16xi32>
      %parallel_loop3A_173 = arith.index_cast %parallel_loop3A_77 : i32 to index
      %parallel_loop3A_174 = tpu.vector_load %arg10[%parallel_loop3A_173] {strides = array<i32>} : memref<2048xi32, #tpu.memory_space<vmem>>, vector<16xi32>,
      %parallel_loop3A_175 = vector.shape_cast %parallel_loop3A_174 : vector<16xi32> to vector<16xi32>
      %parallel_loop3A_176 = vector.shape_cast %parallel_loop3A_172 : vector<16xi32> to vector<16xi32>
      tpu.vector_store %arg10[%parallel_loop3A_173], %parallel_loop3A_176 {strides = array<i32>} : memref<2048xi32, #tpu.memory_space<vmem>>, vector<16xi32>,
      %parallel_loop3A_177 = arith.constant 129 : i32
      %parallel_loop3A_178 = vector.broadcast %parallel_loop3A_177 : i32 to vector<16xi32>
      %parallel_loop3A_179 = arith.addi %parallel_loop3A_155, %parallel_loop3A_178 : vector<16xi32>
      %parallel_loop3A_180 = arith.index_cast %parallel_loop3A_77 : i32 to index
      %parallel_loop3A_181 = tpu.vector_load %arg11[%parallel_loop3A_180] {strides = array<i32>} : memref<2048xi32, #tpu.memory_space<vmem>>, vector<16xi32>,
      %parallel_loop3A_182 = vector.shape_cast %parallel_loop3A_181 : vector<16xi32> to vector<16xi32>
      %parallel_loop3A_183 = vector.shape_cast %parallel_loop3A_179 : vector<16xi32> to vector<16xi32>
      tpu.vector_store %arg11[%parallel_loop3A_180], %parallel_loop3A_183 {strides = array<i32>} : memref<2048xi32, #tpu.memory_space<vmem>>, vector<16xi32>,
      %parallel_loop3A_184 = arith.constant 16384 : i32
      %parallel_loop3A_185 = vector.broadcast %parallel_loop3A_184 : i32 to vector<16xi32>
      %parallel_loop3A_186 = arith.addi %parallel_loop3A_155, %parallel_loop3A_185 : vector<16xi32>
      %parallel_loop3A_187 = arith.index_cast %parallel_loop3A_77 : i32 to index
      %parallel_loop3A_188 = tpu.vector_load %arg12[%parallel_loop3A_187] {strides = array<i32>} : memref<2048xi32, #tpu.memory_space<vmem>>, vector<16xi32>,
      %parallel_loop3A_189 = vector.shape_cast %parallel_loop3A_188 : vector<16xi32> to vector<16xi32>
      %parallel_loop3A_190 = vector.shape_cast %parallel_loop3A_186 : vector<16xi32> to vector<16xi32>
      tpu.vector_store %arg12[%parallel_loop3A_187], %parallel_loop3A_190 {strides = array<i32>} : memref<2048xi32, #tpu.memory_space<vmem>>, vector<16xi32>,
      %parallel_loop3A_191 = arith.constant 16385 : i32
      %parallel_loop3A_192 = vector.broadcast %parallel_loop3A_191 : i32 to vector<16xi32>
      %parallel_loop3A_193 = arith.addi %parallel_loop3A_155, %parallel_loop3A_192 : vector<16xi32>
      %parallel_loop3A_194 = arith.index_cast %parallel_loop3A_77 : i32 to index
      %parallel_loop3A_195 = tpu.vector_load %arg13[%parallel_loop3A_194] {strides = array<i32>} : memref<2048xi32, #tpu.memory_space<vmem>>, vector<16xi32>,
      %parallel_loop3A_196 = vector.shape_cast %parallel_loop3A_195 : vector<16xi32> to vector<16xi32>
      %parallel_loop3A_197 = vector.shape_cast %parallel_loop3A_193 : vector<16xi32> to vector<16xi32>
      tpu.vector_store %arg13[%parallel_loop3A_194], %parallel_loop3A_197 {strides = array<i32>} : memref<2048xi32, #tpu.memory_space<vmem>>, vector<16xi32>,
      %parallel_loop3A_198 = arith.constant 16512 : i32
      %parallel_loop3A_199 = vector.broadcast %parallel_loop3A_198 : i32 to vector<16xi32>
      %parallel_loop3A_200 = arith.addi %parallel_loop3A_155, %parallel_loop3A_199 : vector<16xi32>
      %parallel_loop3A_201 = arith.index_cast %parallel_loop3A_77 : i32 to index
      %parallel_loop3A_202 = tpu.vector_load %arg14[%parallel_loop3A_201] {strides = array<i32>} : memref<2048xi32, #tpu.memory_space<vmem>>, vector<16xi32>,
      %parallel_loop3A_203 = vector.shape_cast %parallel_loop3A_202 : vector<16xi32> to vector<16xi32>
      %parallel_loop3A_204 = vector.shape_cast %parallel_loop3A_200 : vector<16xi32> to vector<16xi32>
      tpu.vector_store %arg14[%parallel_loop3A_201], %parallel_loop3A_204 {strides = array<i32>} : memref<2048xi32, #tpu.memory_space<vmem>>, vector<16xi32>,
      %parallel_loop3A_205 = arith.constant 16513 : i32
      %parallel_loop3A_206 = vector.broadcast %parallel_loop3A_205 : i32 to vector<16xi32>
      %parallel_loop3A_207 = arith.addi %parallel_loop3A_155, %parallel_loop3A_206 : vector<16xi32>
      %parallel_loop3A_208 = arith.index_cast %parallel_loop3A_77 : i32 to index
      %parallel_loop3A_209 = tpu.vector_load %arg15[%parallel_loop3A_208] {strides = array<i32>} : memref<2048xi32, #tpu.memory_space<vmem>>, vector<16xi32>,
      %parallel_loop3A_210 = vector.shape_cast %parallel_loop3A_209 : vector<16xi32> to vector<16xi32>
      %parallel_loop3A_211 = vector.shape_cast %parallel_loop3A_207 : vector<16xi32> to vector<16xi32>
      tpu.vector_store %arg15[%parallel_loop3A_208], %parallel_loop3A_211 {strides = array<i32>} : memref<2048xi32, #tpu.memory_space<vmem>>, vector<16xi32>,
      %parallel_loop3A_212 = arith.index_cast %parallel_loop3A_77 : i32 to index
      %parallel_loop3A_213 = tpu.vector_load %arg5[%parallel_loop3A_212] {strides = array<i32>} : memref<2048xf32, #tpu.memory_space<vmem>>, vector<16xf32>,
      %parallel_loop3A_214 = vector.shape_cast %parallel_loop3A_213 : vector<16xf32> to vector<16xf32>
      %parallel_loop3A_215 = vector.shape_cast %parallel_loop3A_109 : vector<16xf32> to vector<16xf32>
      tpu.vector_store %arg5[%parallel_loop3A_212], %parallel_loop3A_215 {strides = array<i32>} : memref<2048xf32, #tpu.memory_space<vmem>>, vector<16xf32>,
      %parallel_loop3A_216 = arith.index_cast %parallel_loop3A_77 : i32 to index
      %parallel_loop3A_217 = tpu.vector_load %arg6[%parallel_loop3A_216] {strides = array<i32>} : memref<2048xf32, #tpu.memory_space<vmem>>, vector<16xf32>,
      %parallel_loop3A_218 = vector.shape_cast %parallel_loop3A_217 : vector<16xf32> to vector<16xf32>
      %parallel_loop3A_219 = vector.shape_cast %parallel_loop3A_126 : vector<16xf32> to vector<16xf32>
      tpu.vector_store %arg6[%parallel_loop3A_216], %parallel_loop3A_219 {strides = array<i32>} : memref<2048xf32, #tpu.memory_space<vmem>>, vector<16xf32>,
      %parallel_loop3A_220 = arith.index_cast %parallel_loop3A_77 : i32 to index
      %parallel_loop3A_221 = tpu.vector_load %arg7[%parallel_loop3A_220] {strides = array<i32>} : memref<2048xf32, #tpu.memory_space<vmem>>, vector<16xf32>,
      %parallel_loop3A_222 = vector.shape_cast %parallel_loop3A_221 : vector<16xf32> to vector<16xf32>
      %parallel_loop3A_223 = vector.shape_cast %parallel_loop3A_143 : vector<16xf32> to vector<16xf32>
      tpu.vector_store %arg7[%parallel_loop3A_220], %parallel_loop3A_223 {strides = array<i32>} : memref<2048xf32, #tpu.memory_space<vmem>>, vector<16xf32>,
    } {sc.loop_unroll_factor = 4 : i64, sc.parallel_access}
    %dma_start3A = arith.constant 0 : i32
    %dma_start3A_56 = tpu.memref_slice %arg2[%dma_start3A] : memref<4194304xf32, #tpu.memory_space<hbm>> -> memref<4194304xf32, #tpu.memory_space<hbm>>
    tpu.enqueue_indirect_dma source(%dma_start3A_56 : memref<4194304xf32, #tpu.memory_space<hbm>>) target(%arg16 : memref<2048xf32, #tpu.memory_space<vmem>>) offsets(%arg8 : memref<2048xi32, #tpu.memory_space<vmem>>) semaphore(%arg44 : memref<!tpu.dma_semaphore, #tpu.memory_space<semaphore_mem>>)
    %dma_start3A_57 = arith.constant 0 : i32
    %dma_start3A_58 = tpu.memref_slice %arg2[%dma_start3A_57] : memref<4194304xf32, #tpu.memory_space<hbm>> -> memref<4194304xf32, #tpu.memory_space<hbm>>
    tpu.enqueue_indirect_dma source(%dma_start3A_58 : memref<4194304xf32, #tpu.memory_space<hbm>>) target(%arg17 : memref<2048xf32, #tpu.memory_space<vmem>>) offsets(%arg9 : memref<2048xi32, #tpu.memory_space<vmem>>) semaphore(%arg44 : memref<!tpu.dma_semaphore, #tpu.memory_space<semaphore_mem>>)
    %dma_start3A_59 = arith.constant 0 : i32
    %dma_start3A_60 = tpu.memref_slice %arg2[%dma_start3A_59] : memref<4194304xf32, #tpu.memory_space<hbm>> -> memref<4194304xf32, #tpu.memory_space<hbm>>
    tpu.enqueue_indirect_dma source(%dma_start3A_60 : memref<4194304xf32, #tpu.memory_space<hbm>>) target(%arg18 : memref<2048xf32, #tpu.memory_space<vmem>>) offsets(%arg10 : memref<2048xi32, #tpu.memory_space<vmem>>) semaphore(%arg44 : memref<!tpu.dma_semaphore, #tpu.memory_space<semaphore_mem>>)
    %dma_start3A_61 = arith.constant 0 : i32
    %dma_start3A_62 = tpu.memref_slice %arg2[%dma_start3A_61] : memref<4194304xf32, #tpu.memory_space<hbm>> -> memref<4194304xf32, #tpu.memory_space<hbm>>
    tpu.enqueue_indirect_dma source(%dma_start3A_62 : memref<4194304xf32, #tpu.memory_space<hbm>>) target(%arg19 : memref<2048xf32, #tpu.memory_space<vmem>>) offsets(%arg11 : memref<2048xi32, #tpu.memory_space<vmem>>) semaphore(%arg44 : memref<!tpu.dma_semaphore, #tpu.memory_space<semaphore_mem>>)
    %dma_start3A_63 = arith.constant 0 : i32
    %dma_start3A_64 = tpu.memref_slice %arg2[%dma_start3A_63] : memref<4194304xf32, #tpu.memory_space<hbm>> -> memref<4194304xf32, #tpu.memory_space<hbm>>
    tpu.enqueue_indirect_dma source(%dma_start3A_64 : memref<4194304xf32, #tpu.memory_space<hbm>>) target(%arg20 : memref<2048xf32, #tpu.memory_space<vmem>>) offsets(%arg12 : memref<2048xi32, #tpu.memory_space<vmem>>) semaphore(%arg44 : memref<!tpu.dma_semaphore, #tpu.memory_space<semaphore_mem>>)
    %dma_start3A_65 = arith.constant 0 : i32
    %dma_start3A_66 = tpu.memref_slice %arg2[%dma_start3A_65] : memref<4194304xf32, #tpu.memory_space<hbm>> -> memref<4194304xf32, #tpu.memory_space<hbm>>
    tpu.enqueue_indirect_dma source(%dma_start3A_66 : memref<4194304xf32, #tpu.memory_space<hbm>>) target(%arg21 : memref<2048xf32, #tpu.memory_space<vmem>>) offsets(%arg13 : memref<2048xi32, #tpu.memory_space<vmem>>) semaphore(%arg44 : memref<!tpu.dma_semaphore, #tpu.memory_space<semaphore_mem>>)
    %dma_start3A_67 = arith.constant 0 : i32
    %dma_start3A_68 = tpu.memref_slice %arg2[%dma_start3A_67] : memref<4194304xf32, #tpu.memory_space<hbm>> -> memref<4194304xf32, #tpu.memory_space<hbm>>
    tpu.enqueue_indirect_dma source(%dma_start3A_68 : memref<4194304xf32, #tpu.memory_space<hbm>>) target(%arg22 : memref<2048xf32, #tpu.memory_space<vmem>>) offsets(%arg14 : memref<2048xi32, #tpu.memory_space<vmem>>) semaphore(%arg44 : memref<!tpu.dma_semaphore, #tpu.memory_space<semaphore_mem>>)
    %dma_start3A_69 = arith.constant 0 : i32
    %dma_start3A_70 = tpu.memref_slice %arg2[%dma_start3A_69] : memref<4194304xf32, #tpu.memory_space<hbm>> -> memref<4194304xf32, #tpu.memory_space<hbm>>
    tpu.enqueue_indirect_dma source(%dma_start3A_70 : memref<4194304xf32, #tpu.memory_space<hbm>>) target(%arg23 : memref<2048xf32, #tpu.memory_space<vmem>>) offsets(%arg15 : memref<2048xi32, #tpu.memory_space<vmem>>) semaphore(%arg44 : memref<!tpu.dma_semaphore, #tpu.memory_space<semaphore_mem>>)
    %scan3A = arith.constant 0 : i32
    %scan3A_71 = arith.constant 32 : i32
    %scan3A_72 = arith.addi %scan3A, %scan3A_71 : i32
    %scan3A_73 = arith.constant 1 : i32
    scf.for %scan3A_75 = %scan3A to %scan3A_72 step %scan3A_73  : i32 {
      %mul3A_76 = arith.constant 2 : i32
      %mul3A_77 = arith.muli %scan3A_75, %mul3A_76 : i32
      %mul3A_78 = arith.constant 2048 : i32
      %mul3A_79 = arith.muli %mul3A_77, %mul3A_78 : i32
      %add3A_80 = arith.addi %mul3A_32, %mul3A_79 : i32
      %add3A_81 = arith.constant 2048 : i32
      %add3A_82 = arith.addi %add3A_80, %add3A_81 : i32
      %mul3A_83 = arith.constant 3 : i32
      %mul3A_84 = arith.muli %select_n3A, %mul3A_83 : i32
      %add3A_85 = arith.constant 0 : i32
      %add3A_86 = arith.addi %mul3A_84, %add3A_85 : i32
      %mul3A_87 = arith.constant 2097152 : i32
      %mul3A_88 = arith.muli %add3A_86, %mul3A_87 : i32
      %add3A_89 = arith.addi %mul3A_88, %add3A_82 : i32
      "tpu.region"() ({
        %run_scoped3A = tpu.sem_alloc : memref<!tpu.dma_semaphore, #tpu.memory_space<semaphore_mem>>
        %dma_start3A_171 = tpu.memref_slice %arg3[%add3A_89] : memref<12582912xf32, #tpu.memory_space<hbm>> -> memref<2048xf32, #tpu.memory_space<hbm>>
        %dma_start3A_172 = tpu.memref_slice %arg3[%add3A_89] : memref<12582912xf32, #tpu.memory_space<hbm>> -> memref<2048xf32, #tpu.memory_space<hbm>>
        tpu.enqueue_dma source(%dma_start3A_172 : memref<2048xf32, #tpu.memory_space<hbm>>) target(%arg24 : memref<2048xf32, #tpu.memory_space<vmem>>) target_semaphore(%run_scoped3A : memref<!tpu.dma_semaphore, #tpu.memory_space<semaphore_mem>>)
        %dma_wait3A_173 = tpu.memref_slice %arg3[%add3A_89] : memref<12582912xf32, #tpu.memory_space<hbm>> -> memref<2048xf32, #tpu.memory_space<hbm>>
        %dma_wait3A_174 = tpu.memref_slice %arg3[%add3A_89] : memref<12582912xf32, #tpu.memory_space<hbm>> -> memref<2048xf32, #tpu.memory_space<hbm>>
        tpu.wait_dma2 semaphore(%run_scoped3A : memref<!tpu.dma_semaphore, #tpu.memory_space<semaphore_mem>>) src(%dma_wait3A_174 : memref<2048xf32, #tpu.memory_space<hbm>>) dst(%arg24 : memref<2048xf32, #tpu.memory_space<vmem>>)
        tpu.yield
      }) : () -> ()
      %mul3A_90 = arith.constant 3 : i32
      %mul3A_91 = arith.muli %select_n3A, %mul3A_90 : i32
      %add3A_92 = arith.constant 1 : i32
      %add3A_93 = arith.addi %mul3A_91, %add3A_92 : i32
      %mul3A_94 = arith.constant 2097152 : i32
      %mul3A_95 = arith.muli %add3A_93, %mul3A_94 : i32
      %add3A_96 = arith.addi %mul3A_95, %add3A_82 : i32
      "tpu.region"() ({
        %run_scoped3A = tpu.sem_alloc : memref<!tpu.dma_semaphore, #tpu.memory_space<semaphore_mem>>
        %dma_start3A_171 = tpu.memref_slice %arg3[%add3A_96] : memref<12582912xf32, #tpu.memory_space<hbm>> -> memref<2048xf32, #tpu.memory_space<hbm>>
        %dma_start3A_172 = tpu.memref_slice %arg3[%add3A_96] : memref<12582912xf32, #tpu.memory_space<hbm>> -> memref<2048xf32, #tpu.memory_space<hbm>>
        tpu.enqueue_dma source(%dma_start3A_172 : memref<2048xf32, #tpu.memory_space<hbm>>) target(%arg25 : memref<2048xf32, #tpu.memory_space<vmem>>) target_semaphore(%run_scoped3A : memref<!tpu.dma_semaphore, #tpu.memory_space<semaphore_mem>>)
        %dma_wait3A_173 = tpu.memref_slice %arg3[%add3A_96] : memref<12582912xf32, #tpu.memory_space<hbm>> -> memref<2048xf32, #tpu.memory_space<hbm>>
        %dma_wait3A_174 = tpu.memref_slice %arg3[%add3A_96] : memref<12582912xf32, #tpu.memory_space<hbm>> -> memref<2048xf32, #tpu.memory_space<hbm>>
        tpu.wait_dma2 semaphore(%run_scoped3A : memref<!tpu.dma_semaphore, #tpu.memory_space<semaphore_mem>>) src(%dma_wait3A_174 : memref<2048xf32, #tpu.memory_space<hbm>>) dst(%arg25 : memref<2048xf32, #tpu.memory_space<vmem>>)
        tpu.yield
      }) : () -> ()
      %mul3A_97 = arith.constant 3 : i32
      %mul3A_98 = arith.muli %select_n3A, %mul3A_97 : i32
      %add3A_99 = arith.constant 2 : i32
      %add3A_100 = arith.addi %mul3A_98, %add3A_99 : i32
      %mul3A_101 = arith.constant 2097152 : i32
      %mul3A_102 = arith.muli %add3A_100, %mul3A_101 : i32
      %add3A_103 = arith.addi %mul3A_102, %add3A_82 : i32
      "tpu.region"() ({
        %run_scoped3A = tpu.sem_alloc : memref<!tpu.dma_semaphore, #tpu.memory_space<semaphore_mem>>
        %dma_start3A_171 = tpu.memref_slice %arg3[%add3A_103] : memref<12582912xf32, #tpu.memory_space<hbm>> -> memref<2048xf32, #tpu.memory_space<hbm>>
        %dma_start3A_172 = tpu.memref_slice %arg3[%add3A_103] : memref<12582912xf32, #tpu.memory_space<hbm>> -> memref<2048xf32, #tpu.memory_space<hbm>>
        tpu.enqueue_dma source(%dma_start3A_172 : memref<2048xf32, #tpu.memory_space<hbm>>) target(%arg26 : memref<2048xf32, #tpu.memory_space<vmem>>) target_semaphore(%run_scoped3A : memref<!tpu.dma_semaphore, #tpu.memory_space<semaphore_mem>>)
        %dma_wait3A_173 = tpu.memref_slice %arg3[%add3A_103] : memref<12582912xf32, #tpu.memory_space<hbm>> -> memref<2048xf32, #tpu.memory_space<hbm>>
        %dma_wait3A_174 = tpu.memref_slice %arg3[%add3A_103] : memref<12582912xf32, #tpu.memory_space<hbm>> -> memref<2048xf32, #tpu.memory_space<hbm>>
        tpu.wait_dma2 semaphore(%run_scoped3A : memref<!tpu.dma_semaphore, #tpu.memory_space<semaphore_mem>>) src(%dma_wait3A_174 : memref<2048xf32, #tpu.memory_space<hbm>>) dst(%arg26 : memref<2048xf32, #tpu.memory_space<vmem>>)
        tpu.yield
      }) : () -> ()
      %parallel_loop3A_104 = arith.constant 0 : i32
      %parallel_loop3A_105 = arith.constant 128 : i32
      %parallel_loop3A_106 = arith.constant 1 : i32
      scf.for %parallel_loop3A_171 = %parallel_loop3A_104 to %parallel_loop3A_105 step %parallel_loop3A_106  : i32 {
        %parallel_loop3A_172 = arith.constant 16 : i32
        %parallel_loop3A_173 = arith.muli %parallel_loop3A_171, %parallel_loop3A_172 : i32
        %parallel_loop3A_174 = arith.addi %add3A_82, %parallel_loop3A_173 : i32
        %parallel_loop3A_175 = vector.broadcast %parallel_loop3A_174 : i32 to vector<16xi32>
        %parallel_loop3A_176 = arith.addi %parallel_loop3A_175, %iota3A : vector<16xi32>
        %parallel_loop3A_177 = arith.constant 127 : i32
        %parallel_loop3A_178 = vector.broadcast %parallel_loop3A_177 : i32 to vector<16xi32>
        %parallel_loop3A_179 = arith.andi %parallel_loop3A_176, %parallel_loop3A_178 : vector<16xi32>
        %parallel_loop3A_180 = arith.constant 7 : i32
        %parallel_loop3A_181 = vector.broadcast %parallel_loop3A_180 : i32 to vector<16xi32>
        %parallel_loop3A_182 = arith.shrsi %parallel_loop3A_176, %parallel_loop3A_181 : vector<16xi32>
        %parallel_loop3A_183 = arith.constant 127 : i32
        %parallel_loop3A_184 = vector.broadcast %parallel_loop3A_183 : i32 to vector<16xi32>
        %parallel_loop3A_185 = arith.andi %parallel_loop3A_182, %parallel_loop3A_184 : vector<16xi32>
        %parallel_loop3A_186 = arith.constant 14 : i32
        %parallel_loop3A_187 = vector.broadcast %parallel_loop3A_186 : i32 to vector<16xi32>
        %parallel_loop3A_188 = arith.shrsi %parallel_loop3A_176, %parallel_loop3A_187 : vector<16xi32>
        %parallel_loop3A_189 = arith.index_cast %parallel_loop3A_173 : i32 to index
        %parallel_loop3A_190 = tpu.vector_load %arg24[%parallel_loop3A_189] {strides = array<i32>} : memref<2048xf32, #tpu.memory_space<vmem>>, vector<16xf32>,
        %parallel_loop3A_191 = vector.shape_cast %parallel_loop3A_190 : vector<16xf32> to vector<16xf32>
        %parallel_loop3A_192 = arith.sitofp %parallel_loop3A_188 : vector<16xi32> to vector<16xf32>
        %parallel_loop3A_193 = arith.addf %parallel_loop3A_192, %parallel_loop3A_191 : vector<16xf32>
        %parallel_loop3A_194 = arith.constant 0.000000e+00 : f32
        %parallel_loop3A_195 = vector.broadcast %parallel_loop3A_194 : f32 to vector<16xf32>
        %parallel_loop3A_196 = arith.maximumf %parallel_loop3A_193, %parallel_loop3A_195 : vector<16xf32>
        %parallel_loop3A_197 = arith.constant 1.270000e+02 : f32
        %parallel_loop3A_198 = vector.broadcast %parallel_loop3A_197 : f32 to vector<16xf32>
        %parallel_loop3A_199 = arith.minimumf %parallel_loop3A_196, %parallel_loop3A_198 : vector<16xf32>
        %parallel_loop3A_200 = arith.fptosi %parallel_loop3A_199 : vector<16xf32> to vector<16xi32>
        %parallel_loop3A_201 = arith.constant 126 : i32
        %parallel_loop3A_202 = vector.broadcast %parallel_loop3A_201 : i32 to vector<16xi32>
        %parallel_loop3A_203 = arith.minsi %parallel_loop3A_200, %parallel_loop3A_202 : vector<16xi32>
        %parallel_loop3A_204 = arith.sitofp %parallel_loop3A_203 : vector<16xi32> to vector<16xf32>
        %parallel_loop3A_205 = arith.subf %parallel_loop3A_199, %parallel_loop3A_204 : vector<16xf32>
        %parallel_loop3A_206 = arith.index_cast %parallel_loop3A_173 : i32 to index
        %parallel_loop3A_207 = tpu.vector_load %arg25[%parallel_loop3A_206] {strides = array<i32>} : memref<2048xf32, #tpu.memory_space<vmem>>, vector<16xf32>,
        %parallel_loop3A_208 = vector.shape_cast %parallel_loop3A_207 : vector<16xf32> to vector<16xf32>
        %parallel_loop3A_209 = arith.sitofp %parallel_loop3A_185 : vector<16xi32> to vector<16xf32>
        %parallel_loop3A_210 = arith.addf %parallel_loop3A_209, %parallel_loop3A_208 : vector<16xf32>
        %parallel_loop3A_211 = arith.constant 0.000000e+00 : f32
        %parallel_loop3A_212 = vector.broadcast %parallel_loop3A_211 : f32 to vector<16xf32>
        %parallel_loop3A_213 = arith.maximumf %parallel_loop3A_210, %parallel_loop3A_212 : vector<16xf32>
        %parallel_loop3A_214 = arith.constant 1.270000e+02 : f32
        %parallel_loop3A_215 = vector.broadcast %parallel_loop3A_214 : f32 to vector<16xf32>
        %parallel_loop3A_216 = arith.minimumf %parallel_loop3A_213, %parallel_loop3A_215 : vector<16xf32>
        %parallel_loop3A_217 = arith.fptosi %parallel_loop3A_216 : vector<16xf32> to vector<16xi32>
        %parallel_loop3A_218 = arith.constant 126 : i32
        %parallel_loop3A_219 = vector.broadcast %parallel_loop3A_218 : i32 to vector<16xi32>
        %parallel_loop3A_220 = arith.minsi %parallel_loop3A_217, %parallel_loop3A_219 : vector<16xi32>
        %parallel_loop3A_221 = arith.sitofp %parallel_loop3A_220 : vector<16xi32> to vector<16xf32>
        %parallel_loop3A_222 = arith.subf %parallel_loop3A_216, %parallel_loop3A_221 : vector<16xf32>
        %parallel_loop3A_223 = arith.index_cast %parallel_loop3A_173 : i32 to index
        %parallel_loop3A_224 = tpu.vector_load %arg26[%parallel_loop3A_223] {strides = array<i32>} : memref<2048xf32, #tpu.memory_space<vmem>>, vector<16xf32>,
        %parallel_loop3A_225 = vector.shape_cast %parallel_loop3A_224 : vector<16xf32> to vector<16xf32>
        %parallel_loop3A_226 = arith.sitofp %parallel_loop3A_179 : vector<16xi32> to vector<16xf32>
        %parallel_loop3A_227 = arith.addf %parallel_loop3A_226, %parallel_loop3A_225 : vector<16xf32>
        %parallel_loop3A_228 = arith.constant 0.000000e+00 : f32
        %parallel_loop3A_229 = vector.broadcast %parallel_loop3A_228 : f32 to vector<16xf32>
        %parallel_loop3A_230 = arith.maximumf %parallel_loop3A_227, %parallel_loop3A_229 : vector<16xf32>
        %parallel_loop3A_231 = arith.constant 1.270000e+02 : f32
        %parallel_loop3A_232 = vector.broadcast %parallel_loop3A_231 : f32 to vector<16xf32>
        %parallel_loop3A_233 = arith.minimumf %parallel_loop3A_230, %parallel_loop3A_232 : vector<16xf32>
        %parallel_loop3A_234 = arith.fptosi %parallel_loop3A_233 : vector<16xf32> to vector<16xi32>
        %parallel_loop3A_235 = arith.constant 126 : i32
        %parallel_loop3A_236 = vector.broadcast %parallel_loop3A_235 : i32 to vector<16xi32>
        %parallel_loop3A_237 = arith.minsi %parallel_loop3A_234, %parallel_loop3A_236 : vector<16xi32>
        %parallel_loop3A_238 = arith.sitofp %parallel_loop3A_237 : vector<16xi32> to vector<16xf32>
        %parallel_loop3A_239 = arith.subf %parallel_loop3A_233, %parallel_loop3A_238 : vector<16xf32>
        %parallel_loop3A_240 = arith.constant 2097152 : i32
        %parallel_loop3A_241 = arith.muli %select_n3A, %parallel_loop3A_240 : i32
        %parallel_loop3A_242 = arith.constant 128 : i32
        %parallel_loop3A_243 = vector.broadcast %parallel_loop3A_242 : i32 to vector<16xi32>
        %parallel_loop3A_244 = arith.muli %parallel_loop3A_203, %parallel_loop3A_243 : vector<16xi32>
        %parallel_loop3A_245 = arith.addi %parallel_loop3A_244, %parallel_loop3A_220 : vector<16xi32>
        %parallel_loop3A_246 = arith.constant 128 : i32
        %parallel_loop3A_247 = vector.broadcast %parallel_loop3A_246 : i32 to vector<16xi32>
        %parallel_loop3A_248 = arith.muli %parallel_loop3A_245, %parallel_loop3A_247 : vector<16xi32>
        %parallel_loop3A_249 = vector.broadcast %parallel_loop3A_241 : i32 to vector<16xi32>
        %parallel_loop3A_250 = arith.addi %parallel_loop3A_249, %parallel_loop3A_248 : vector<16xi32>
        %parallel_loop3A_251 = arith.addi %parallel_loop3A_250, %parallel_loop3A_237 : vector<16xi32>
        %parallel_loop3A_252 = arith.constant 0 : i32
        %parallel_loop3A_253 = vector.broadcast %parallel_loop3A_252 : i32 to vector<16xi32>
        %parallel_loop3A_254 = arith.addi %parallel_loop3A_251, %parallel_loop3A_253 : vector<16xi32>
        %parallel_loop3A_255 = arith.index_cast %parallel_loop3A_173 : i32 to index
        %parallel_loop3A_256 = tpu.vector_load %arg27[%parallel_loop3A_255] {strides = array<i32>} : memref<2048xi32, #tpu.memory_space<vmem>>, vector<16xi32>,
        %parallel_loop3A_257 = vector.shape_cast %parallel_loop3A_256 : vector<16xi32> to vector<16xi32>
        %parallel_loop3A_258 = vector.shape_cast %parallel_loop3A_254 : vector<16xi32> to vector<16xi32>
        tpu.vector_store %arg27[%parallel_loop3A_255], %parallel_loop3A_258 {strides = array<i32>} : memref<2048xi32, #tpu.memory_space<vmem>>, vector<16xi32>,
        %parallel_loop3A_259 = arith.constant 1 : i32
        %parallel_loop3A_260 = vector.broadcast %parallel_loop3A_259 : i32 to vector<16xi32>
        %parallel_loop3A_261 = arith.addi %parallel_loop3A_251, %parallel_loop3A_260 : vector<16xi32>
        %parallel_loop3A_262 = arith.index_cast %parallel_loop3A_173 : i32 to index
        %parallel_loop3A_263 = tpu.vector_load %arg28[%parallel_loop3A_262] {strides = array<i32>} : memref<2048xi32, #tpu.memory_space<vmem>>, vector<16xi32>,
        %parallel_loop3A_264 = vector.shape_cast %parallel_loop3A_263 : vector<16xi32> to vector<16xi32>
        %parallel_loop3A_265 = vector.shape_cast %parallel_loop3A_261 : vector<16xi32> to vector<16xi32>
        tpu.vector_store %arg28[%parallel_loop3A_262], %parallel_loop3A_265 {strides = array<i32>} : memref<2048xi32, #tpu.memory_space<vmem>>, vector<16xi32>,
        %parallel_loop3A_266 = arith.constant 128 : i32
        %parallel_loop3A_267 = vector.broadcast %parallel_loop3A_266 : i32 to vector<16xi32>
        %parallel_loop3A_268 = arith.addi %parallel_loop3A_251, %parallel_loop3A_267 : vector<16xi32>
        %parallel_loop3A_269 = arith.index_cast %parallel_loop3A_173 : i32 to index
        %parallel_loop3A_270 = tpu.vector_load %arg29[%parallel_loop3A_269] {strides = array<i32>} : memref<2048xi32, #tpu.memory_space<vmem>>, vector<16xi32>,
        %parallel_loop3A_271 = vector.shape_cast %parallel_loop3A_270 : vector<16xi32> to vector<16xi32>
        %parallel_loop3A_272 = vector.shape_cast %parallel_loop3A_268 : vector<16xi32> to vector<16xi32>
        tpu.vector_store %arg29[%parallel_loop3A_269], %parallel_loop3A_272 {strides = array<i32>} : memref<2048xi32, #tpu.memory_space<vmem>>, vector<16xi32>,
        %parallel_loop3A_273 = arith.constant 129 : i32
        %parallel_loop3A_274 = vector.broadcast %parallel_loop3A_273 : i32 to vector<16xi32>
        %parallel_loop3A_275 = arith.addi %parallel_loop3A_251, %parallel_loop3A_274 : vector<16xi32>
        %parallel_loop3A_276 = arith.index_cast %parallel_loop3A_173 : i32 to index
        %parallel_loop3A_277 = tpu.vector_load %arg30[%parallel_loop3A_276] {strides = array<i32>} : memref<2048xi32, #tpu.memory_space<vmem>>, vector<16xi32>,
        %parallel_loop3A_278 = vector.shape_cast %parallel_loop3A_277 : vector<16xi32> to vector<16xi32>
        %parallel_loop3A_279 = vector.shape_cast %parallel_loop3A_275 : vector<16xi32> to vector<16xi32>
        tpu.vector_store %arg30[%parallel_loop3A_276], %parallel_loop3A_279 {strides = array<i32>} : memref<2048xi32, #tpu.memory_space<vmem>>, vector<16xi32>,
        %parallel_loop3A_280 = arith.constant 16384 : i32
        %parallel_loop3A_281 = vector.broadcast %parallel_loop3A_280 : i32 to vector<16xi32>
        %parallel_loop3A_282 = arith.addi %parallel_loop3A_251, %parallel_loop3A_281 : vector<16xi32>
        %parallel_loop3A_283 = arith.index_cast %parallel_loop3A_173 : i32 to index
        %parallel_loop3A_284 = tpu.vector_load %arg31[%parallel_loop3A_283] {strides = array<i32>} : memref<2048xi32, #tpu.memory_space<vmem>>, vector<16xi32>,
        %parallel_loop3A_285 = vector.shape_cast %parallel_loop3A_284 : vector<16xi32> to vector<16xi32>
        %parallel_loop3A_286 = vector.shape_cast %parallel_loop3A_282 : vector<16xi32> to vector<16xi32>
        tpu.vector_store %arg31[%parallel_loop3A_283], %parallel_loop3A_286 {strides = array<i32>} : memref<2048xi32, #tpu.memory_space<vmem>>, vector<16xi32>,
        %parallel_loop3A_287 = arith.constant 16385 : i32
        %parallel_loop3A_288 = vector.broadcast %parallel_loop3A_287 : i32 to vector<16xi32>
        %parallel_loop3A_289 = arith.addi %parallel_loop3A_251, %parallel_loop3A_288 : vector<16xi32>
        %parallel_loop3A_290 = arith.index_cast %parallel_loop3A_173 : i32 to index
        %parallel_loop3A_291 = tpu.vector_load %arg32[%parallel_loop3A_290] {strides = array<i32>} : memref<2048xi32, #tpu.memory_space<vmem>>, vector<16xi32>,
        %parallel_loop3A_292 = vector.shape_cast %parallel_loop3A_291 : vector<16xi32> to vector<16xi32>
        %parallel_loop3A_293 = vector.shape_cast %parallel_loop3A_289 : vector<16xi32> to vector<16xi32>
        tpu.vector_store %arg32[%parallel_loop3A_290], %parallel_loop3A_293 {strides = array<i32>} : memref<2048xi32, #tpu.memory_space<vmem>>, vector<16xi32>,
        %parallel_loop3A_294 = arith.constant 16512 : i32
        %parallel_loop3A_295 = vector.broadcast %parallel_loop3A_294 : i32 to vector<16xi32>
        %parallel_loop3A_296 = arith.addi %parallel_loop3A_251, %parallel_loop3A_295 : vector<16xi32>
        %parallel_loop3A_297 = arith.index_cast %parallel_loop3A_173 : i32 to index
        %parallel_loop3A_298 = tpu.vector_load %arg33[%parallel_loop3A_297] {strides = array<i32>} : memref<2048xi32, #tpu.memory_space<vmem>>, vector<16xi32>,
        %parallel_loop3A_299 = vector.shape_cast %parallel_loop3A_298 : vector<16xi32> to vector<16xi32>
        %parallel_loop3A_300 = vector.shape_cast %parallel_loop3A_296 : vector<16xi32> to vector<16xi32>
        tpu.vector_store %arg33[%parallel_loop3A_297], %parallel_loop3A_300 {strides = array<i32>} : memref<2048xi32, #tpu.memory_space<vmem>>, vector<16xi32>,
        %parallel_loop3A_301 = arith.constant 16513 : i32
        %parallel_loop3A_302 = vector.broadcast %parallel_loop3A_301 : i32 to vector<16xi32>
        %parallel_loop3A_303 = arith.addi %parallel_loop3A_251, %parallel_loop3A_302 : vector<16xi32>
        %parallel_loop3A_304 = arith.index_cast %parallel_loop3A_173 : i32 to index
        %parallel_loop3A_305 = tpu.vector_load %arg34[%parallel_loop3A_304] {strides = array<i32>} : memref<2048xi32, #tpu.memory_space<vmem>>, vector<16xi32>,
        %parallel_loop3A_306 = vector.shape_cast %parallel_loop3A_305 : vector<16xi32> to vector<16xi32>
        %parallel_loop3A_307 = vector.shape_cast %parallel_loop3A_303 : vector<16xi32> to vector<16xi32>
        tpu.vector_store %arg34[%parallel_loop3A_304], %parallel_loop3A_307 {strides = array<i32>} : memref<2048xi32, #tpu.memory_space<vmem>>, vector<16xi32>,
        %parallel_loop3A_308 = arith.index_cast %parallel_loop3A_173 : i32 to index
        %parallel_loop3A_309 = tpu.vector_load %arg24[%parallel_loop3A_308] {strides = array<i32>} : memref<2048xf32, #tpu.memory_space<vmem>>, vector<16xf32>,
        %parallel_loop3A_310 = vector.shape_cast %parallel_loop3A_309 : vector<16xf32> to vector<16xf32>
        %parallel_loop3A_311 = vector.shape_cast %parallel_loop3A_205 : vector<16xf32> to vector<16xf32>
        tpu.vector_store %arg24[%parallel_loop3A_308], %parallel_loop3A_311 {strides = array<i32>} : memref<2048xf32, #tpu.memory_space<vmem>>, vector<16xf32>,
        %parallel_loop3A_312 = arith.index_cast %parallel_loop3A_173 : i32 to index
        %parallel_loop3A_313 = tpu.vector_load %arg25[%parallel_loop3A_312] {strides = array<i32>} : memref<2048xf32, #tpu.memory_space<vmem>>, vector<16xf32>,
        %parallel_loop3A_314 = vector.shape_cast %parallel_loop3A_313 : vector<16xf32> to vector<16xf32>
        %parallel_loop3A_315 = vector.shape_cast %parallel_loop3A_222 : vector<16xf32> to vector<16xf32>
        tpu.vector_store %arg25[%parallel_loop3A_312], %parallel_loop3A_315 {strides = array<i32>} : memref<2048xf32, #tpu.memory_space<vmem>>, vector<16xf32>,
        %parallel_loop3A_316 = arith.index_cast %parallel_loop3A_173 : i32 to index
        %parallel_loop3A_317 = tpu.vector_load %arg26[%parallel_loop3A_316] {strides = array<i32>} : memref<2048xf32, #tpu.memory_space<vmem>>, vector<16xf32>,
        %parallel_loop3A_318 = vector.shape_cast %parallel_loop3A_317 : vector<16xf32> to vector<16xf32>
        %parallel_loop3A_319 = vector.shape_cast %parallel_loop3A_239 : vector<16xf32> to vector<16xf32>
        tpu.vector_store %arg26[%parallel_loop3A_316], %parallel_loop3A_319 {strides = array<i32>} : memref<2048xf32, #tpu.memory_space<vmem>>, vector<16xf32>,
      } {sc.loop_unroll_factor = 4 : i64, sc.parallel_access}
      %dma_start3A_107 = arith.constant 0 : i32
      %dma_start3A_108 = tpu.memref_slice %arg2[%dma_start3A_107] : memref<4194304xf32, #tpu.memory_space<hbm>> -> memref<4194304xf32, #tpu.memory_space<hbm>>
      tpu.enqueue_indirect_dma source(%dma_start3A_108 : memref<4194304xf32, #tpu.memory_space<hbm>>) target(%arg35 : memref<2048xf32, #tpu.memory_space<vmem>>) offsets(%arg27 : memref<2048xi32, #tpu.memory_space<vmem>>) semaphore(%arg45 : memref<!tpu.dma_semaphore, #tpu.memory_space<semaphore_mem>>)
      %dma_start3A_109 = arith.constant 0 : i32
      %dma_start3A_110 = tpu.memref_slice %arg2[%dma_start3A_109] : memref<4194304xf32, #tpu.memory_space<hbm>> -> memref<4194304xf32, #tpu.memory_space<hbm>>
      tpu.enqueue_indirect_dma source(%dma_start3A_110 : memref<4194304xf32, #tpu.memory_space<hbm>>) target(%arg36 : memref<2048xf32, #tpu.memory_space<vmem>>) offsets(%arg28 : memref<2048xi32, #tpu.memory_space<vmem>>) semaphore(%arg45 : memref<!tpu.dma_semaphore, #tpu.memory_space<semaphore_mem>>)
      %dma_start3A_111 = arith.constant 0 : i32
      %dma_start3A_112 = tpu.memref_slice %arg2[%dma_start3A_111] : memref<4194304xf32, #tpu.memory_space<hbm>> -> memref<4194304xf32, #tpu.memory_space<hbm>>
      tpu.enqueue_indirect_dma source(%dma_start3A_112 : memref<4194304xf32, #tpu.memory_space<hbm>>) target(%arg37 : memref<2048xf32, #tpu.memory_space<vmem>>) offsets(%arg29 : memref<2048xi32, #tpu.memory_space<vmem>>) semaphore(%arg45 : memref<!tpu.dma_semaphore, #tpu.memory_space<semaphore_mem>>)
      %dma_start3A_113 = arith.constant 0 : i32
      %dma_start3A_114 = tpu.memref_slice %arg2[%dma_start3A_113] : memref<4194304xf32, #tpu.memory_space<hbm>> -> memref<4194304xf32, #tpu.memory_space<hbm>>
      tpu.enqueue_indirect_dma source(%dma_start3A_114 : memref<4194304xf32, #tpu.memory_space<hbm>>) target(%arg38 : memref<2048xf32, #tpu.memory_space<vmem>>) offsets(%arg30 : memref<2048xi32, #tpu.memory_space<vmem>>) semaphore(%arg45 : memref<!tpu.dma_semaphore, #tpu.memory_space<semaphore_mem>>)
      %dma_start3A_115 = arith.constant 0 : i32
      %dma_start3A_116 = tpu.memref_slice %arg2[%dma_start3A_115] : memref<4194304xf32, #tpu.memory_space<hbm>> -> memref<4194304xf32, #tpu.memory_space<hbm>>
      tpu.enqueue_indirect_dma source(%dma_start3A_116 : memref<4194304xf32, #tpu.memory_space<hbm>>) target(%arg39 : memref<2048xf32, #tpu.memory_space<vmem>>) offsets(%arg31 : memref<2048xi32, #tpu.memory_space<vmem>>) semaphore(%arg45 : memref<!tpu.dma_semaphore, #tpu.memory_space<semaphore_mem>>)
      %dma_start3A_117 = arith.constant 0 : i32
      %dma_start3A_118 = tpu.memref_slice %arg2[%dma_start3A_117] : memref<4194304xf32, #tpu.memory_space<hbm>> -> memref<4194304xf32, #tpu.memory_space<hbm>>
      tpu.enqueue_indirect_dma source(%dma_start3A_118 : memref<4194304xf32, #tpu.memory_space<hbm>>) target(%arg40 : memref<2048xf32, #tpu.memory_space<vmem>>) offsets(%arg32 : memref<2048xi32, #tpu.memory_space<vmem>>) semaphore(%arg45 : memref<!tpu.dma_semaphore, #tpu.memory_space<semaphore_mem>>)
      %dma_start3A_119 = arith.constant 0 : i32
      %dma_start3A_120 = tpu.memref_slice %arg2[%dma_start3A_119] : memref<4194304xf32, #tpu.memory_space<hbm>> -> memref<4194304xf32, #tpu.memory_space<hbm>>
      tpu.enqueue_indirect_dma source(%dma_start3A_120 : memref<4194304xf32, #tpu.memory_space<hbm>>) target(%arg41 : memref<2048xf32, #tpu.memory_space<vmem>>) offsets(%arg33 : memref<2048xi32, #tpu.memory_space<vmem>>) semaphore(%arg45 : memref<!tpu.dma_semaphore, #tpu.memory_space<semaphore_mem>>)
      %dma_start3A_121 = arith.constant 0 : i32
      %dma_start3A_122 = tpu.memref_slice %arg2[%dma_start3A_121] : memref<4194304xf32, #tpu.memory_space<hbm>> -> memref<4194304xf32, #tpu.memory_space<hbm>>
      tpu.enqueue_indirect_dma source(%dma_start3A_122 : memref<4194304xf32, #tpu.memory_space<hbm>>) target(%arg42 : memref<2048xf32, #tpu.memory_space<vmem>>) offsets(%arg34 : memref<2048xi32, #tpu.memory_space<vmem>>) semaphore(%arg45 : memref<!tpu.dma_semaphore, #tpu.memory_space<semaphore_mem>>)
      %dma_wait3A = arith.constant 0 : i32
      %dma_wait3A_123 = tpu.memref_slice %arg2[%dma_wait3A] : memref<4194304xf32, #tpu.memory_space<hbm>> -> memref<4194304xf32, #tpu.memory_space<hbm>>
      tpu.wait_indirect_dma semaphore(%arg44 : memref<!tpu.dma_semaphore, #tpu.memory_space<semaphore_mem>>) src(%dma_wait3A_123 : memref<4194304xf32, #tpu.memory_space<hbm>>) dst(%arg16 : memref<2048xf32, #tpu.memory_space<vmem>>)
      %dma_wait3A_124 = arith.constant 0 : i32
      %dma_wait3A_125 = tpu.memref_slice %arg2[%dma_wait3A_124] : memref<4194304xf32, #tpu.memory_space<hbm>> -> memref<4194304xf32, #tpu.memory_space<hbm>>
      tpu.wait_indirect_dma semaphore(%arg44 : memref<!tpu.dma_semaphore, #tpu.memory_space<semaphore_mem>>) src(%dma_wait3A_125 : memref<4194304xf32, #tpu.memory_space<hbm>>) dst(%arg17 : memref<2048xf32, #tpu.memory_space<vmem>>)
      %dma_wait3A_126 = arith.constant 0 : i32
      %dma_wait3A_127 = tpu.memref_slice %arg2[%dma_wait3A_126] : memref<4194304xf32, #tpu.memory_space<hbm>> -> memref<4194304xf32, #tpu.memory_space<hbm>>
      tpu.wait_indirect_dma semaphore(%arg44 : memref<!tpu.dma_semaphore, #tpu.memory_space<semaphore_mem>>) src(%dma_wait3A_127 : memref<4194304xf32, #tpu.memory_space<hbm>>) dst(%arg18 : memref<2048xf32, #tpu.memory_space<vmem>>)
      %dma_wait3A_128 = arith.constant 0 : i32
      %dma_wait3A_129 = tpu.memref_slice %arg2[%dma_wait3A_128] : memref<4194304xf32, #tpu.memory_space<hbm>> -> memref<4194304xf32, #tpu.memory_space<hbm>>
      tpu.wait_indirect_dma semaphore(%arg44 : memref<!tpu.dma_semaphore, #tpu.memory_space<semaphore_mem>>) src(%dma_wait3A_129 : memref<4194304xf32, #tpu.memory_space<hbm>>) dst(%arg19 : memref<2048xf32, #tpu.memory_space<vmem>>)
      %dma_wait3A_130 = arith.constant 0 : i32
      %dma_wait3A_131 = tpu.memref_slice %arg2[%dma_wait3A_130] : memref<4194304xf32, #tpu.memory_space<hbm>> -> memref<4194304xf32, #tpu.memory_space<hbm>>
      tpu.wait_indirect_dma semaphore(%arg44 : memref<!tpu.dma_semaphore, #tpu.memory_space<semaphore_mem>>) src(%dma_wait3A_131 : memref<4194304xf32, #tpu.memory_space<hbm>>) dst(%arg20 : memref<2048xf32, #tpu.memory_space<vmem>>)
      %dma_wait3A_132 = arith.constant 0 : i32
      %dma_wait3A_133 = tpu.memref_slice %arg2[%dma_wait3A_132] : memref<4194304xf32, #tpu.memory_space<hbm>> -> memref<4194304xf32, #tpu.memory_space<hbm>>
      tpu.wait_indirect_dma semaphore(%arg44 : memref<!tpu.dma_semaphore, #tpu.memory_space<semaphore_mem>>) src(%dma_wait3A_133 : memref<4194304xf32, #tpu.memory_space<hbm>>) dst(%arg21 : memref<2048xf32, #tpu.memory_space<vmem>>)
      %dma_wait3A_134 = arith.constant 0 : i32
      %dma_wait3A_135 = tpu.memref_slice %arg2[%dma_wait3A_134] : memref<4194304xf32, #tpu.memory_space<hbm>> -> memref<4194304xf32, #tpu.memory_space<hbm>>
      tpu.wait_indirect_dma semaphore(%arg44 : memref<!tpu.dma_semaphore, #tpu.memory_space<semaphore_mem>>) src(%dma_wait3A_135 : memref<4194304xf32, #tpu.memory_space<hbm>>) dst(%arg22 : memref<2048xf32, #tpu.memory_space<vmem>>)
      %dma_wait3A_136 = arith.constant 0 : i32
      %dma_wait3A_137 = tpu.memref_slice %arg2[%dma_wait3A_136] : memref<4194304xf32, #tpu.memory_space<hbm>> -> memref<4194304xf32, #tpu.memory_space<hbm>>
      tpu.wait_indirect_dma semaphore(%arg44 : memref<!tpu.dma_semaphore, #tpu.memory_space<semaphore_mem>>) src(%dma_wait3A_137 : memref<4194304xf32, #tpu.memory_space<hbm>>) dst(%arg23 : memref<2048xf32, #tpu.memory_space<vmem>>)
      %parallel_loop3A_138 = arith.constant 0 : i32
      %parallel_loop3A_139 = arith.constant 128 : i32
      %parallel_loop3A_140 = arith.constant 1 : i32
      scf.for %parallel_loop3A_171 = %parallel_loop3A_138 to %parallel_loop3A_139 step %parallel_loop3A_140  : i32 {
        %parallel_loop3A_172 = arith.constant 16 : i32
        %parallel_loop3A_173 = arith.muli %parallel_loop3A_171, %parallel_loop3A_172 : i32
        %parallel_loop3A_174 = arith.index_cast %parallel_loop3A_173 : i32 to index
        %parallel_loop3A_175 = tpu.vector_load %arg16[%parallel_loop3A_174] {strides = array<i32>} : memref<2048xf32, #tpu.memory_space<vmem>>, vector<16xf32>,
        %parallel_loop3A_176 = vector.shape_cast %parallel_loop3A_175 : vector<16xf32> to vector<16xf32>
        %parallel_loop3A_177 = arith.index_cast %parallel_loop3A_173 : i32 to index
        %parallel_loop3A_178 = tpu.vector_load %arg17[%parallel_loop3A_177] {strides = array<i32>} : memref<2048xf32, #tpu.memory_space<vmem>>, vector<16xf32>,
        %parallel_loop3A_179 = vector.shape_cast %parallel_loop3A_178 : vector<16xf32> to vector<16xf32>
        %parallel_loop3A_180 = arith.index_cast %parallel_loop3A_173 : i32 to index
        %parallel_loop3A_181 = tpu.vector_load %arg18[%parallel_loop3A_180] {strides = array<i32>} : memref<2048xf32, #tpu.memory_space<vmem>>, vector<16xf32>,
        %parallel_loop3A_182 = vector.shape_cast %parallel_loop3A_181 : vector<16xf32> to vector<16xf32>
        %parallel_loop3A_183 = arith.index_cast %parallel_loop3A_173 : i32 to index
        %parallel_loop3A_184 = tpu.vector_load %arg19[%parallel_loop3A_183] {strides = array<i32>} : memref<2048xf32, #tpu.memory_space<vmem>>, vector<16xf32>,
        %parallel_loop3A_185 = vector.shape_cast %parallel_loop3A_184 : vector<16xf32> to vector<16xf32>
        %parallel_loop3A_186 = arith.index_cast %parallel_loop3A_173 : i32 to index
        %parallel_loop3A_187 = tpu.vector_load %arg20[%parallel_loop3A_186] {strides = array<i32>} : memref<2048xf32, #tpu.memory_space<vmem>>, vector<16xf32>,
        %parallel_loop3A_188 = vector.shape_cast %parallel_loop3A_187 : vector<16xf32> to vector<16xf32>
        %parallel_loop3A_189 = arith.index_cast %parallel_loop3A_173 : i32 to index
        %parallel_loop3A_190 = tpu.vector_load %arg21[%parallel_loop3A_189] {strides = array<i32>} : memref<2048xf32, #tpu.memory_space<vmem>>, vector<16xf32>,
        %parallel_loop3A_191 = vector.shape_cast %parallel_loop3A_190 : vector<16xf32> to vector<16xf32>
        %parallel_loop3A_192 = arith.index_cast %parallel_loop3A_173 : i32 to index
        %parallel_loop3A_193 = tpu.vector_load %arg22[%parallel_loop3A_192] {strides = array<i32>} : memref<2048xf32, #tpu.memory_space<vmem>>, vector<16xf32>,
        %parallel_loop3A_194 = vector.shape_cast %parallel_loop3A_193 : vector<16xf32> to vector<16xf32>
        %parallel_loop3A_195 = arith.index_cast %parallel_loop3A_173 : i32 to index
        %parallel_loop3A_196 = tpu.vector_load %arg23[%parallel_loop3A_195] {strides = array<i32>} : memref<2048xf32, #tpu.memory_space<vmem>>, vector<16xf32>,
        %parallel_loop3A_197 = vector.shape_cast %parallel_loop3A_196 : vector<16xf32> to vector<16xf32>
        %parallel_loop3A_198 = arith.index_cast %parallel_loop3A_173 : i32 to index
        %parallel_loop3A_199 = tpu.vector_load %arg5[%parallel_loop3A_198] {strides = array<i32>} : memref<2048xf32, #tpu.memory_space<vmem>>, vector<16xf32>,
        %parallel_loop3A_200 = vector.shape_cast %parallel_loop3A_199 : vector<16xf32> to vector<16xf32>
        %parallel_loop3A_201 = arith.index_cast %parallel_loop3A_173 : i32 to index
        %parallel_loop3A_202 = tpu.vector_load %arg6[%parallel_loop3A_201] {strides = array<i32>} : memref<2048xf32, #tpu.memory_space<vmem>>, vector<16xf32>,
        %parallel_loop3A_203 = vector.shape_cast %parallel_loop3A_202 : vector<16xf32> to vector<16xf32>
        %parallel_loop3A_204 = arith.index_cast %parallel_loop3A_173 : i32 to index
        %parallel_loop3A_205 = tpu.vector_load %arg7[%parallel_loop3A_204] {strides = array<i32>} : memref<2048xf32, #tpu.memory_space<vmem>>, vector<16xf32>,
        %parallel_loop3A_206 = vector.shape_cast %parallel_loop3A_205 : vector<16xf32> to vector<16xf32>
        %parallel_loop3A_207 = arith.subf %parallel_loop3A_179, %parallel_loop3A_176 : vector<16xf32>
        %parallel_loop3A_208 = arith.mulf %parallel_loop3A_206, %parallel_loop3A_207 : vector<16xf32>
        %parallel_loop3A_209 = arith.addf %parallel_loop3A_176, %parallel_loop3A_208 : vector<16xf32>
        %parallel_loop3A_210 = arith.subf %parallel_loop3A_185, %parallel_loop3A_182 : vector<16xf32>
        %parallel_loop3A_211 = arith.mulf %parallel_loop3A_206, %parallel_loop3A_210 : vector<16xf32>
        %parallel_loop3A_212 = arith.addf %parallel_loop3A_182, %parallel_loop3A_211 : vector<16xf32>
        %parallel_loop3A_213 = arith.subf %parallel_loop3A_191, %parallel_loop3A_188 : vector<16xf32>
        %parallel_loop3A_214 = arith.mulf %parallel_loop3A_206, %parallel_loop3A_213 : vector<16xf32>
        %parallel_loop3A_215 = arith.addf %parallel_loop3A_188, %parallel_loop3A_214 : vector<16xf32>
        %parallel_loop3A_216 = arith.subf %parallel_loop3A_197, %parallel_loop3A_194 : vector<16xf32>
        %parallel_loop3A_217 = arith.mulf %parallel_loop3A_206, %parallel_loop3A_216 : vector<16xf32>
        %parallel_loop3A_218 = arith.addf %parallel_loop3A_194, %parallel_loop3A_217 : vector<16xf32>
        %parallel_loop3A_219 = arith.subf %parallel_loop3A_212, %parallel_loop3A_209 : vector<16xf32>
        %parallel_loop3A_220 = arith.mulf %parallel_loop3A_203, %parallel_loop3A_219 : vector<16xf32>
        %parallel_loop3A_221 = arith.addf %parallel_loop3A_209, %parallel_loop3A_220 : vector<16xf32>
        %parallel_loop3A_222 = arith.subf %parallel_loop3A_218, %parallel_loop3A_215 : vector<16xf32>
        %parallel_loop3A_223 = arith.mulf %parallel_loop3A_203, %parallel_loop3A_222 : vector<16xf32>
        %parallel_loop3A_224 = arith.addf %parallel_loop3A_215, %parallel_loop3A_223 : vector<16xf32>
        %parallel_loop3A_225 = arith.subf %parallel_loop3A_224, %parallel_loop3A_221 : vector<16xf32>
        %parallel_loop3A_226 = arith.mulf %parallel_loop3A_200, %parallel_loop3A_225 : vector<16xf32>
        %parallel_loop3A_227 = arith.addf %parallel_loop3A_221, %parallel_loop3A_226 : vector<16xf32>
        %parallel_loop3A_228 = arith.index_cast %parallel_loop3A_173 : i32 to index
        %parallel_loop3A_229 = tpu.vector_load %arg43[%parallel_loop3A_228] {strides = array<i32>} : memref<2048xf32, #tpu.memory_space<vmem>>, vector<16xf32>,
        %parallel_loop3A_230 = vector.shape_cast %parallel_loop3A_229 : vector<16xf32> to vector<16xf32>
        %parallel_loop3A_231 = vector.shape_cast %parallel_loop3A_227 : vector<16xf32> to vector<16xf32>
        tpu.vector_store %arg43[%parallel_loop3A_228], %parallel_loop3A_231 {strides = array<i32>} : memref<2048xf32, #tpu.memory_space<vmem>>, vector<16xf32>,
      } {sc.loop_unroll_factor = 4 : i64, sc.parallel_access}
      %mul3A_141 = arith.constant 2097152 : i32
      %mul3A_142 = arith.muli %select_n3A, %mul3A_141 : i32
      %add3A_143 = arith.addi %mul3A_142, %add3A_80 : i32
      "tpu.region"() ({
        %run_scoped3A = tpu.sem_alloc : memref<!tpu.dma_semaphore, #tpu.memory_space<semaphore_mem>>
        %dma_start3A_171 = tpu.memref_slice %arg4[%add3A_143] : memref<4194304xf32, #tpu.memory_space<hbm>> -> memref<2048xf32, #tpu.memory_space<hbm>>
        %dma_start3A_172 = tpu.memref_slice %arg4[%add3A_143] : memref<4194304xf32, #tpu.memory_space<hbm>> -> memref<2048xf32, #tpu.memory_space<hbm>>
        tpu.enqueue_dma source(%arg43 : memref<2048xf32, #tpu.memory_space<vmem>>) target(%dma_start3A_172 : memref<2048xf32, #tpu.memory_space<hbm>>) target_semaphore(%run_scoped3A : memref<!tpu.dma_semaphore, #tpu.memory_space<semaphore_mem>>)
        %dma_wait3A_173 = tpu.memref_slice %arg4[%add3A_143] : memref<4194304xf32, #tpu.memory_space<hbm>> -> memref<2048xf32, #tpu.memory_space<hbm>>
        %dma_wait3A_174 = tpu.memref_slice %arg4[%add3A_143] : memref<4194304xf32, #tpu.memory_space<hbm>> -> memref<2048xf32, #tpu.memory_space<hbm>>
        tpu.wait_dma2 semaphore(%run_scoped3A : memref<!tpu.dma_semaphore, #tpu.memory_space<semaphore_mem>>) src(%arg43 : memref<2048xf32, #tpu.memory_space<vmem>>) dst(%dma_wait3A_174 : memref<2048xf32, #tpu.memory_space<hbm>>)
        tpu.yield
      }) : () -> ()
      %add3A_144 = arith.constant 1 : i32
      %add3A_145 = arith.addi %scan3A_75, %add3A_144 : i32
      %lt3A_146 = arith.constant 32 : i32
      %lt3A_147 = arith.cmpi slt, %add3A_145, %lt3A_146 : i32
      %convert_element_type3A = arith.extui %lt3A_147 : i1 to i32
      %cond3A = arith.constant 0 : i32
      %cond3A_148 = arith.cmpi ne, %convert_element_type3A, %cond3A : i32
      scf.if %cond3A_148 {
        %add3A_171 = arith.constant 4096 : i32
        %add3A_172 = arith.addi %add3A_80, %add3A_171 : i32
        %mul3A_173 = arith.constant 3 : i32
        %mul3A_174 = arith.muli %select_n3A, %mul3A_173 : i32
        %add3A_175 = arith.constant 0 : i32
        %add3A_176 = arith.addi %mul3A_174, %add3A_175 : i32
        %mul3A_177 = arith.constant 2097152 : i32
        %mul3A_178 = arith.muli %add3A_176, %mul3A_177 : i32
        %add3A_179 = arith.addi %mul3A_178, %add3A_172 : i32
        "tpu.region"() ({
          %run_scoped3A = tpu.sem_alloc : memref<!tpu.dma_semaphore, #tpu.memory_space<semaphore_mem>>
          %dma_start3A_213 = tpu.memref_slice %arg3[%add3A_179] : memref<12582912xf32, #tpu.memory_space<hbm>> -> memref<2048xf32, #tpu.memory_space<hbm>>
          %dma_start3A_214 = tpu.memref_slice %arg3[%add3A_179] : memref<12582912xf32, #tpu.memory_space<hbm>> -> memref<2048xf32, #tpu.memory_space<hbm>>
          tpu.enqueue_dma source(%dma_start3A_214 : memref<2048xf32, #tpu.memory_space<hbm>>) target(%arg5 : memref<2048xf32, #tpu.memory_space<vmem>>) target_semaphore(%run_scoped3A : memref<!tpu.dma_semaphore, #tpu.memory_space<semaphore_mem>>)
          %dma_wait3A_215 = tpu.memref_slice %arg3[%add3A_179] : memref<12582912xf32, #tpu.memory_space<hbm>> -> memref<2048xf32, #tpu.memory_space<hbm>>
          %dma_wait3A_216 = tpu.memref_slice %arg3[%add3A_179] : memref<12582912xf32, #tpu.memory_space<hbm>> -> memref<2048xf32, #tpu.memory_space<hbm>>
          tpu.wait_dma2 semaphore(%run_scoped3A : memref<!tpu.dma_semaphore, #tpu.memory_space<semaphore_mem>>) src(%dma_wait3A_216 : memref<2048xf32, #tpu.memory_space<hbm>>) dst(%arg5 : memref<2048xf32, #tpu.memory_space<vmem>>)
          tpu.yield
        }) : () -> ()
        %mul3A_180 = arith.constant 3 : i32
        %mul3A_181 = arith.muli %select_n3A, %mul3A_180 : i32
        %add3A_182 = arith.constant 1 : i32
        %add3A_183 = arith.addi %mul3A_181, %add3A_182 : i32
        %mul3A_184 = arith.constant 2097152 : i32
        %mul3A_185 = arith.muli %add3A_183, %mul3A_184 : i32
        %add3A_186 = arith.addi %mul3A_185, %add3A_172 : i32
        "tpu.region"() ({
          %run_scoped3A = tpu.sem_alloc : memref<!tpu.dma_semaphore, #tpu.memory_space<semaphore_mem>>
          %dma_start3A_213 = tpu.memref_slice %arg3[%add3A_186] : memref<12582912xf32, #tpu.memory_space<hbm>> -> memref<2048xf32, #tpu.memory_space<hbm>>
          %dma_start3A_214 = tpu.memref_slice %arg3[%add3A_186] : memref<12582912xf32, #tpu.memory_space<hbm>> -> memref<2048xf32, #tpu.memory_space<hbm>>
          tpu.enqueue_dma source(%dma_start3A_214 : memref<2048xf32, #tpu.memory_space<hbm>>) target(%arg6 : memref<2048xf32, #tpu.memory_space<vmem>>) target_semaphore(%run_scoped3A : memref<!tpu.dma_semaphore, #tpu.memory_space<semaphore_mem>>)
          %dma_wait3A_215 = tpu.memref_slice %arg3[%add3A_186] : memref<12582912xf32, #tpu.memory_space<hbm>> -> memref<2048xf32, #tpu.memory_space<hbm>>
          %dma_wait3A_216 = tpu.memref_slice %arg3[%add3A_186] : memref<12582912xf32, #tpu.memory_space<hbm>> -> memref<2048xf32, #tpu.memory_space<hbm>>
          tpu.wait_dma2 semaphore(%run_scoped3A : memref<!tpu.dma_semaphore, #tpu.memory_space<semaphore_mem>>) src(%dma_wait3A_216 : memref<2048xf32, #tpu.memory_space<hbm>>) dst(%arg6 : memref<2048xf32, #tpu.memory_space<vmem>>)
          tpu.yield
        }) : () -> ()
        %mul3A_187 = arith.constant 3 : i32
        %mul3A_188 = arith.muli %select_n3A, %mul3A_187 : i32
        %add3A_189 = arith.constant 2 : i32
        %add3A_190 = arith.addi %mul3A_188, %add3A_189 : i32
        %mul3A_191 = arith.constant 2097152 : i32
        %mul3A_192 = arith.muli %add3A_190, %mul3A_191 : i32
        %add3A_193 = arith.addi %mul3A_192, %add3A_172 : i32
        "tpu.region"() ({
          %run_scoped3A = tpu.sem_alloc : memref<!tpu.dma_semaphore, #tpu.memory_space<semaphore_mem>>
          %dma_start3A_213 = tpu.memref_slice %arg3[%add3A_193] : memref<12582912xf32, #tpu.memory_space<hbm>> -> memref<2048xf32, #tpu.memory_space<hbm>>
          %dma_start3A_214 = tpu.memref_slice %arg3[%add3A_193] : memref<12582912xf32, #tpu.memory_space<hbm>> -> memref<2048xf32, #tpu.memory_space<hbm>>
          tpu.enqueue_dma source(%dma_start3A_214 : memref<2048xf32, #tpu.memory_space<hbm>>) target(%arg7 : memref<2048xf32, #tpu.memory_space<vmem>>) target_semaphore(%run_scoped3A : memref<!tpu.dma_semaphore, #tpu.memory_space<semaphore_mem>>)
          %dma_wait3A_215 = tpu.memref_slice %arg3[%add3A_193] : memref<12582912xf32, #tpu.memory_space<hbm>> -> memref<2048xf32, #tpu.memory_space<hbm>>
          %dma_wait3A_216 = tpu.memref_slice %arg3[%add3A_193] : memref<12582912xf32, #tpu.memory_space<hbm>> -> memref<2048xf32, #tpu.memory_space<hbm>>
          tpu.wait_dma2 semaphore(%run_scoped3A : memref<!tpu.dma_semaphore, #tpu.memory_space<semaphore_mem>>) src(%dma_wait3A_216 : memref<2048xf32, #tpu.memory_space<hbm>>) dst(%arg7 : memref<2048xf32, #tpu.memory_space<vmem>>)
          tpu.yield
        }) : () -> ()
        %parallel_loop3A_194 = arith.constant 0 : i32
        %parallel_loop3A_195 = arith.constant 128 : i32
        %parallel_loop3A_196 = arith.constant 1 : i32
        scf.for %parallel_loop3A_213 = %parallel_loop3A_194 to %parallel_loop3A_195 step %parallel_loop3A_196  : i32 {
          %parallel_loop3A_214 = arith.constant 16 : i32
          %parallel_loop3A_215 = arith.muli %parallel_loop3A_213, %parallel_loop3A_214 : i32
          %parallel_loop3A_216 = arith.addi %add3A_172, %parallel_loop3A_215 : i32
          %parallel_loop3A_217 = vector.broadcast %parallel_loop3A_216 : i32 to vector<16xi32>
          %parallel_loop3A_218 = arith.addi %parallel_loop3A_217, %iota3A : vector<16xi32>
          %parallel_loop3A_219 = arith.constant 127 : i32
          %parallel_loop3A_220 = vector.broadcast %parallel_loop3A_219 : i32 to vector<16xi32>
          %parallel_loop3A_221 = arith.andi %parallel_loop3A_218, %parallel_loop3A_220 : vector<16xi32>
          %parallel_loop3A_222 = arith.constant 7 : i32
          %parallel_loop3A_223 = vector.broadcast %parallel_loop3A_222 : i32 to vector<16xi32>
          %parallel_loop3A_224 = arith.shrsi %parallel_loop3A_218, %parallel_loop3A_223 : vector<16xi32>
          %parallel_loop3A_225 = arith.constant 127 : i32
          %parallel_loop3A_226 = vector.broadcast %parallel_loop3A_225 : i32 to vector<16xi32>
          %parallel_loop3A_227 = arith.andi %parallel_loop3A_224, %parallel_loop3A_226 : vector<16xi32>
          %parallel_loop3A_228 = arith.constant 14 : i32
          %parallel_loop3A_229 = vector.broadcast %parallel_loop3A_228 : i32 to vector<16xi32>
          %parallel_loop3A_230 = arith.shrsi %parallel_loop3A_218, %parallel_loop3A_229 : vector<16xi32>
          %parallel_loop3A_231 = arith.index_cast %parallel_loop3A_215 : i32 to index
          %parallel_loop3A_232 = tpu.vector_load %arg5[%parallel_loop3A_231] {strides = array<i32>} : memref<2048xf32, #tpu.memory_space<vmem>>, vector<16xf32>,
          %parallel_loop3A_233 = vector.shape_cast %parallel_loop3A_232 : vector<16xf32> to vector<16xf32>
          %parallel_loop3A_234 = arith.sitofp %parallel_loop3A_230 : vector<16xi32> to vector<16xf32>
          %parallel_loop3A_235 = arith.addf %parallel_loop3A_234, %parallel_loop3A_233 : vector<16xf32>
          %parallel_loop3A_236 = arith.constant 0.000000e+00 : f32
          %parallel_loop3A_237 = vector.broadcast %parallel_loop3A_236 : f32 to vector<16xf32>
          %parallel_loop3A_238 = arith.maximumf %parallel_loop3A_235, %parallel_loop3A_237 : vector<16xf32>
          %parallel_loop3A_239 = arith.constant 1.270000e+02 : f32
          %parallel_loop3A_240 = vector.broadcast %parallel_loop3A_239 : f32 to vector<16xf32>
          %parallel_loop3A_241 = arith.minimumf %parallel_loop3A_238, %parallel_loop3A_240 : vector<16xf32>
          %parallel_loop3A_242 = arith.fptosi %parallel_loop3A_241 : vector<16xf32> to vector<16xi32>
          %parallel_loop3A_243 = arith.constant 126 : i32
          %parallel_loop3A_244 = vector.broadcast %parallel_loop3A_243 : i32 to vector<16xi32>
          %parallel_loop3A_245 = arith.minsi %parallel_loop3A_242, %parallel_loop3A_244 : vector<16xi32>
          %parallel_loop3A_246 = arith.sitofp %parallel_loop3A_245 : vector<16xi32> to vector<16xf32>
          %parallel_loop3A_247 = arith.subf %parallel_loop3A_241, %parallel_loop3A_246 : vector<16xf32>
          %parallel_loop3A_248 = arith.index_cast %parallel_loop3A_215 : i32 to index
          %parallel_loop3A_249 = tpu.vector_load %arg6[%parallel_loop3A_248] {strides = array<i32>} : memref<2048xf32, #tpu.memory_space<vmem>>, vector<16xf32>,
          %parallel_loop3A_250 = vector.shape_cast %parallel_loop3A_249 : vector<16xf32> to vector<16xf32>
          %parallel_loop3A_251 = arith.sitofp %parallel_loop3A_227 : vector<16xi32> to vector<16xf32>
          %parallel_loop3A_252 = arith.addf %parallel_loop3A_251, %parallel_loop3A_250 : vector<16xf32>
          %parallel_loop3A_253 = arith.constant 0.000000e+00 : f32
          %parallel_loop3A_254 = vector.broadcast %parallel_loop3A_253 : f32 to vector<16xf32>
          %parallel_loop3A_255 = arith.maximumf %parallel_loop3A_252, %parallel_loop3A_254 : vector<16xf32>
          %parallel_loop3A_256 = arith.constant 1.270000e+02 : f32
          %parallel_loop3A_257 = vector.broadcast %parallel_loop3A_256 : f32 to vector<16xf32>
          %parallel_loop3A_258 = arith.minimumf %parallel_loop3A_255, %parallel_loop3A_257 : vector<16xf32>
          %parallel_loop3A_259 = arith.fptosi %parallel_loop3A_258 : vector<16xf32> to vector<16xi32>
          %parallel_loop3A_260 = arith.constant 126 : i32
          %parallel_loop3A_261 = vector.broadcast %parallel_loop3A_260 : i32 to vector<16xi32>
          %parallel_loop3A_262 = arith.minsi %parallel_loop3A_259, %parallel_loop3A_261 : vector<16xi32>
          %parallel_loop3A_263 = arith.sitofp %parallel_loop3A_262 : vector<16xi32> to vector<16xf32>
          %parallel_loop3A_264 = arith.subf %parallel_loop3A_258, %parallel_loop3A_263 : vector<16xf32>
          %parallel_loop3A_265 = arith.index_cast %parallel_loop3A_215 : i32 to index
          %parallel_loop3A_266 = tpu.vector_load %arg7[%parallel_loop3A_265] {strides = array<i32>} : memref<2048xf32, #tpu.memory_space<vmem>>, vector<16xf32>,
          %parallel_loop3A_267 = vector.shape_cast %parallel_loop3A_266 : vector<16xf32> to vector<16xf32>
          %parallel_loop3A_268 = arith.sitofp %parallel_loop3A_221 : vector<16xi32> to vector<16xf32>
          %parallel_loop3A_269 = arith.addf %parallel_loop3A_268, %parallel_loop3A_267 : vector<16xf32>
          %parallel_loop3A_270 = arith.constant 0.000000e+00 : f32
          %parallel_loop3A_271 = vector.broadcast %parallel_loop3A_270 : f32 to vector<16xf32>
          %parallel_loop3A_272 = arith.maximumf %parallel_loop3A_269, %parallel_loop3A_271 : vector<16xf32>
          %parallel_loop3A_273 = arith.constant 1.270000e+02 : f32
          %parallel_loop3A_274 = vector.broadcast %parallel_loop3A_273 : f32 to vector<16xf32>
          %parallel_loop3A_275 = arith.minimumf %parallel_loop3A_272, %parallel_loop3A_274 : vector<16xf32>
          %parallel_loop3A_276 = arith.fptosi %parallel_loop3A_275 : vector<16xf32> to vector<16xi32>
          %parallel_loop3A_277 = arith.constant 126 : i32
          %parallel_loop3A_278 = vector.broadcast %parallel_loop3A_277 : i32 to vector<16xi32>
          %parallel_loop3A_279 = arith.minsi %parallel_loop3A_276, %parallel_loop3A_278 : vector<16xi32>
          %parallel_loop3A_280 = arith.sitofp %parallel_loop3A_279 : vector<16xi32> to vector<16xf32>
          %parallel_loop3A_281 = arith.subf %parallel_loop3A_275, %parallel_loop3A_280 : vector<16xf32>
          %parallel_loop3A_282 = arith.constant 2097152 : i32
          %parallel_loop3A_283 = arith.muli %select_n3A, %parallel_loop3A_282 : i32
          %parallel_loop3A_284 = arith.constant 128 : i32
          %parallel_loop3A_285 = vector.broadcast %parallel_loop3A_284 : i32 to vector<16xi32>
          %parallel_loop3A_286 = arith.muli %parallel_loop3A_245, %parallel_loop3A_285 : vector<16xi32>
          %parallel_loop3A_287 = arith.addi %parallel_loop3A_286, %parallel_loop3A_262 : vector<16xi32>
          %parallel_loop3A_288 = arith.constant 128 : i32
          %parallel_loop3A_289 = vector.broadcast %parallel_loop3A_288 : i32 to vector<16xi32>
          %parallel_loop3A_290 = arith.muli %parallel_loop3A_287, %parallel_loop3A_289 : vector<16xi32>
          %parallel_loop3A_291 = vector.broadcast %parallel_loop3A_283 : i32 to vector<16xi32>
          %parallel_loop3A_292 = arith.addi %parallel_loop3A_291, %parallel_loop3A_290 : vector<16xi32>
          %parallel_loop3A_293 = arith.addi %parallel_loop3A_292, %parallel_loop3A_279 : vector<16xi32>
          %parallel_loop3A_294 = arith.constant 0 : i32
          %parallel_loop3A_295 = vector.broadcast %parallel_loop3A_294 : i32 to vector<16xi32>
          %parallel_loop3A_296 = arith.addi %parallel_loop3A_293, %parallel_loop3A_295 : vector<16xi32>
          %parallel_loop3A_297 = arith.index_cast %parallel_loop3A_215 : i32 to index
          %parallel_loop3A_298 = tpu.vector_load %arg8[%parallel_loop3A_297] {strides = array<i32>} : memref<2048xi32, #tpu.memory_space<vmem>>, vector<16xi32>,
          %parallel_loop3A_299 = vector.shape_cast %parallel_loop3A_298 : vector<16xi32> to vector<16xi32>
          %parallel_loop3A_300 = vector.shape_cast %parallel_loop3A_296 : vector<16xi32> to vector<16xi32>
          tpu.vector_store %arg8[%parallel_loop3A_297], %parallel_loop3A_300 {strides = array<i32>} : memref<2048xi32, #tpu.memory_space<vmem>>, vector<16xi32>,
          %parallel_loop3A_301 = arith.constant 1 : i32
          %parallel_loop3A_302 = vector.broadcast %parallel_loop3A_301 : i32 to vector<16xi32>
          %parallel_loop3A_303 = arith.addi %parallel_loop3A_293, %parallel_loop3A_302 : vector<16xi32>
          %parallel_loop3A_304 = arith.index_cast %parallel_loop3A_215 : i32 to index
          %parallel_loop3A_305 = tpu.vector_load %arg9[%parallel_loop3A_304] {strides = array<i32>} : memref<2048xi32, #tpu.memory_space<vmem>>, vector<16xi32>,
          %parallel_loop3A_306 = vector.shape_cast %parallel_loop3A_305 : vector<16xi32> to vector<16xi32>
          %parallel_loop3A_307 = vector.shape_cast %parallel_loop3A_303 : vector<16xi32> to vector<16xi32>
          tpu.vector_store %arg9[%parallel_loop3A_304], %parallel_loop3A_307 {strides = array<i32>} : memref<2048xi32, #tpu.memory_space<vmem>>, vector<16xi32>,
          %parallel_loop3A_308 = arith.constant 128 : i32
          %parallel_loop3A_309 = vector.broadcast %parallel_loop3A_308 : i32 to vector<16xi32>
          %parallel_loop3A_310 = arith.addi %parallel_loop3A_293, %parallel_loop3A_309 : vector<16xi32>
          %parallel_loop3A_311 = arith.index_cast %parallel_loop3A_215 : i32 to index
          %parallel_loop3A_312 = tpu.vector_load %arg10[%parallel_loop3A_311] {strides = array<i32>} : memref<2048xi32, #tpu.memory_space<vmem>>, vector<16xi32>,
          %parallel_loop3A_313 = vector.shape_cast %parallel_loop3A_312 : vector<16xi32> to vector<16xi32>
          %parallel_loop3A_314 = vector.shape_cast %parallel_loop3A_310 : vector<16xi32> to vector<16xi32>
          tpu.vector_store %arg10[%parallel_loop3A_311], %parallel_loop3A_314 {strides = array<i32>} : memref<2048xi32, #tpu.memory_space<vmem>>, vector<16xi32>,
          %parallel_loop3A_315 = arith.constant 129 : i32
          %parallel_loop3A_316 = vector.broadcast %parallel_loop3A_315 : i32 to vector<16xi32>
          %parallel_loop3A_317 = arith.addi %parallel_loop3A_293, %parallel_loop3A_316 : vector<16xi32>
          %parallel_loop3A_318 = arith.index_cast %parallel_loop3A_215 : i32 to index
          %parallel_loop3A_319 = tpu.vector_load %arg11[%parallel_loop3A_318] {strides = array<i32>} : memref<2048xi32, #tpu.memory_space<vmem>>, vector<16xi32>,
          %parallel_loop3A_320 = vector.shape_cast %parallel_loop3A_319 : vector<16xi32> to vector<16xi32>
          %parallel_loop3A_321 = vector.shape_cast %parallel_loop3A_317 : vector<16xi32> to vector<16xi32>
          tpu.vector_store %arg11[%parallel_loop3A_318], %parallel_loop3A_321 {strides = array<i32>} : memref<2048xi32, #tpu.memory_space<vmem>>, vector<16xi32>,
          %parallel_loop3A_322 = arith.constant 16384 : i32
          %parallel_loop3A_323 = vector.broadcast %parallel_loop3A_322 : i32 to vector<16xi32>
          %parallel_loop3A_324 = arith.addi %parallel_loop3A_293, %parallel_loop3A_323 : vector<16xi32>
          %parallel_loop3A_325 = arith.index_cast %parallel_loop3A_215 : i32 to index
          %parallel_loop3A_326 = tpu.vector_load %arg12[%parallel_loop3A_325] {strides = array<i32>} : memref<2048xi32, #tpu.memory_space<vmem>>, vector<16xi32>,
          %parallel_loop3A_327 = vector.shape_cast %parallel_loop3A_326 : vector<16xi32> to vector<16xi32>
          %parallel_loop3A_328 = vector.shape_cast %parallel_loop3A_324 : vector<16xi32> to vector<16xi32>
          tpu.vector_store %arg12[%parallel_loop3A_325], %parallel_loop3A_328 {strides = array<i32>} : memref<2048xi32, #tpu.memory_space<vmem>>, vector<16xi32>,
          %parallel_loop3A_329 = arith.constant 16385 : i32
          %parallel_loop3A_330 = vector.broadcast %parallel_loop3A_329 : i32 to vector<16xi32>
          %parallel_loop3A_331 = arith.addi %parallel_loop3A_293, %parallel_loop3A_330 : vector<16xi32>
          %parallel_loop3A_332 = arith.index_cast %parallel_loop3A_215 : i32 to index
          %parallel_loop3A_333 = tpu.vector_load %arg13[%parallel_loop3A_332] {strides = array<i32>} : memref<2048xi32, #tpu.memory_space<vmem>>, vector<16xi32>,
          %parallel_loop3A_334 = vector.shape_cast %parallel_loop3A_333 : vector<16xi32> to vector<16xi32>
          %parallel_loop3A_335 = vector.shape_cast %parallel_loop3A_331 : vector<16xi32> to vector<16xi32>
          tpu.vector_store %arg13[%parallel_loop3A_332], %parallel_loop3A_335 {strides = array<i32>} : memref<2048xi32, #tpu.memory_space<vmem>>, vector<16xi32>,
          %parallel_loop3A_336 = arith.constant 16512 : i32
          %parallel_loop3A_337 = vector.broadcast %parallel_loop3A_336 : i32 to vector<16xi32>
          %parallel_loop3A_338 = arith.addi %parallel_loop3A_293, %parallel_loop3A_337 : vector<16xi32>
          %parallel_loop3A_339 = arith.index_cast %parallel_loop3A_215 : i32 to index
          %parallel_loop3A_340 = tpu.vector_load %arg14[%parallel_loop3A_339] {strides = array<i32>} : memref<2048xi32, #tpu.memory_space<vmem>>, vector<16xi32>,
          %parallel_loop3A_341 = vector.shape_cast %parallel_loop3A_340 : vector<16xi32> to vector<16xi32>
          %parallel_loop3A_342 = vector.shape_cast %parallel_loop3A_338 : vector<16xi32> to vector<16xi32>
          tpu.vector_store %arg14[%parallel_loop3A_339], %parallel_loop3A_342 {strides = array<i32>} : memref<2048xi32, #tpu.memory_space<vmem>>, vector<16xi32>,
          %parallel_loop3A_343 = arith.constant 16513 : i32
          %parallel_loop3A_344 = vector.broadcast %parallel_loop3A_343 : i32 to vector<16xi32>
          %parallel_loop3A_345 = arith.addi %parallel_loop3A_293, %parallel_loop3A_344 : vector<16xi32>
          %parallel_loop3A_346 = arith.index_cast %parallel_loop3A_215 : i32 to index
          %parallel_loop3A_347 = tpu.vector_load %arg15[%parallel_loop3A_346] {strides = array<i32>} : memref<2048xi32, #tpu.memory_space<vmem>>, vector<16xi32>,
          %parallel_loop3A_348 = vector.shape_cast %parallel_loop3A_347 : vector<16xi32> to vector<16xi32>
          %parallel_loop3A_349 = vector.shape_cast %parallel_loop3A_345 : vector<16xi32> to vector<16xi32>
          tpu.vector_store %arg15[%parallel_loop3A_346], %parallel_loop3A_349 {strides = array<i32>} : memref<2048xi32, #tpu.memory_space<vmem>>, vector<16xi32>,
          %parallel_loop3A_350 = arith.index_cast %parallel_loop3A_215 : i32 to index
          %parallel_loop3A_351 = tpu.vector_load %arg5[%parallel_loop3A_350] {strides = array<i32>} : memref<2048xf32, #tpu.memory_space<vmem>>, vector<16xf32>,
          %parallel_loop3A_352 = vector.shape_cast %parallel_loop3A_351 : vector<16xf32> to vector<16xf32>
          %parallel_loop3A_353 = vector.shape_cast %parallel_loop3A_247 : vector<16xf32> to vector<16xf32>
          tpu.vector_store %arg5[%parallel_loop3A_350], %parallel_loop3A_353 {strides = array<i32>} : memref<2048xf32, #tpu.memory_space<vmem>>, vector<16xf32>,
          %parallel_loop3A_354 = arith.index_cast %parallel_loop3A_215 : i32 to index
          %parallel_loop3A_355 = tpu.vector_load %arg6[%parallel_loop3A_354] {strides = array<i32>} : memref<2048xf32, #tpu.memory_space<vmem>>, vector<16xf32>,
          %parallel_loop3A_356 = vector.shape_cast %parallel_loop3A_355 : vector<16xf32> to vector<16xf32>
          %parallel_loop3A_357 = vector.shape_cast %parallel_loop3A_264 : vector<16xf32> to vector<16xf32>
          tpu.vector_store %arg6[%parallel_loop3A_354], %parallel_loop3A_357 {strides = array<i32>} : memref<2048xf32, #tpu.memory_space<vmem>>, vector<16xf32>,
          %parallel_loop3A_358 = arith.index_cast %parallel_loop3A_215 : i32 to index
          %parallel_loop3A_359 = tpu.vector_load %arg7[%parallel_loop3A_358] {strides = array<i32>} : memref<2048xf32, #tpu.memory_space<vmem>>, vector<16xf32>,
          %parallel_loop3A_360 = vector.shape_cast %parallel_loop3A_359 : vector<16xf32> to vector<16xf32>
          %parallel_loop3A_361 = vector.shape_cast %parallel_loop3A_281 : vector<16xf32> to vector<16xf32>
          tpu.vector_store %arg7[%parallel_loop3A_358], %parallel_loop3A_361 {strides = array<i32>} : memref<2048xf32, #tpu.memory_space<vmem>>, vector<16xf32>,
        } {sc.loop_unroll_factor = 4 : i64, sc.parallel_access}
        %dma_start3A_197 = arith.constant 0 : i32
        %dma_start3A_198 = tpu.memref_slice %arg2[%dma_start3A_197] : memref<4194304xf32, #tpu.memory_space<hbm>> -> memref<4194304xf32, #tpu.memory_space<hbm>>
        tpu.enqueue_indirect_dma source(%dma_start3A_198 : memref<4194304xf32, #tpu.memory_space<hbm>>) target(%arg16 : memref<2048xf32, #tpu.memory_space<vmem>>) offsets(%arg8 : memref<2048xi32, #tpu.memory_space<vmem>>) semaphore(%arg44 : memref<!tpu.dma_semaphore, #tpu.memory_space<semaphore_mem>>)
        %dma_start3A_199 = arith.constant 0 : i32
        %dma_start3A_200 = tpu.memref_slice %arg2[%dma_start3A_199] : memref<4194304xf32, #tpu.memory_space<hbm>> -> memref<4194304xf32, #tpu.memory_space<hbm>>
        tpu.enqueue_indirect_dma source(%dma_start3A_200 : memref<4194304xf32, #tpu.memory_space<hbm>>) target(%arg17 : memref<2048xf32, #tpu.memory_space<vmem>>) offsets(%arg9 : memref<2048xi32, #tpu.memory_space<vmem>>) semaphore(%arg44 : memref<!tpu.dma_semaphore, #tpu.memory_space<semaphore_mem>>)
        %dma_start3A_201 = arith.constant 0 : i32
        %dma_start3A_202 = tpu.memref_slice %arg2[%dma_start3A_201] : memref<4194304xf32, #tpu.memory_space<hbm>> -> memref<4194304xf32, #tpu.memory_space<hbm>>
        tpu.enqueue_indirect_dma source(%dma_start3A_202 : memref<4194304xf32, #tpu.memory_space<hbm>>) target(%arg18 : memref<2048xf32, #tpu.memory_space<vmem>>) offsets(%arg10 : memref<2048xi32, #tpu.memory_space<vmem>>) semaphore(%arg44 : memref<!tpu.dma_semaphore, #tpu.memory_space<semaphore_mem>>)
        %dma_start3A_203 = arith.constant 0 : i32
        %dma_start3A_204 = tpu.memref_slice %arg2[%dma_start3A_203] : memref<4194304xf32, #tpu.memory_space<hbm>> -> memref<4194304xf32, #tpu.memory_space<hbm>>
        tpu.enqueue_indirect_dma source(%dma_start3A_204 : memref<4194304xf32, #tpu.memory_space<hbm>>) target(%arg19 : memref<2048xf32, #tpu.memory_space<vmem>>) offsets(%arg11 : memref<2048xi32, #tpu.memory_space<vmem>>) semaphore(%arg44 : memref<!tpu.dma_semaphore, #tpu.memory_space<semaphore_mem>>)
        %dma_start3A_205 = arith.constant 0 : i32
        %dma_start3A_206 = tpu.memref_slice %arg2[%dma_start3A_205] : memref<4194304xf32, #tpu.memory_space<hbm>> -> memref<4194304xf32, #tpu.memory_space<hbm>>
        tpu.enqueue_indirect_dma source(%dma_start3A_206 : memref<4194304xf32, #tpu.memory_space<hbm>>) target(%arg20 : memref<2048xf32, #tpu.memory_space<vmem>>) offsets(%arg12 : memref<2048xi32, #tpu.memory_space<vmem>>) semaphore(%arg44 : memref<!tpu.dma_semaphore, #tpu.memory_space<semaphore_mem>>)
        %dma_start3A_207 = arith.constant 0 : i32
        %dma_start3A_208 = tpu.memref_slice %arg2[%dma_start3A_207] : memref<4194304xf32, #tpu.memory_space<hbm>> -> memref<4194304xf32, #tpu.memory_space<hbm>>
        tpu.enqueue_indirect_dma source(%dma_start3A_208 : memref<4194304xf32, #tpu.memory_space<hbm>>) target(%arg21 : memref<2048xf32, #tpu.memory_space<vmem>>) offsets(%arg13 : memref<2048xi32, #tpu.memory_space<vmem>>) semaphore(%arg44 : memref<!tpu.dma_semaphore, #tpu.memory_space<semaphore_mem>>)
        %dma_start3A_209 = arith.constant 0 : i32
        %dma_start3A_210 = tpu.memref_slice %arg2[%dma_start3A_209] : memref<4194304xf32, #tpu.memory_space<hbm>> -> memref<4194304xf32, #tpu.memory_space<hbm>>
        tpu.enqueue_indirect_dma source(%dma_start3A_210 : memref<4194304xf32, #tpu.memory_space<hbm>>) target(%arg22 : memref<2048xf32, #tpu.memory_space<vmem>>) offsets(%arg14 : memref<2048xi32, #tpu.memory_space<vmem>>) semaphore(%arg44 : memref<!tpu.dma_semaphore, #tpu.memory_space<semaphore_mem>>)
        %dma_start3A_211 = arith.constant 0 : i32
        %dma_start3A_212 = tpu.memref_slice %arg2[%dma_start3A_211] : memref<4194304xf32, #tpu.memory_space<hbm>> -> memref<4194304xf32, #tpu.memory_space<hbm>>
        tpu.enqueue_indirect_dma source(%dma_start3A_212 : memref<4194304xf32, #tpu.memory_space<hbm>>) target(%arg23 : memref<2048xf32, #tpu.memory_space<vmem>>) offsets(%arg15 : memref<2048xi32, #tpu.memory_space<vmem>>) semaphore(%arg44 : memref<!tpu.dma_semaphore, #tpu.memory_space<semaphore_mem>>)
      } else {
      }
      %dma_wait3A_149 = arith.constant 0 : i32
      %dma_wait3A_150 = tpu.memref_slice %arg2[%dma_wait3A_149] : memref<4194304xf32, #tpu.memory_space<hbm>> -> memref<4194304xf32, #tpu.memory_space<hbm>>
      tpu.wait_indirect_dma semaphore(%arg45 : memref<!tpu.dma_semaphore, #tpu.memory_space<semaphore_mem>>) src(%dma_wait3A_150 : memref<4194304xf32, #tpu.memory_space<hbm>>) dst(%arg35 : memref<2048xf32, #tpu.memory_space<vmem>>)
      %dma_wait3A_151 = arith.constant 0 : i32
      %dma_wait3A_152 = tpu.memref_slice %arg2[%dma_wait3A_151] : memref<4194304xf32, #tpu.memory_space<hbm>> -> memref<4194304xf32, #tpu.memory_space<hbm>>
      tpu.wait_indirect_dma semaphore(%arg45 : memref<!tpu.dma_semaphore, #tpu.memory_space<semaphore_mem>>) src(%dma_wait3A_152 : memref<4194304xf32, #tpu.memory_space<hbm>>) dst(%arg36 : memref<2048xf32, #tpu.memory_space<vmem>>)
      %dma_wait3A_153 = arith.constant 0 : i32
      %dma_wait3A_154 = tpu.memref_slice %arg2[%dma_wait3A_153] : memref<4194304xf32, #tpu.memory_space<hbm>> -> memref<4194304xf32, #tpu.memory_space<hbm>>
      tpu.wait_indirect_dma semaphore(%arg45 : memref<!tpu.dma_semaphore, #tpu.memory_space<semaphore_mem>>) src(%dma_wait3A_154 : memref<4194304xf32, #tpu.memory_space<hbm>>) dst(%arg37 : memref<2048xf32, #tpu.memory_space<vmem>>)
      %dma_wait3A_155 = arith.constant 0 : i32
      %dma_wait3A_156 = tpu.memref_slice %arg2[%dma_wait3A_155] : memref<4194304xf32, #tpu.memory_space<hbm>> -> memref<4194304xf32, #tpu.memory_space<hbm>>
      tpu.wait_indirect_dma semaphore(%arg45 : memref<!tpu.dma_semaphore, #tpu.memory_space<semaphore_mem>>) src(%dma_wait3A_156 : memref<4194304xf32, #tpu.memory_space<hbm>>) dst(%arg38 : memref<2048xf32, #tpu.memory_space<vmem>>)
      %dma_wait3A_157 = arith.constant 0 : i32
      %dma_wait3A_158 = tpu.memref_slice %arg2[%dma_wait3A_157] : memref<4194304xf32, #tpu.memory_space<hbm>> -> memref<4194304xf32, #tpu.memory_space<hbm>>
      tpu.wait_indirect_dma semaphore(%arg45 : memref<!tpu.dma_semaphore, #tpu.memory_space<semaphore_mem>>) src(%dma_wait3A_158 : memref<4194304xf32, #tpu.memory_space<hbm>>) dst(%arg39 : memref<2048xf32, #tpu.memory_space<vmem>>)
      %dma_wait3A_159 = arith.constant 0 : i32
      %dma_wait3A_160 = tpu.memref_slice %arg2[%dma_wait3A_159] : memref<4194304xf32, #tpu.memory_space<hbm>> -> memref<4194304xf32, #tpu.memory_space<hbm>>
      tpu.wait_indirect_dma semaphore(%arg45 : memref<!tpu.dma_semaphore, #tpu.memory_space<semaphore_mem>>) src(%dma_wait3A_160 : memref<4194304xf32, #tpu.memory_space<hbm>>) dst(%arg40 : memref<2048xf32, #tpu.memory_space<vmem>>)
      %dma_wait3A_161 = arith.constant 0 : i32
      %dma_wait3A_162 = tpu.memref_slice %arg2[%dma_wait3A_161] : memref<4194304xf32, #tpu.memory_space<hbm>> -> memref<4194304xf32, #tpu.memory_space<hbm>>
      tpu.wait_indirect_dma semaphore(%arg45 : memref<!tpu.dma_semaphore, #tpu.memory_space<semaphore_mem>>) src(%dma_wait3A_162 : memref<4194304xf32, #tpu.memory_space<hbm>>) dst(%arg41 : memref<2048xf32, #tpu.memory_space<vmem>>)
      %dma_wait3A_163 = arith.constant 0 : i32
      %dma_wait3A_164 = tpu.memref_slice %arg2[%dma_wait3A_163] : memref<4194304xf32, #tpu.memory_space<hbm>> -> memref<4194304xf32, #tpu.memory_space<hbm>>
      tpu.wait_indirect_dma semaphore(%arg45 : memref<!tpu.dma_semaphore, #tpu.memory_space<semaphore_mem>>) src(%dma_wait3A_164 : memref<4194304xf32, #tpu.memory_space<hbm>>) dst(%arg42 : memref<2048xf32, #tpu.memory_space<vmem>>)
      %parallel_loop3A_165 = arith.constant 0 : i32
      %parallel_loop3A_166 = arith.constant 128 : i32
      %parallel_loop3A_167 = arith.constant 1 : i32
      scf.for %parallel_loop3A_171 = %parallel_loop3A_165 to %parallel_loop3A_166 step %parallel_loop3A_167  : i32 {
        %parallel_loop3A_172 = arith.constant 16 : i32
        %parallel_loop3A_173 = arith.muli %parallel_loop3A_171, %parallel_loop3A_172 : i32
        %parallel_loop3A_174 = arith.index_cast %parallel_loop3A_173 : i32 to index
        %parallel_loop3A_175 = tpu.vector_load %arg35[%parallel_loop3A_174] {strides = array<i32>} : memref<2048xf32, #tpu.memory_space<vmem>>, vector<16xf32>,
        %parallel_loop3A_176 = vector.shape_cast %parallel_loop3A_175 : vector<16xf32> to vector<16xf32>
        %parallel_loop3A_177 = arith.index_cast %parallel_loop3A_173 : i32 to index
        %parallel_loop3A_178 = tpu.vector_load %arg36[%parallel_loop3A_177] {strides = array<i32>} : memref<2048xf32, #tpu.memory_space<vmem>>, vector<16xf32>,
        %parallel_loop3A_179 = vector.shape_cast %parallel_loop3A_178 : vector<16xf32> to vector<16xf32>
        %parallel_loop3A_180 = arith.index_cast %parallel_loop3A_173 : i32 to index
        %parallel_loop3A_181 = tpu.vector_load %arg37[%parallel_loop3A_180] {strides = array<i32>} : memref<2048xf32, #tpu.memory_space<vmem>>, vector<16xf32>,
        %parallel_loop3A_182 = vector.shape_cast %parallel_loop3A_181 : vector<16xf32> to vector<16xf32>
        %parallel_loop3A_183 = arith.index_cast %parallel_loop3A_173 : i32 to index
        %parallel_loop3A_184 = tpu.vector_load %arg38[%parallel_loop3A_183] {strides = array<i32>} : memref<2048xf32, #tpu.memory_space<vmem>>, vector<16xf32>,
        %parallel_loop3A_185 = vector.shape_cast %parallel_loop3A_184 : vector<16xf32> to vector<16xf32>
        %parallel_loop3A_186 = arith.index_cast %parallel_loop3A_173 : i32 to index
        %parallel_loop3A_187 = tpu.vector_load %arg39[%parallel_loop3A_186] {strides = array<i32>} : memref<2048xf32, #tpu.memory_space<vmem>>, vector<16xf32>,
        %parallel_loop3A_188 = vector.shape_cast %parallel_loop3A_187 : vector<16xf32> to vector<16xf32>
        %parallel_loop3A_189 = arith.index_cast %parallel_loop3A_173 : i32 to index
        %parallel_loop3A_190 = tpu.vector_load %arg40[%parallel_loop3A_189] {strides = array<i32>} : memref<2048xf32, #tpu.memory_space<vmem>>, vector<16xf32>,
        %parallel_loop3A_191 = vector.shape_cast %parallel_loop3A_190 : vector<16xf32> to vector<16xf32>
        %parallel_loop3A_192 = arith.index_cast %parallel_loop3A_173 : i32 to index
        %parallel_loop3A_193 = tpu.vector_load %arg41[%parallel_loop3A_192] {strides = array<i32>} : memref<2048xf32, #tpu.memory_space<vmem>>, vector<16xf32>,
        %parallel_loop3A_194 = vector.shape_cast %parallel_loop3A_193 : vector<16xf32> to vector<16xf32>
        %parallel_loop3A_195 = arith.index_cast %parallel_loop3A_173 : i32 to index
        %parallel_loop3A_196 = tpu.vector_load %arg42[%parallel_loop3A_195] {strides = array<i32>} : memref<2048xf32, #tpu.memory_space<vmem>>, vector<16xf32>,
        %parallel_loop3A_197 = vector.shape_cast %parallel_loop3A_196 : vector<16xf32> to vector<16xf32>
        %parallel_loop3A_198 = arith.index_cast %parallel_loop3A_173 : i32 to index
        %parallel_loop3A_199 = tpu.vector_load %arg24[%parallel_loop3A_198] {strides = array<i32>} : memref<2048xf32, #tpu.memory_space<vmem>>, vector<16xf32>,
        %parallel_loop3A_200 = vector.shape_cast %parallel_loop3A_199 : vector<16xf32> to vector<16xf32>
        %parallel_loop3A_201 = arith.index_cast %parallel_loop3A_173 : i32 to index
        %parallel_loop3A_202 = tpu.vector_load %arg25[%parallel_loop3A_201] {strides = array<i32>} : memref<2048xf32, #tpu.memory_space<vmem>>, vector<16xf32>,
        %parallel_loop3A_203 = vector.shape_cast %parallel_loop3A_202 : vector<16xf32> to vector<16xf32>
        %parallel_loop3A_204 = arith.index_cast %parallel_loop3A_173 : i32 to index
        %parallel_loop3A_205 = tpu.vector_load %arg26[%parallel_loop3A_204] {strides = array<i32>} : memref<2048xf32, #tpu.memory_space<vmem>>, vector<16xf32>,
        %parallel_loop3A_206 = vector.shape_cast %parallel_loop3A_205 : vector<16xf32> to vector<16xf32>
        %parallel_loop3A_207 = arith.subf %parallel_loop3A_179, %parallel_loop3A_176 : vector<16xf32>
        %parallel_loop3A_208 = arith.mulf %parallel_loop3A_206, %parallel_loop3A_207 : vector<16xf32>
        %parallel_loop3A_209 = arith.addf %parallel_loop3A_176, %parallel_loop3A_208 : vector<16xf32>
        %parallel_loop3A_210 = arith.subf %parallel_loop3A_185, %parallel_loop3A_182 : vector<16xf32>
        %parallel_loop3A_211 = arith.mulf %parallel_loop3A_206, %parallel_loop3A_210 : vector<16xf32>
        %parallel_loop3A_212 = arith.addf %parallel_loop3A_182, %parallel_loop3A_211 : vector<16xf32>
        %parallel_loop3A_213 = arith.subf %parallel_loop3A_191, %parallel_loop3A_188 : vector<16xf32>
        %parallel_loop3A_214 = arith.mulf %parallel_loop3A_206, %parallel_loop3A_213 : vector<16xf32>
        %parallel_loop3A_215 = arith.addf %parallel_loop3A_188, %parallel_loop3A_214 : vector<16xf32>
        %parallel_loop3A_216 = arith.subf %parallel_loop3A_197, %parallel_loop3A_194 : vector<16xf32>
        %parallel_loop3A_217 = arith.mulf %parallel_loop3A_206, %parallel_loop3A_216 : vector<16xf32>
        %parallel_loop3A_218 = arith.addf %parallel_loop3A_194, %parallel_loop3A_217 : vector<16xf32>
        %parallel_loop3A_219 = arith.subf %parallel_loop3A_212, %parallel_loop3A_209 : vector<16xf32>
        %parallel_loop3A_220 = arith.mulf %parallel_loop3A_203, %parallel_loop3A_219 : vector<16xf32>
        %parallel_loop3A_221 = arith.addf %parallel_loop3A_209, %parallel_loop3A_220 : vector<16xf32>
        %parallel_loop3A_222 = arith.subf %parallel_loop3A_218, %parallel_loop3A_215 : vector<16xf32>
        %parallel_loop3A_223 = arith.mulf %parallel_loop3A_203, %parallel_loop3A_222 : vector<16xf32>
        %parallel_loop3A_224 = arith.addf %parallel_loop3A_215, %parallel_loop3A_223 : vector<16xf32>
        %parallel_loop3A_225 = arith.subf %parallel_loop3A_224, %parallel_loop3A_221 : vector<16xf32>
        %parallel_loop3A_226 = arith.mulf %parallel_loop3A_200, %parallel_loop3A_225 : vector<16xf32>
        %parallel_loop3A_227 = arith.addf %parallel_loop3A_221, %parallel_loop3A_226 : vector<16xf32>
        %parallel_loop3A_228 = arith.index_cast %parallel_loop3A_173 : i32 to index
        %parallel_loop3A_229 = tpu.vector_load %arg43[%parallel_loop3A_228] {strides = array<i32>} : memref<2048xf32, #tpu.memory_space<vmem>>, vector<16xf32>,
        %parallel_loop3A_230 = vector.shape_cast %parallel_loop3A_229 : vector<16xf32> to vector<16xf32>
        %parallel_loop3A_231 = vector.shape_cast %parallel_loop3A_227 : vector<16xf32> to vector<16xf32>
        tpu.vector_store %arg43[%parallel_loop3A_228], %parallel_loop3A_231 {strides = array<i32>} : memref<2048xf32, #tpu.memory_space<vmem>>, vector<16xf32>,
      } {sc.loop_unroll_factor = 4 : i64, sc.parallel_access}
      %mul3A_168 = arith.constant 2097152 : i32
      %mul3A_169 = arith.muli %select_n3A, %mul3A_168 : i32
      %add3A_170 = arith.addi %mul3A_169, %add3A_82 : i32
      "tpu.region"() ({
        %run_scoped3A = tpu.sem_alloc : memref<!tpu.dma_semaphore, #tpu.memory_space<semaphore_mem>>
        %dma_start3A_171 = tpu.memref_slice %arg4[%add3A_170] : memref<4194304xf32, #tpu.memory_space<hbm>> -> memref<2048xf32, #tpu.memory_space<hbm>>
        %dma_start3A_172 = tpu.memref_slice %arg4[%add3A_170] : memref<4194304xf32, #tpu.memory_space<hbm>> -> memref<2048xf32, #tpu.memory_space<hbm>>
        tpu.enqueue_dma source(%arg43 : memref<2048xf32, #tpu.memory_space<vmem>>) target(%dma_start3A_172 : memref<2048xf32, #tpu.memory_space<hbm>>) target_semaphore(%run_scoped3A : memref<!tpu.dma_semaphore, #tpu.memory_space<semaphore_mem>>)
        %dma_wait3A_173 = tpu.memref_slice %arg4[%add3A_170] : memref<4194304xf32, #tpu.memory_space<hbm>> -> memref<2048xf32, #tpu.memory_space<hbm>>
        %dma_wait3A_174 = tpu.memref_slice %arg4[%add3A_170] : memref<4194304xf32, #tpu.memory_space<hbm>> -> memref<2048xf32, #tpu.memory_space<hbm>>
        tpu.wait_dma2 semaphore(%run_scoped3A : memref<!tpu.dma_semaphore, #tpu.memory_space<semaphore_mem>>) src(%arg43 : memref<2048xf32, #tpu.memory_space<vmem>>) dst(%dma_wait3A_174 : memref<2048xf32, #tpu.memory_space<hbm>>)
        tpu.yield
      }) : () -> ()
    }
    %scan3A_74 = arith.constant 32 : i32
    return
  }
}

</mosaic_0001>

<sc_bundles>
// kernel: kernel.3.cloned.1.call-start
scs
__scs_entry_jumppad:
0x0: {  	(pc) =	sbr.rel $0x88, $3  }
0x1: {  	(tag) =	ssettag $0x0;
	lr =	simm.s32 $0x1  }
0x2: {  	[smem:$0x3F9F] =	sst lr;
	_ =	strace $0xD0000000  }
0x3: {  	_ = 	snop  }
0x4: {  	_ = 	snop  }
0x5: {  	_ = 	snop  }
0x6: {  	_ = 	snop  }
0x7: {  	_ = 	snop  }
__scs_overlays_trampoline_lowered:
0x8: {  	[smem:$0x3FAE] =	sst s0  }
0x9: {  	[smem:$0x3FAF] =	sst s1  }
0xa: {  	[smem:$0x3FB0] =	sst s2  }
0xb: {  	[smem:$0x3FB1] =	sst s3  }
0xc: {  	[smem:$0x3FB2] =	sst s4  }
0xd: {  	[smem:$0x3FB3] =	sst s5  }
0xe: {  	[smem:$0x3FB4] =	sst s6  }
0xf: {  	[smem:$0x3FB5] =	sst s7  }
0x10: {  	[smem:$0x3FB6] =	sst s8  }
0x11: {  	[smem:$0x3FB7] =	sst s9;
	s0 =	simm.s32 @!p0 $0x0  }
0x12: {  	s1 =	sld [smem:$0x3F9D];
	s0 =	simm.s32 @p0 $0x1  }
0x13: {  	[smem:$0x3FB8] =	sst s0;
	s0 =	simm.s32 @!p1 $0x0  }
0x14: {  	s2 =	sld [smem:$0x3F9C];
	s0 =	simm.s32 @p1 $0x1  }
0x15: {  	[smem:$0x3FB9] =	sst s0;
	s0 =	simm.s32 @!p2 $0x0  }
0x16: {  	s3 =	sld [smem:$0x3FDB];
	s0 =	simm.s32 @p2 $0x1  }
0x17: {  	s4 =	simm.s32 $0x1BF5;
	[smem:$0x3FBB] =	sst s0  }
0x18: {  	s0 =	sld [smem:$0x3F9E];
	_ =	swait.ge [sflag:s4], $0x0  }
0x19: {  	s7 =	sld [smem:$0x3F9F]  }
0x1a: {  	s8 =	sadd.s32 $0xFFFFE003, lr  }
0x1b: {  	s9 =	sadd.s32 $0xFFFFFEF7, lr;
	s5 =	simm.s32 $0xFFFFFFFF;
	p2 =	slt.u32 s8, $0xFFFFF086  }
0x1c: {  	p1 =	slt.u32 s9, $0xF7A;
	s5 =	simm.s32 @!p2 $0x0  }
0x1d: {  	s5 =	simm.s32 @p1 $0x1;
	p0 =	seq.s32 s7, s2  }
0x1e: {  	s7 =	smul.u32 @!p0 $0xF7A, s2;
	p2 =	seq.s32 @!p0 s5, $0x0  }
0x1f: {  	s9 =	smul.u32 $0xF7A, s1;
	s8 =	simm.s32 @!p0 $0x1BF5;
	p2 =	por !p2, p0  }
0x20: {  	[sflag:s8] =	ssyncset.s32 @!p0 $0xFFFFF086;
	s6 =	sadd.s32 @!p0 s3, s7;
	s7 =	simm.s32 @!p0 $0x108  }
0x21: {  	s3 =	sadd.s32 s3, s9;
	s6 =	sadd.s32 @!p0 $0x88, s6;
	s7 =	simm.s32 @p2 $0x1082  }
0x22: {  	[simem:s7], [sflag:s8] =	dma.local @!p0 [hbm:s6], $0xF7A  }
0x23: {  	s9 =	sor.u32 $0xD0000000, s2;
	s6 =	simm.s32 $0x108;
	_ =	swait.ge @!p0 [sflag:s8], $0x0  }
0x24: {  	s3 =	sadd.s32 $0x88, s3;
	s6 =	simm.s32 @!p1 $0x1082;
	[sflag:s4] =	ssyncset.s32 $0xFFFFF086  }
0x25: {  	[simem:s6], [sflag:s4] =	dma.local [hbm:s3], $0xF7A  }
0x26: {  	[smem:$0x3F9F] =	sst s1;
	(tag) =	ssettag s2;
	_ =	strace s9  }
0x27: {  	s1 =	sld [smem:$0x3FAF]  }
0x28: {  	s2 =	sld [smem:$0x3FB0]  }
0x29: {  	s4 =	sld [smem:$0x3FB2]  }
0x2a: {  	p0 =	seq.s32 s5, $0x0;
	s5 =	sld [smem:$0x3FB3]  }
0x2b: {  	s6 =	sld [smem:$0x3FB4]  }
0x2c: {  	s7 =	sld [smem:$0x3FB5]  }
0x2d: {  	s3 =	simm.s32 $0x108;
	s8 =	sld [smem:$0x3FB6]  }
0x2e: {  	s3 =	simm.s32 @!p0 $0x1082;
	s9 =	sld [smem:$0x3FB7]  }
0x2f: {  	lr =	sadd.s32 s0, s3;
	s0 =	sld [smem:$0x3FAE]  }
0x30: {  	s3 =	sld [smem:$0x3FB1]  }
0x31: {  	[smem:$0x3FBA] =	sst s10  }
0x32: {  	s10 =	sld [smem:$0x3FB8];
	_ =	sdelay $0x3  }
0x33: {  	p0 =	seq.s32 s10, $0x1;
	s10 =	sld [smem:$0x3FBA];
	_ =	sdelay $0x3  }
0x34: {  	[smem:$0x3FBA] =	sst s10  }
0x35: {  	s10 =	sld [smem:$0x3FB9];
	_ =	sdelay $0x3  }
0x36: {  	p1 =	seq.s32 s10, $0x1;
	s10 =	sld [smem:$0x3FBA];
	_ =	sdelay $0x3  }
0x37: {  	[smem:$0x3FBA] =	sst s10  }
0x38: {  	s10 =	sld [smem:$0x3FBB]  }
0x39: {  	_ = 	snop;
	(pc) =	sbr.ind lr, $3  }
0x3a: {  	_ = 	snop  }
0x3b: {  	_ = 	snop  }
0x3c: {  	p2 =	seq.s32 s10, $0x1;
	s10 =	sld [smem:$0x3FBA]  }
0x3d: {  	_ =	shalt  }
0x3e: {  	_ =	shalt  }
0x3f: {  	_ =	shalt  }
0x40: {  	_ =	shalt  }
0x41: {  	_ =	shalt  }
0x42: {  	_ =	shalt  }
0x43: {  	_ =	shalt  }
0x44: {  	_ =	shalt  }
0x45: {  	_ =	shalt  }
0x46: {  	_ =	shalt  }
0x47: {  	_ =	shalt  }
0x48: {  	_ =	shalt  }
0x49: {  	_ =	shalt  }
0x4a: {  	_ =	shalt  }
0x4b: {  	_ =	shalt  }
0x4c: {  	_ =	shalt  }
0x4d: {  	_ =	shalt  }
0x4e: {  	_ =	shalt  }
0x4f: {  	_ =	shalt  }
0x50: {  	_ =	shalt  }
0x51: {  	_ =	shalt  }
0x52: {  	_ =	shalt  }
0x53: {  	_ =	shalt  }
0x54: {  	_ =	shalt  }
0x55: {  	_ =	shalt  }
0x56: {  	_ =	shalt  }
0x57: {  	_ =	shalt  }
0x58: {  	_ =	shalt  }
0x59: {  	_ =	shalt  }
0x5a: {  	_ =	shalt  }
0x5b: {  	_ =	shalt  }
0x5c: {  	_ =	shalt  }
0x5d: {  	_ =	shalt  }
0x5e: {  	_ =	shalt  }
0x5f: {  	_ =	shalt  }
0x60: {  	_ =	shalt  }
0x61: {  	_ =	shalt  }
0x62: {  	_ =	shalt  }
0x63: {  	_ =	shalt  }
0x64: {  	_ =	shalt  }
0x65: {  	_ =	shalt  }
0x66: {  	_ =	shalt  }
0x67: {  	_ =	shalt  }
0x68: {  	_ =	shalt  }
0x69: {  	_ =	shalt  }
0x6a: {  	_ =	shalt  }
0x6b: {  	_ =	shalt  }
0x6c: {  	_ =	shalt  }
0x6d: {  	_ =	shalt  }
0x6e: {  	_ =	shalt  }
0x6f: {  	_ =	shalt  }
0x70: {  	_ =	shalt  }
0x71: {  	_ =	shalt  }
0x72: {  	_ =	shalt  }
0x73: {  	_ =	shalt  }
0x74: {  	_ =	shalt  }
0x75: {  	_ =	shalt  }
0x76: {  	_ =	shalt  }
0x77: {  	_ =	shalt  }
0x78: {  	_ =	shalt  }
0x79: {  	_ =	shalt  }
0x7a: {  	_ =	shalt  }
0x7b: {  	_ =	shalt  }
0x7c: {  	_ =	shalt  }
0x7d: {  	_ =	shalt  }
0x7e: {  	_ =	shalt  }
0x7f: {  	_ =	shalt  }
0x80: {  	_ =	shalt  }
0x81: {  	_ =	shalt  }
0x82: {  	_ =	shalt  }
0x83: {  	_ =	shalt  }
0x84: {  	_ =	shalt  }
0x85: {  	_ =	shalt  }
0x86: {  	_ =	shalt  }
0x87: {  	_ =	shalt  }
.Lfunc_end0:
.L_simem_size_0:
called_computation_lowered:
.L_overlay_start_0:
0x88: {  	s2 =	sld [smem:$0x3FD9]  }
0x89: {  	s3 =	sld [smem:$0x3FFE];
	_ =	sdelay $0x1  }
0x8a: {  	s1 =	srdreg.scid  }
0x8b: {  	s0 =	sand.u32 $0x1, s1  }
0x8c: {  	s18 =	sshll.u32 s0, $0xA;
	s2 =	sadd.s32 s3, s2  }
0x8d: {  	s2 =	sadd.s32 s2, s18  }
0x8e: {  	[smem:$0x3FC6] =	sst s2  }
0x8f: {  	_ = 	snop  }
0x90: {  	s2 =	sld [smem:$0x3FC9]  }
0x91: {  	s19 =	sld [smem:$0x3FC8]  }
0x92: {  	s4 =	sld [smem:$0x3FD0];
	(tm) =	ssettm $0x1  }
0x93: {  	s5 =	sld [smem:$0x3FFB];
	_ =	sdelay $0x3  }
0x94: {  	_ =	strace s5  }
0x95: {  	s5 =	sld [smem:$0x3FFC];
	_ =	sdelay $0x3  }
0x96: {  	_ =	strace s5  }
0x97: {  	s5 =	sld [smem:$0x3FFD];
	_ =	sdelay $0x3  }
0x98: {  	_ =	strace s5  }
0x99: {  	_ =	strace $0x8FFFFFFF  }
0x9a: {  	s20 =	sld [smem:$0x3FDB];
	_ =	sdelay $0x1  }
0x9b: {  	s6 =	simm.s32 $_scs_section_size  }
0x9c: {  	s7 =	simm.s32 $_size__tile_overlayer_lowered;
	s8 =	simm.s32 $_tile_overlayer_lowered  }
0x9d: {  	s23 =	simm.s32 $0x1BFF;
	s22 =	sshll.u32 s8, $0x1;
	s5 =	sadd.s32 s6, s20  }
0x9e: {  	s9 =	simm.s32 $0x0;
	s21 =	sshll.u32 s7, $0x1;
	s7 =	sadd.s32 s22, s5  }
0x9f: {  	[timem:s9], [sflag:s23] =	dma.local [hbm:s7], s21  }
0xa0: {  	_ =	swait.ge [sflag:s23], s21  }
0xa1: {  	s6 =	ssub.s32 $0x0, s21;
	[sflag:s23] =	ssyncset.done $0x0  }
0xa2: {  	[sflag:s23] =	ssyncadd.s32 s6;
	_ =	sdelay $0x1  }
0xa3: {  	s24 =	simm.s32 $0x1B8B  }
0xa4: {  	_ =	swait.ge [sflag:s24], $0x1  }
0xa5: {  	[sflag:s24] =	ssyncset.done $0x0  }
0xa6: {  	s25 =	simm.s32 $0x1B8E;
	[sflag:s24] =	ssyncadd.s32 $0xFFFFFFFF  }
0xa7: {  	s26 =	simm.s32 $execute0_lowered;
	[smem:$0x3FD2] =	sst s25  }
0xa8: {  	s6 =	sshll.u32 s26, $0x1;
	_ =	strace $0x80000046;
	[dreg:$0x1] =	wrdreg $0xFFFFFFFF  }
0xa9: {  	s28 =	simm.s32 $_size_execute0_lowered;
	s5 =	sadd.s32 s5, s6;
	[dreg:$0x0] =	wrdreg $0x0  }
0xaa: {  	s6 =	sshll.u32 s28, $0x1;
	[dreg:$0x2] =	wrdreg s5  }
0xab: {  	[dreg:$0x3] =	wrdreg s6  }
0xac: {  	[dreg:$0x4] =	wrdreg $0xC0  }
0xad: {  	_ =	task [dreg:s9], $0x5FFFF  }
0xae: {  	[dreg:$0x1] =	wrdreg $0xFFFFFFFF  }
0xaf: {  	[dreg:$0x0] =	wrdreg $0x60  }
0xb0: {  	[dreg:$0x2] =	wrdreg s2  }
0xb1: {  	[dreg:$0x3] =	wrdreg s19  }
0xb2: {  	[dreg:$0x4] =	wrdreg s4  }
0xb3: {  	[dreg:$0x5] =	wrdreg $0x9  }
0xb4: {  	_ =	task.clear_ibuf [dreg:s9], $0x6FFFF;
	_ =	strace $0x90000046  }
0xb5: {  	s29 =	simm.s32 $0x9;
	_ =	strace $0x80000048  }
0xb6: {  	_ =	swait.ge [sflag:s29], $0x1  }
0xb7: {  	[sflag:s29] =	ssyncadd.s32 $0xFFFFFFFF  }
0xb8: {  	_ =	strace $0x90000048  }
0xb9: {  	_ =	sfence  }
0xba: {  	s30 =	sld [smem:$0x0];
	_ =	sdelay $0x2  }
0xbb: {  	s31 =	sshll.u32 s1, $0xD;
	s1 =	sshrl.u32 s1, $0x2  }
0xbc: {  	s3 =	sand.u32 $0x4000, s31;
	s1 =	sadd.s32 s1, s30  }
0xbd: {  	s0 =	sor.u32 s3, s0;
	s1 =	sshll.u32 s1, $0x11  }
0xbe: {  	s0 =	sor.u32 s1, s0  }
0xbf: {  	s0 =	sadd.s32 $0x8F2B, s0  }
0xc0: {  	[sflag:s0] =	ssyncadd.remote.s32 $0x1  }
0xc1: {  	_ =	sfence.sel $0xFFFF  }
0xc2: {  	[dreg:$0x0] =	wrdreg $0xFFFFFFFF;
	(pc) =	sbr.abs _section_cstart, $3  }
0xc3: {  	[dreg:$0x1] =	wrdreg $0xFFFFFFFF  }
0xc4: {  	_ =	task.clear_ibuf [dreg:s9], $0x2FFFF;
	_ =	strace $0x9FFFFFFF  }
0xc5: {  	(tm) =	ssettm $0x7FFFFFFF  }
tec
execute0_lowered:
.L_overlay_start_1:
0x0: {  	(tag) =	ssettag $0x1  }
0x1: {  	s0 =	srdreg.scid  }
0x2: {  	s1 =	stileid.u32;
	s3 =	rddreg [dreg:$0x2]  }
0x3: {  	s6 =	simm.s32 $0x1;
	s4 =	simm.s32 $0x0;
	s18 =	simm.s32 $0x3  }
0x4: {  	s19 =	simm.s32 $0x800;
	s14 =	simm.s32 $0xE800;
	s16 =	simm.s32 $0x12800  }
0x5: {  	s5 =	sand.u32 $0x1, s0;
	s0 =	rddreg [dreg:$0x0];
	p0 =	sne.s32 s1, $0x0  }
0x6: {  	[smem:$0x7FF] =	sst s4;
	s2 =	sor.u32 s1, s5;
	s7 =	ssub.s32 $0x2, s5  }
0x7: {  	p1 =	seq.s32 s2, $0x0;
	s2 =	rddreg [dreg:$0x1];
	s23 =	sshrl.u32 s7, $0x1  }
0x8: {  	_ =	strace $0x80000047;
	p1 =	por !p0, !p1;
	s11 =	ssub.s32 s7, s23  }
0x9: {  	s7 =	sshll.u32 s1, $0x11;
	p1 =	por !p1, !p1;
	s28 =	smax.u32 s11, $0x1  }
0xa: {  	s29 =	sor.u32 $0x30, s7;
	s6 =	simm.s32 @!p1 $0x0;
	[dreg:$0x7] =	wrdreg s28  }
0xb: {  	s30 =	sor.u32 $0x830, s7;
	[dreg:$0x8] =	wrdreg s29;
	s10 =	ssub.s32 s5, s6  }
0xc: {  	s31 =	sor.u32 $0x1030, s7;
	[dreg:$0x9] =	wrdreg s30;
	s5 =	smul.u32 $0x600000, s10  }
0xd: {  	s17 =	simm.s32 $0x13000;
	s15 =	simm.s32 $0x2;
	[dreg:$0xa] =	wrdreg s31  }
0xe: {  	s6 =	simm.s32 $0x1;
	s1 =	sor.u32 s7, s5;
	s8 =	sadd.s32 $0x200000, s5  }
0xf: {  	s9 =	sadd.s32 $0x400000, s5;
	s1 =	sshrl.u32 s1, $0x3;
	s12 =	sor.u32 s7, s8  }
0x10: {  	s13 =	sor.u32 s7, s9;
	s1 =	sadd.s32 s2, s1;
	s24 =	sshrl.u32 s12, $0x3  }
0x11: {  	s25 =	sshrl.u32 s13, $0x3;
	[dreg:$0x4] =	wrdreg s1;
	s1 =	sadd.s32 s2, s24  }
0x12: {  	s13 =	sshll.u32 s10, $0x15;
	s26 =	sadd.s32 s2, s25;
	[dreg:$0x5] =	wrdreg s1  }
0x13: {  	v1 =	vlaneseq.u32;
	s12 =	simm.s32 $0x12000;
	s10 =	simm.s32 $0x0;
	v0 =	vmov s13;
	[dreg:$0x6] =	wrdreg s26  }
.LBB2_1:
0x14: {  	[dreg:$0xb] =	wrdreg s10  }
0x15: {  	s1 =	rddreg [dreg:$0x4]  }
0x16: {  	[tilespmem:s4], [sflag:$0x3] =	stream.linear.gather [hbm4b:s1+s4], $0x800, $0x38;
	[tilespmem:$0x13800] =	vst v63  }
0x17: {  	_ =	swait.ge [sflag:s18], $0x800  }
0x18: {  	[sflag:s18] =	ssyncset.done $0x0  }
0x19: {  	s26 =	rddreg [dreg:$0x5];
	[sflag:s18] =	ssyncadd.s32 $0xFFFFF800  }
0x1a: {  	[tilespmem:s19], [sflag:$0x3] =	stream.linear.gather [hbm4b:s26+s4], $0x800, $0x38;
	[tilespmem:$0x13800] =	vst v63  }
0x1b: {  	_ =	swait.ge [sflag:s18], $0x800  }
0x1c: {  	[sflag:s18] =	ssyncset.done $0x0  }
0x1d: {  	s29 =	simm.s32 $0x1000;
	s28 =	rddreg [dreg:$0x6];
	[sflag:s18] =	ssyncadd.s32 $0xFFFFF800  }
0x1e: {  	[tilespmem:s29], [sflag:$0x3] =	stream.linear.gather [hbm4b:s28+s4], $0x800, $0x38;
	[tilespmem:$0x13800] =	vst v63  }
0x1f: {  	_ =	swait.ge [sflag:s18], $0x800  }
0x20: {  	[sflag:s18] =	ssyncset.done $0x0;
	s23 =	rddreg [dreg:$0x8]  }
0x21: {  	s20 =	simm.s32 $0x0;
	[sflag:s18] =	ssyncadd.s32 $0xFFFFF800;
	s30 =	sadd.s32 $0xFFFFFFD0, s23;
	v3 =	vmov s23  }
0x22: {  	s31 =	sadd.s32 $0xFFFFFFE0, s23;
	s11 =	sadd.s32 $0xFFFFFFF0, s23;
	v10 =	vor.u32 s23, v1;
	v2 =	vld [tilespmem:s20+$0x30];
	v5 =	vmov s30;
	v6 =	vshrl.u32 v3, $0x7  }
0x23: {  	v4 =	vld [tilespmem:s20+$0x830];
	v3 =	vshrl.u32 v3, $0xE;
	v7 =	vmov s31;
	v9 =	vmov s11  }
0x24: {  	v10 =	vand.u32 $0x7F, v10;
	v17 =	vor.u32 s31, v1;
	v21 =	vld [tilespmem:s20+$0x800];
	v22 =	vor.u32 s11, v1  }
0x25: {  	v6 =	vand.u32 $0x7F, v6;
	v3 =	vcvt.s32.f32 v3;
	v11 =	vshrl.u32 v5, $0x7  }
0x26: {  	v17 =	vand.u32 $0x7F, v17;
	v6 =	vcvt.s32.f32 v6;
	v11 =	vand.u32 $0xF, v11  }
0x27: {  	v8 =	vld [tilespmem:s20+$0x1030];
	v22 =	vand.u32 $0x7F, v22;
	v11 =	vcvt.s32.f32 v11;
	v2 =	vadd.f32 v3, v2  }
0x28: {  	v14 =	vld [tilespmem:s20+$0x0];
	v3 =	vshrl.u32 v5, $0xE;
	v5 =	vadd.f32 v6, v4;
	v6 =	vcvt.s32.f32 v10  }
0x29: {  	v10 =	vshrl.u32 v7, $0x7;
	v7 =	vshrl.u32 v7, $0xE;
	v11 =	vadd.f32 v11, v21  }
0x2a: {  	v3 =	vcvt.s32.f32 v3;
	v10 =	vand.u32 $0x7F, v10;
	v7 =	vcvt.s32.f32 v7  }
0x2b: {  	v2 =	vmax.f32 v2, $0.0e+00;
	v10 =	vcvt.s32.f32 v10;
	v11 =	vmax.f32 v11, $0.0e+00  }
0x2c: {  	v4 =	vmin.f32 v2, $1.270000000e+02;
	v2 =	vmax.f32 v5, $0.0e+00;
	v5 =	vadd.f32 v6, v8  }
0x2d: {  	v19 =	vld [tilespmem:s20+$0x20];
	v8 =	vshrl.u32 v9, $0x7;
	v9 =	vshrl.u32 v9, $0xE;
	v3 =	vadd.f32 v3, v14  }
0x2e: {  	v14 =	vcvt.s32.f32 v22;
	v11 =	vmin.f32 v11, $1.270000000e+02;
	v12 =	vtrunc.f32 v4  }
0x2f: {  	v26 =	vld [tilespmem:s20+$0x820];
	v6 =	vmin.f32 v2, $1.270000000e+02;
	v8 =	vand.u32 $0x7F, v8;
	v9 =	vcvt.s32.f32 v9  }
0x30: {  	v2 =	vcvt.f32.s32 v12;
	v12 =	vtrunc.f32 v6;
	v5 =	vmax.f32 v5, $0.0e+00  }
0x31: {  	v8 =	vcvt.s32.f32 v8;
	v3 =	vmax.f32 v3, $0.0e+00;
	v12 =	vcvt.f32.s32 v12  }
0x32: {  	v16 =	vmin.f32 v5, $1.270000000e+02;
	v5 =	vor.u32 s30, v1;
	v9 =	vadd.f32 v9, v19  }
0x33: {  	vm0 =	vlt.s32 v2, $0x7E;
	v13 =	vtrunc.f32 v16;
	v5 =	vand.u32 $0x4F, v5  }
0x34: {  	v8 =	vadd.f32 v8, v26;
	v15 =	vnsel vm0, $0x7E, v2;
	vm10 =	vlt.s32 v12, $0x7E  }
0x35: {  	v2 =	vcvt.f32.s32 v13;
	v13 =	vld [tilespmem:s20+$0x10];
	v5 =	vcvt.s32.f32 v5;
	v12 =	vnsel vm10, $0x7E, v12  }
0x36: {  	v27 =	vld [tilespmem:s20+$0x1020];
	v18 =	vshll.u32 v15, $0xE;
	v8 =	vmax.f32 v8, $0.0e+00;
	v61 =	vcvt.s32.f32 v15  }
0x37: {  	v25 =	vld [tilespmem:s20+$0x1010];
	vm11 =	vlt.s32 v2, $0x7E;
	v20 =	vshll.u32 v12, $0x7;
	v18 =	vadd.s32 v0, v18  }
0x38: {  	v8 =	vmin.f32 v8, $1.270000000e+02;
	v23 =	vnsel vm11, $0x7E, v2;
	v2 =	vadd.s32 v20, v18;
	v18 =	vld [tilespmem:s20+$0x1000]  }
0x39: {  	v62 =	vcvt.s32.f32 v12;
	v20 =	vld [tilespmem:s20+$0x810];
	v2 =	vadd.s32 v23, v2;
	v23 =	vcvt.s32.f32 v23  }
0x3a: {  	v7 =	vadd.f32 v7, v13;
	v13 =	vcvt.s32.f32 v17;
	v17 =	vmin.f32 v3, $1.270000000e+02  }
0x3b: {  	v3 =	vmax.f32 v9, $0.0e+00;
	v9 =	vadd.f32 v14, v27;
	v27 =	vtrunc.f32 v8  }
0x3c: {  	v6 =	vsub.f32 v6, v62;
	v24 =	vadd.s32 $0x4081, v2;
	v27 =	vcvt.f32.s32 v27  }
0x3d: {  	v7 =	vmax.f32 v7, $0.0e+00;
	v13 =	vadd.f32 v13, v25;
	v9 =	vmax.f32 v9, $0.0e+00  }
0x3e: {  	v5 =	vadd.f32 v5, v18;
	v10 =	vadd.f32 v10, v20;
	v18 =	vmin.f32 v7, $1.270000000e+02  }
0x3f: {  	v20 =	vmin.f32 v3, $1.270000000e+02;
	v9 =	vmin.f32 v9, $1.270000000e+02;
	vm4 =	vlt.s32 v27, $0x7E  }
0x40: {  	v7 =	vmax.f32 v13, $0.0e+00;
	v13 =	vtrunc.f32 v18;
	v14 =	vtrunc.f32 v20  }
0x41: {  	v28 =	vtrunc.f32 v9;
	v27 =	vnsel vm4, $0x7E, v27;
	v3 =	vmax.f32 v5, $0.0e+00  }
0x42: {  	v5 =	vmax.f32 v10, $0.0e+00;
	v10 =	vtrunc.f32 v17;
	v22 =	vmin.f32 v7, $1.270000000e+02  }
0x43: {  	v7 =	vcvt.f32.s32 v13;
	v13 =	vadd.s32 $0x1, v2;
	v28 =	vcvt.f32.s32 v28  }
0x44: {  	v21 =	vmin.f32 v3, $1.270000000e+02;
	v3 =	vcvt.f32.s32 v10;
	v10 =	vcvt.f32.s32 v14  }
0x45: {  	v5 =	vmin.f32 v5, $1.270000000e+02;
	v14 =	vtrunc.f32 v11;
	v26 =	vtrunc.f32 v22  }
0x46: {  	v19 =	vtrunc.f32 v21;
	vm1 =	vlt.s32 v7, $0x7E;
	v25 =	vtrunc.f32 v5  }
0x47: {  	v14 =	vcvt.f32.s32 v14;
	v26 =	vcvt.f32.s32 v26;
	vm5 =	vlt.s32 v28, $0x7E  }
0x48: {  	vm12 =	vlt.s32 v3, $0x7E;
	vm2 =	vlt.s32 v10, $0x7E;
	v19 =	vcvt.f32.s32 v19  }
0x49: {  	v7 =	vnsel vm1, $0x7E, v7;
	v25 =	vcvt.f32.s32 v25;
	v28 =	vnsel vm5, $0x7E, v28  }
0x4a: {  	v3 =	vnsel vm12, $0x7E, v3;
	v10 =	vnsel vm2, $0x7E, v10;
	vm13 =	vlt.s32 v14, $0x7E  }
0x4b: {  	vm3 =	vlt.s32 v26, $0x7E;
	v30 =	vshll.u32 v7, $0xE;
	v35 =	vcvt.s32.f32 v7  }
0x4c: {  	[tilespmem:s20+$0x5030] =	vst v24;
	v24 =	vcvt.s32.f32 v28;
	vm14 =	vlt.s32 v19, $0x7E;
	vm15 =	vlt.s32 v25, $0x7E  }
0x4d: {  	v29 =	vshll.u32 v3, $0xE;
	v14 =	vnsel vm13, $0x7E, v14;
	v31 =	vshll.u32 v10, $0xE  }
0x4e: {  	v26 =	vnsel vm3, $0x7E, v26;
	v30 =	vadd.s32 v0, v30;
	v32 =	vcvt.s32.f32 v3  }
0x4f: {  	v10 =	vcvt.s32.f32 v10;
	v19 =	vnsel vm14, $0x7E, v19;
	v25 =	vnsel vm15, $0x7E, v25  }
0x50: {  	v29 =	vadd.s32 v0, v29;
	v31 =	vadd.s32 v0, v31;
	v33 =	vcvt.s32.f32 v14  }
0x51: {  	v3 =	vshll.u32 v14, $0x7;
	v36 =	vcvt.s32.f32 v26;
	v14 =	vshll.u32 v27, $0x7  }
0x52: {  	v27 =	vcvt.s32.f32 v27;
	v12 =	vsub.f32 v18, v35;
	v9 =	vsub.f32 v9, v24  }
0x53: {  	[tilespmem:s20+$0x1830] =	vst v2;
	v34 =	vcvt.s32.f32 v19;
	v7 =	vshll.u32 v25, $0x7;
	v3 =	vadd.s32 v3, v29  }
0x54: {  	[tilespmem:s20+$0x2030] =	vst v13;
	v25 =	vcvt.s32.f32 v25;
	v14 =	vadd.s32 v14, v31;
	v63 =	vadd.s32 v19, v3  }
0x55: {  	v3 =	vadd.s32 v28, v14;
	v14 =	vsub.f32 v11, v33;
	[tilespmem:s20+$0x1800] =	vst v63;
	v11 =	vadd.s32 $0x1, v63  }
0x56: {  	v10 =	vsub.f32 v20, v10;
	v19 =	vsub.f32 v17, v32;
	v17 =	vadd.s32 $0x81, v63;
	[tilespmem:s20+$0x2000] =	vst v11  }
0x57: {  	v7 =	vadd.s32 v7, v30;
	v13 =	vsub.f32 v5, v25;
	v5 =	vadd.s32 $0x4000, v63;
	[tilespmem:s20+$0x3000] =	vst v17  }
0x58: {  	v8 =	vsub.f32 v8, v27;
	v7 =	vadd.s32 v26, v7;
	v11 =	vadd.s32 $0x80, v63;
	[tilespmem:s20+$0x3800] =	vst v5  }
0x59: {  	v15 =	vsub.f32 v21, v34;
	v20 =	vadd.s32 $0x1, v3;
	v17 =	vadd.s32 $0x4001, v63;
	[tilespmem:s20+$0x2800] =	vst v11  }
0x5a: {  	v5 =	vsub.f32 v4, v61;
	v4 =	vsub.f32 v16, v23;
	v16 =	vadd.s32 $0x4081, v63;
	[tilespmem:s20+$0x4000] =	vst v17  }
0x5b: {  	v18 =	vadd.s32 $0x80, v7;
	v25 =	vadd.s32 $0x81, v7;
	v24 =	vadd.s32 $0x4000, v7;
	[tilespmem:s20+$0x5000] =	vst v16  }
0x5c: {  	v23 =	vadd.s32 $0x4001, v7;
	v21 =	vadd.s32 $0x4081, v7;
	v17 =	vadd.s32 $0x4080, v63;
	[tilespmem:s20+$0x2810] =	vst v18  }
0x5d: {  	v11 =	vsub.f32 v22, v36;
	v22 =	vadd.s32 $0x4080, v7;
	[tilespmem:s20+$0x4800] =	vst v17;
	v17 =	vadd.s32 $0x1, v7  }
0x5e: {  	s21 =	simm.s32 $0x0;
	s22 =	simm.s32 $0x100;
	v18 =	vadd.s32 $0x80, v3;
	v16 =	vadd.s32 $0x81, v3;
	[tilespmem:s20+$0x2010] =	vst v17;
	v17 =	vadd.s32 $0x4000, v3  }
.LBB2_2:
0x5f: {  	s24 =	sshra.s32 s22, $0x2;
	s21 =	sadd.s32 $0x4, s21;
	[tilespmem:s20+$0x3010] =	vst v25;
	v25 =	vadd.s32 $0x4001, v3;
	v26 =	vadd.s32 $0x4080, v3;
	v27 =	vadd.s32 $0x4081, v3  }
0x60: {  	v29 =	vadd.s32 $0x81, v2;
	v30 =	vadd.s32 $0x4000, v2;
	s23 =	sadd.s32 $0x40, s23;
	v28 =	vld [tilespmem:s24+$0x30];
	p1 =	slt.u32 s21, $0x7C;
	[tilespmem:s20+$0x3810] =	vst v24;
	v24 =	vadd.s32 $0x80, v2  }
0x61: {  	v33 =	vadd.s32 $0x4001, v2;
	s10 =	sadd.s32 $0xFFFFFFD0, s23;
	s1 =	sadd.s32 $0xFFFFFFE0, s23;
	s25 =	sadd.s32 $0xFFFFFFF0, s23;
	v31 =	vmov s23;
	v2 =	vadd.s32 $0x4080, v2;
	v32 =	vld [tilespmem:s24+$0x830];
	[tilespmem:s20+$0x0] =	vst v19  }
0x62: {  	v19 =	vmov s10;
	v35 =	vshrl.u32 v31, $0x7;
	v31 =	vshrl.u32 v31, $0xE;
	v34 =	vld [tilespmem:s24+$0x0];
	[tilespmem:s20+$0x4010] =	vst v23  }
0x63: {  	v23 =	vmov s1;
	v35 =	vand.u32 $0x7F, v35;
	v31 =	vcvt.s32.f32 v31;
	v36 =	vld [tilespmem:s24+$0x1030];
	[tilespmem:s20+$0x4810] =	vst v22  }
0x64: {  	v38 =	vor.u32 s23, v1;
	v37 =	vmov s25;
	v35 =	vcvt.s32.f32 v35;
	v22 =	vld [tilespmem:s24+$0x10];
	[tilespmem:s20+$0x5010] =	vst v21  }
0x65: {  	v39 =	vshrl.u32 v19, $0x7;
	v21 =	vand.u32 $0x7F, v38;
	v40 =	vld [tilespmem:s24+$0x20];
	v28 =	vadd.f32 v31, v28;
	[tilespmem:s20+$0x2020] =	vst v20  }
0x66: {  	v31 =	vshrl.u32 v19, $0xE;
	v20 =	vcvt.s32.f32 v21;
	v38 =	vld [tilespmem:s24+$0x800];
	v19 =	vadd.f32 v35, v32;
	[tilespmem:s20+$0x2820] =	vst v18  }
0x67: {  	v35 =	vshrl.u32 v23, $0x7;
	v23 =	vshrl.u32 v23, $0xE;
	v32 =	vld [tilespmem:s24+$0x1000];
	v18 =	vmax.f32 v28, $0.0e+00;
	[tilespmem:s20+$0x3020] =	vst v16  }
0x68: {  	v28 =	vld [tilespmem:s24+$0x810];
	v16 =	vmin.f32 v18, $1.270000000e+02;
	v18 =	vmax.f32 v19, $0.0e+00;
	v19 =	vadd.f32 v20, v36;
	[tilespmem:s20+$0x3820] =	vst v17  }
0x69: {  	v41 =	vshrl.u32 v37, $0x7;
	v36 =	vld [tilespmem:s24+$0x1010];
	v20 =	vtrunc.f32 v16;
	v17 =	vmin.f32 v18, $1.270000000e+02;
	[tilespmem:s20+$0x4020] =	vst v25  }
0x6a: {  	v25 =	vld [tilespmem:s24+$0x820];
	v20 =	vcvt.f32.s32 v20;
	v18 =	vtrunc.f32 v17;
	v19 =	vmax.f32 v19, $0.0e+00;
	[tilespmem:s20+$0x4820] =	vst v26  }
0x6b: {  	v26 =	vshrl.u32 v37, $0xE;
	v37 =	vld [tilespmem:s24+$0x1020];
	v21 =	vcvt.f32.s32 v18;
	v18 =	vmin.f32 v19, $1.270000000e+02;
	[tilespmem:s20+$0x5020] =	vst v27  }
0x6c: {  	v27 =	vor.u32 s10, v1;
	vm0 =	vlt.s32 v20, $0x7E;
	v42 =	vtrunc.f32 v18;
	[tilespmem:s20+$0x2830] =	vst v24  }
0x6d: {  	v19 =	vnsel vm0, $0x7E, v20;
	vm0 =	vlt.s32 v21, $0x7E;
	v24 =	vcvt.f32.s32 v42;
	[tilespmem:s20+$0x3030] =	vst v29  }
0x6e: {  	v29 =	vor.u32 s1, v1;
	v20 =	vnsel vm0, $0x7E, v21;
	v21 =	vshll.u32 v19, $0xE;
	[tilespmem:s20+$0x3830] =	vst v30  }
0x6f: {  	vm0 =	vlt.s32 v24, $0x7E;
	v30 =	vshll.u32 v20, $0x7;
	v42 =	vadd.s32 v0, v21;
	[tilespmem:s20+$0x4030] =	vst v33  }
0x70: {  	v33 =	vor.u32 s25, v1;
	v21 =	vnsel vm0, $0x7E, v24;
	v24 =	vadd.s32 v30, v42;
	[tilespmem:s20+$0x4830] =	vst v2  }
0x71: {  	v31 =	vcvt.s32.f32 v31;
	v30 =	vand.u32 $0xF, v39;
	v2 =	vadd.s32 v21, v24;
	[tilespmem:s20+$0x800] =	vst v14  }
0x72: {  	v23 =	vcvt.s32.f32 v23;
	v14 =	vand.u32 $0x7F, v35;
	v24 =	vadd.s32 $0x4081, v2;
	[tilespmem:s20+$0x1000] =	vst v15  }
0x73: {  	v26 =	vcvt.s32.f32 v26;
	v15 =	vand.u32 $0x4F, v27;
	v27 =	vand.u32 $0x7F, v41;
	[tilespmem:s24+$0x5030] =	vst v24  }
0x74: {  	v29 =	vand.u32 $0x7F, v29;
	v24 =	vcvt.s32.f32 v30;
	v30 =	vand.u32 $0x7F, v33;
	[tilespmem:s20+$0x1810] =	vst v7  }
0x75: {  	v14 =	vcvt.s32.f32 v14;
	v27 =	vcvt.s32.f32 v27;
	v7 =	vadd.f32 v31, v34;
	[tilespmem:s20+$0x10] =	vst v12  }
0x76: {  	v12 =	vcvt.s32.f32 v15;
	v15 =	vadd.f32 v23, v22;
	v22 =	vcvt.s32.f32 v29;
	[tilespmem:s20+$0x810] =	vst v13  }
0x77: {  	v23 =	vadd.f32 v26, v40;
	v13 =	vadd.f32 v24, v38;
	v24 =	vcvt.s32.f32 v30;
	[tilespmem:s20+$0x1010] =	vst v11  }
0x78: {  	v7 =	vmax.f32 v7, $0.0e+00;
	v11 =	vadd.f32 v12, v32;
	v12 =	vadd.f32 v14, v28;
	[tilespmem:s20+$0x1820] =	vst v3  }
0x79: {  	v14 =	vadd.f32 v22, v36;
	v3 =	vmax.f32 v15, $0.0e+00;
	v15 =	vadd.f32 v27, v25;
	[tilespmem:s20+$0x20] =	vst v10  }
0x7a: {  	v22 =	vadd.f32 v24, v37;
	v10 =	vmin.f32 v7, $1.270000000e+02;
	v7 =	vmax.f32 v23, $0.0e+00;
	[tilespmem:s20+$0x820] =	vst v8  }
0x7b: {  	v8 =	vmax.f32 v13, $0.0e+00;
	v13 =	vmin.f32 v3, $1.270000000e+02;
	v23 =	vmin.f32 v7, $1.270000000e+02;
	[tilespmem:s20+$0x1020] =	vst v9  }
0x7c: {  	v3 =	vmax.f32 v11, $0.0e+00;
	v7 =	vmax.f32 v12, $0.0e+00;
	v9 =	vmax.f32 v14, $0.0e+00;
	[tilespmem:s24+$0x1830] =	vst v2  }
0x7d: {  	v11 =	vtrunc.f32 v10;
	v12 =	vmax.f32 v15, $0.0e+00;
	v14 =	vmax.f32 v22, $0.0e+00;
	[tilespmem:s20+$0x30] =	vst v5  }
0x7e: {  	v15 =	vtrunc.f32 v23;
	v5 =	vmin.f32 v8, $1.270000000e+02;
	v8 =	vtrunc.f32 v13;
	[tilespmem:s20+$0x830] =	vst v6  }
0x7f: {  	v22 =	vmin.f32 v7, $1.270000000e+02;
	v9 =	vmin.f32 v9, $1.270000000e+02;
	v6 =	vmin.f32 v3, $1.270000000e+02;
	[tilespmem:s20+$0x1030] =	vst v4;
	s20 =	smov.u32 s24  }
0x80: {  	v24 =	vmin.f32 v14, $1.270000000e+02;
	v3 =	vcvt.f32.s32 v11;
	v4 =	vmin.f32 v12, $1.270000000e+02  }
0x81: {  	v7 =	vcvt.f32.s32 v8;
	v8 =	vcvt.f32.s32 v15;
	v11 =	vadd.s32 $0x1, v2  }
0x82: {  	v12 =	vtrunc.f32 v5;
	v14 =	vtrunc.f32 v6;
	vm0 =	vlt.s32 v3, $0x7E;
	[tilespmem:s20+$0x2030] =	vst v11  }
0x83: {  	v15 =	vtrunc.f32 v9;
	vm1 =	vlt.s32 v7, $0x7E;
	v11 =	vtrunc.f32 v22  }
0x84: {  	v26 =	vtrunc.f32 v24;
	vm2 =	vlt.s32 v8, $0x7E;
	v25 =	vtrunc.f32 v4  }
0x85: {  	v12 =	vcvt.f32.s32 v12;
	v14 =	vcvt.f32.s32 v14;
	v3 =	vnsel vm0, $0x7E, v3  }
0x86: {  	v15 =	vcvt.f32.s32 v15;
	v7 =	vnsel vm1, $0x7E, v7;
	v11 =	vcvt.f32.s32 v11  }
0x87: {  	v26 =	vcvt.f32.s32 v26;
	v8 =	vnsel vm2, $0x7E, v8;
	v25 =	vcvt.f32.s32 v25  }
0x88: {  	vm0 =	vlt.s32 v12, $0x7E;
	vm1 =	vlt.s32 v14, $0x7E;
	vm2 =	vlt.s32 v11, $0x7E  }
0x89: {  	vm5 =	vlt.s32 v26, $0x7E;
	vm3 =	vlt.s32 v15, $0x7E;
	vm4 =	vlt.s32 v25, $0x7E  }
0x8a: {  	v27 =	vshll.u32 v3, $0xE;
	v28 =	vshll.u32 v7, $0xE;
	v29 =	vshll.u32 v8, $0xE  }
0x8b: {  	v12 =	vnsel vm0, $0x7E, v12;
	v14 =	vnsel vm1, $0x7E, v14;
	v11 =	vnsel vm2, $0x7E, v11  }
0x8c: {  	v26 =	vnsel vm5, $0x7E, v26;
	v15 =	vnsel vm3, $0x7E, v15;
	v25 =	vnsel vm4, $0x7E, v25  }
0x8d: {  	v27 =	vadd.s32 v0, v27;
	v28 =	vadd.s32 v0, v28;
	v29 =	vadd.s32 v0, v29  }
0x8e: {  	v30 =	vcvt.s32.f32 v3;
	v31 =	vcvt.s32.f32 v12;
	v3 =	vshll.u32 v12, $0x7  }
0x8f: {  	v32 =	vcvt.s32.f32 v7;
	v12 =	vcvt.s32.f32 v14;
	v7 =	vshll.u32 v11, $0x7  }
0x90: {  	v33 =	vcvt.s32.f32 v15;
	v34 =	vshll.u32 v25, $0x7;
	v11 =	vcvt.s32.f32 v11  }
0x91: {  	v8 =	vcvt.s32.f32 v8;
	v3 =	vadd.s32 v3, v27;
	v25 =	vcvt.s32.f32 v25  }
0x92: {  	v27 =	vcvt.s32.f32 v26;
	v7 =	vadd.s32 v7, v28;
	v28 =	vcvt.s32.f32 v19  }
0x93: {  	v20 =	vcvt.s32.f32 v20;
	v21 =	vcvt.s32.f32 v21;
	v19 =	vadd.s32 v34, v29  }
0x94: {  	v29 =	vadd.s32 v14, v3;
	v7 =	vadd.s32 v15, v7;
	v3 =	vadd.s32 v26, v19  }
0x95: {  	v14 =	vsub.f32 v5, v31;
	v19 =	vsub.f32 v10, v30;
	v5 =	vadd.s32 $0x1, v29;
	[tilespmem:s20+$0x1800] =	vst v29  }
0x96: {  	v15 =	vsub.f32 v6, v12;
	v12 =	vsub.f32 v13, v32;
	[tilespmem:s20+$0x2000] =	vst v5;
	v5 =	vadd.s32 $0x80, v29  }
0x97: {  	v13 =	vsub.f32 v22, v11;
	v11 =	vsub.f32 v9, v33;
	[tilespmem:s20+$0x2800] =	vst v5;
	v5 =	vadd.s32 $0x81, v29  }
0x98: {  	v10 =	vsub.f32 v23, v8;
	v8 =	vsub.f32 v4, v25;
	[tilespmem:s20+$0x3000] =	vst v5;
	v5 =	vadd.s32 $0x4000, v29  }
0x99: {  	v4 =	vadd.s32 $0x4001, v29;
	v9 =	vsub.f32 v24, v27;
	[tilespmem:s20+$0x3800] =	vst v5;
	v5 =	vsub.f32 v16, v28  }
.Ltmp0:
0x9a: {  	v6 =	vsub.f32 v17, v20;
	v16 =	vadd.s32 $0x4080, v29;
	[tilespmem:s20+$0x4000] =	vst v4;
	v4 =	vsub.f32 v18, v21;
	(pc) =	sbr.rel @p1 .LBB2_2-.Ltmp0, $4  }
0x9b: {  	v17 =	vadd.s32 $0x1, v7;
	v18 =	vadd.s32 $0x80, v7;
	[tilespmem:s20+$0x4800] =	vst v16;
	v16 =	vadd.s32 $0x4081, v29  }
0x9c: {  	v25 =	vadd.s32 $0x81, v7;
	v24 =	vadd.s32 $0x4000, v7;
	v23 =	vadd.s32 $0x4001, v7;
	[tilespmem:s20+$0x5000] =	vst v16  }
0x9d: {  	v22 =	vadd.s32 $0x4080, v7;
	v20 =	vadd.s32 $0x1, v3;
	v21 =	vadd.s32 $0x4081, v7;
	[tilespmem:s20+$0x2010] =	vst v17  }
0x9e: {  	s22 =	sadd.s32 $0x100, s22;
	v16 =	vadd.s32 $0x81, v3;
	v17 =	vadd.s32 $0x4000, v3;
	[tilespmem:s20+$0x2810] =	vst v18;
	v18 =	vadd.s32 $0x80, v3  }
0x9f: {  	[tilespmem:s20+$0x3010] =	vst v25  }
0xa0: {  	[tilespmem:s20+$0x3810] =	vst v24  }
0xa1: {  	[tilespmem:s20+$0x0] =	vst v19  }
0xa2: {  	[tilespmem:s20+$0x4010] =	vst v23  }
0xa3: {  	[tilespmem:s20+$0x4810] =	vst v22  }
0xa4: {  	[tilespmem:s20+$0x5010] =	vst v21  }
0xa5: {  	[tilespmem:s20+$0x2020] =	vst v20  }
0xa6: {  	[tilespmem:s20+$0x2820] =	vst v18  }
0xa7: {  	[tilespmem:s20+$0x3020] =	vst v16  }
0xa8: {  	[tilespmem:s20+$0x3820] =	vst v17  }
0xa9: {  	[tilespmem:s20+$0x800] =	vst v14  }
0xaa: {  	[tilespmem:s20+$0x1000] =	vst v15  }
0xab: {  	[tilespmem:s20+$0x1810] =	vst v7  }
0xac: {  	[tilespmem:s20+$0x10] =	vst v12  }
0xad: {  	[tilespmem:s20+$0x810] =	vst v13  }
0xae: {  	[tilespmem:s20+$0x1010] =	vst v11  }
0xaf: {  	[tilespmem:s20+$0x1820] =	vst v3  }
0xb0: {  	[tilespmem:s20+$0x20] =	vst v10  }
0xb1: {  	[tilespmem:s20+$0x820] =	vst v8  }
0xb2: {  	[tilespmem:s20+$0x1020] =	vst v9  }
0xb3: {  	[tilespmem:s20+$0x30] =	vst v5  }
0xb4: {  	[tilespmem:s20+$0x830] =	vst v6  }
0xb5: {  	v57 =	vadd.s32 $0x4001, v3;
	[tilespmem:s20+$0x1030] =	vst v4  }
0xb6: {  	v58 =	vadd.s32 $0x4080, v3;
	[tilespmem:s20+$0x4020] =	vst v57  }
0xb7: {  	v59 =	vadd.s32 $0x4081, v3;
	[tilespmem:s20+$0x4820] =	vst v58  }
0xb8: {  	v60 =	vadd.s32 $0x80, v2;
	[tilespmem:s20+$0x5020] =	vst v59  }
0xb9: {  	v61 =	vadd.s32 $0x81, v2;
	[tilespmem:s20+$0x2830] =	vst v60  }
0xba: {  	v62 =	vadd.s32 $0x4000, v2;
	[tilespmem:s20+$0x3030] =	vst v61  }
0xbb: {  	v63 =	vadd.s32 $0x4001, v2;
	[tilespmem:s20+$0x3830] =	vst v62  }
0xbc: {  	v2 =	vadd.s32 $0x4080, v2;
	[tilespmem:s20+$0x4030] =	vst v63  }
0xbd: {  	s1 =	simm.s32 $0x1800;
	s10 =	simm.s32 $0x5800;
	[tilespmem:s20+$0x4830] =	vst v2  }
0xbe: {  	[tilespmem:s10], [sflag:$0x1] =	stream.indirect.gather [hbm4b:s0+s19], $0x1, s1, s19, $0xb8;
	[tilespmem:$0x13800] =	vst v63  }
0xbf: {  	s29 =	simm.s32 $0x2000;
	s31 =	simm.s32 $0x6000  }
0xc0: {  	[tilespmem:s31], [sflag:$0x1] =	stream.indirect.gather [hbm4b:s0+s19], $0x1, s29, s19, $0xb8;
	[tilespmem:$0x13800] =	vst v63  }
0xc1: {  	s11 =	simm.s32 $0x6800;
	s10 =	simm.s32 $0x2800  }
0xc2: {  	[tilespmem:s11], [sflag:$0x1] =	stream.indirect.gather [hbm4b:s0+s19], $0x1, s10, s19, $0xb8;
	[tilespmem:$0x13800] =	vst v63  }
0xc3: {  	s21 =	simm.s32 $0x7000;
	s20 =	simm.s32 $0x3000  }
0xc4: {  	[tilespmem:s21], [sflag:$0x1] =	stream.indirect.gather [hbm4b:s0+s19], $0x1, s20, s19, $0xb8;
	[tilespmem:$0x13800] =	vst v63  }
0xc5: {  	s22 =	simm.s32 $0x3800;
	s23 =	simm.s32 $0x7800;
	s24 =	simm.s32 $0x4000  }
0xc6: {  	[tilespmem:s23], [sflag:$0x1] =	stream.indirect.gather [hbm4b:s0+s19], $0x1, s22, s19, $0xb8;
	[tilespmem:$0x13800] =	vst v63  }
0xc7: {  	s25 =	simm.s32 $0x8000;
	s26 =	simm.s32 $0x4800;
	s28 =	simm.s32 $0x8800  }
0xc8: {  	[tilespmem:s25], [sflag:$0x1] =	stream.indirect.gather [hbm4b:s0+s19], $0x1, s24, s19, $0xb8;
	[tilespmem:$0x13800] =	vst v63  }
0xc9: {  	s30 =	rddreg [dreg:$0x9];
	s29 =	simm.s32 $0x5000;
	s31 =	simm.s32 $0x9000  }
0xca: {  	[tilespmem:s28], [sflag:$0x1] =	stream.indirect.gather [hbm4b:s0+s19], $0x1, s26, s19, $0xb8;
	[tilespmem:$0x13800] =	vst v63  }
0xcb: {  	s20 =	simm.s32 $0x0;
	s21 =	rddreg [dreg:$0xa];
	s23 =	simm.s32 $0x0  }
0xcc: {  	[tilespmem:s31], [sflag:$0x1] =	stream.indirect.gather [hbm4b:s0+s19], $0x1, s29, s19, $0xb8;
	[tilespmem:$0x13800] =	vst v63  }
.LBB2_4:
0xcd: {  	s1 =	sshll.u32 s23, $0xC  }
0xce: {  	s25 =	sadd.s32 s7, s1  }
0xcf: {  	s24 =	sor.u32 $0x800, s25  }
0xd0: {  	s22 =	sor.u32 s5, s24  }
0xd1: {  	s1 =	sshrl.u32 s22, $0x3  }
0xd2: {  	s10 =	simm.s32 $0x9800;
	s1 =	sadd.s32 s2, s1  }
0xd3: {  	[tilespmem:s10], [sflag:$0x3] =	stream.linear.gather [hbm4b:s1+s20], $0x800, $0x38;
	[tilespmem:$0x13800] =	vst v63  }
0xd4: {  	s26 =	sor.u32 s8, s24;
	_ =	swait.ge [sflag:s18], $0x800  }
0xd5: {  	s1 =	sshrl.u32 s26, $0x3;
	[sflag:s18] =	ssyncset.done $0x0  }
0xd6: {  	s31 =	simm.s32 $0xA000;
	s1 =	sadd.s32 s2, s1;
	[sflag:s18] =	ssyncadd.s32 $0xFFFFF800  }
0xd7: {  	[tilespmem:s31], [sflag:$0x3] =	stream.linear.gather [hbm4b:s1+s20], $0x800, $0x38;
	[tilespmem:$0x13800] =	vst v63  }
0xd8: {  	s10 =	sor.u32 s9, s24;
	_ =	swait.ge [sflag:s18], $0x800  }
0xd9: {  	s1 =	sshrl.u32 s10, $0x3;
	[sflag:s18] =	ssyncset.done $0x0  }
0xda: {  	s11 =	simm.s32 $0xA800;
	s1 =	sadd.s32 s2, s1;
	[sflag:s18] =	ssyncadd.s32 $0xFFFFF800  }
0xdb: {  	[tilespmem:s11], [sflag:$0x3] =	stream.linear.gather [hbm4b:s1+s20], $0x800, $0x38;
	[tilespmem:$0x13800] =	vst v63  }
0xdc: {  	_ =	swait.ge [sflag:s18], $0x800  }
0xdd: {  	[sflag:s18] =	ssyncset.done $0x0  }
0xde: {  	v3 =	vmov s30;
	s22 =	sadd.s32 $0xFFFFFFD0, s30;
	s26 =	simm.s32 $0x0;
	[sflag:s18] =	ssyncadd.s32 $0xFFFFF800  }
0xdf: {  	v10 =	vor.u32 s30, v1;
	v6 =	vshrl.u32 v3, $0x7;
	v5 =	vmov s22;
	v2 =	vld [tilespmem:s26+$0x9830]  }
0xe0: {  	v3 =	vshrl.u32 v3, $0xE;
	v10 =	vand.u32 $0x7F, v10;
	v11 =	vshrl.u32 v5, $0x7;
	v4 =	vld [tilespmem:s26+$0xA030]  }
0xe1: {  	v6 =	vand.u32 $0x7F, v6;
	v3 =	vcvt.s32.f32 v3;
	v11 =	vand.u32 $0x7F, v11;
	s31 =	sadd.s32 $0xFFFFFFE0, s30;
	v21 =	vld [tilespmem:s26+$0xA000]  }
0xe2: {  	v6 =	vcvt.s32.f32 v6;
	v11 =	vcvt.s32.f32 v11;
	v17 =	vor.u32 s31, v1;
	s11 =	sadd.s32 $0xFFFFFFF0, s30  }
0xe3: {  	v7 =	vmov s31;
	v17 =	vand.u32 $0x7F, v17;
	v22 =	vor.u32 s11, v1;
	v8 =	vld [tilespmem:s26+$0xA830]  }
0xe4: {  	v9 =	vmov s11;
	v22 =	vand.u32 $0x7F, v22;
	v2 =	vadd.f32 v3, v2  }
0xe5: {  	v3 =	vshrl.u32 v5, $0xE;
	v5 =	vadd.f32 v6, v4;
	v6 =	vcvt.s32.f32 v10  }
0xe6: {  	v14 =	vld [tilespmem:s26+$0x9800];
	v10 =	vshrl.u32 v7, $0x7;
	v7 =	vshrl.u32 v7, $0xE;
	v11 =	vadd.f32 v11, v21  }
0xe7: {  	v3 =	vcvt.s32.f32 v3;
	v10 =	vand.u32 $0x7F, v10;
	v7 =	vcvt.s32.f32 v7  }
0xe8: {  	v2 =	vmax.f32 v2, $0.0e+00;
	v6 =	vadd.f32 v6, v8;
	v8 =	vshrl.u32 v9, $0x7  }
0xe9: {  	v9 =	vshrl.u32 v9, $0xE;
	v10 =	vcvt.s32.f32 v10;
	v11 =	vmax.f32 v11, $0.0e+00  }
0xea: {  	v19 =	vld [tilespmem:s26+$0x9820];
	v4 =	vmin.f32 v2, $1.270000000e+02;
	v2 =	vmax.f32 v5, $0.0e+00;
	v8 =	vand.u32 $0x7F, v8  }
0xeb: {  	v26 =	vld [tilespmem:s26+$0xA020];
	v9 =	vcvt.s32.f32 v9;
	v3 =	vadd.f32 v3, v14;
	v14 =	vcvt.s32.f32 v22  }
0xec: {  	v11 =	vmin.f32 v11, $1.270000000e+02;
	v12 =	vtrunc.f32 v4;
	v5 =	vmin.f32 v2, $1.270000000e+02  }
0xed: {  	v6 =	vmax.f32 v6, $0.0e+00;
	v8 =	vcvt.s32.f32 v8;
	v2 =	vcvt.f32.s32 v12  }
0xee: {  	v12 =	vtrunc.f32 v5;
	v16 =	vmin.f32 v6, $1.270000000e+02;
	v6 =	vor.u32 s22, v1  }
0xef: {  	v9 =	vadd.f32 v9, v19;
	v3 =	vmax.f32 v3, $0.0e+00;
	v12 =	vcvt.f32.s32 v12  }
0xf0: {  	v6 =	vand.u32 $0x7F, v6;
	v8 =	vadd.f32 v8, v26;
	vm0 =	vlt.s32 v2, $0x7E  }
0xf1: {  	v13 =	vtrunc.f32 v16;
	v6 =	vcvt.s32.f32 v6;
	v15 =	vnsel vm0, $0x7E, v2  }
0xf2: {  	vm10 =	vlt.s32 v12, $0x7E;
	v2 =	vcvt.f32.s32 v13;
	v13 =	vld [tilespmem:s26+$0x9810];
	v8 =	vmax.f32 v8, $0.0e+00  }
0xf3: {  	v27 =	vld [tilespmem:s26+$0xA820];
	v12 =	vnsel vm10, $0x7E, v12;
	v18 =	vshll.u32 v15, $0xE;
	v61 =	vcvt.s32.f32 v15  }
0xf4: {  	v25 =	vld [tilespmem:s26+$0xA810];
	vm11 =	vlt.s32 v2, $0x7E;
	v20 =	vshll.u32 v12, $0x7;
	v18 =	vadd.s32 v0, v18  }
0xf5: {  	v8 =	vmin.f32 v8, $1.270000000e+02;
	v23 =	vnsel vm11, $0x7E, v2;
	v2 =	vadd.s32 v20, v18;
	v18 =	vld [tilespmem:s26+$0xA800]  }
0xf6: {  	v62 =	vcvt.s32.f32 v12;
	v20 =	vld [tilespmem:s26+$0xA010];
	v4 =	vsub.f32 v4, v61;
	v2 =	vadd.s32 v23, v2  }
0xf7: {  	v7 =	vadd.f32 v7, v13;
	v13 =	vcvt.s32.f32 v17;
	v17 =	vmin.f32 v3, $1.270000000e+02  }
0xf8: {  	v3 =	vmax.f32 v9, $0.0e+00;
	v9 =	vadd.f32 v14, v27;
	v27 =	vtrunc.f32 v8  }
0xf9: {  	v23 =	vcvt.s32.f32 v23;
	v24 =	vadd.s32 $0x4081, v2;
	v27 =	vcvt.f32.s32 v27  }
0xfa: {  	v7 =	vmax.f32 v7, $0.0e+00;
	v13 =	vadd.f32 v13, v25;
	v9 =	vmax.f32 v9, $0.0e+00  }
0xfb: {  	v6 =	vadd.f32 v6, v18;
	v10 =	vadd.f32 v10, v20;
	v7 =	vmin.f32 v7, $1.270000000e+02  }
0xfc: {  	v18 =	vmin.f32 v3, $1.270000000e+02;
	v22 =	vmin.f32 v9, $1.270000000e+02;
	v14 =	vtrunc.f32 v7  }
0xfd: {  	vm4 =	vlt.s32 v27, $0x7E;
	v19 =	vtrunc.f32 v18;
	v28 =	vtrunc.f32 v22  }
0xfe: {  	v27 =	vnsel vm4, $0x7E, v27;
	v3 =	vmax.f32 v6, $0.0e+00;
	v6 =	vmax.f32 v10, $0.0e+00  }
0xff: {  	v10 =	vmax.f32 v13, $0.0e+00;
	v13 =	vtrunc.f32 v17;
	v9 =	vcvt.f32.s32 v19  }
0x100: {  	v28 =	vcvt.f32.s32 v28;
	v20 =	vmin.f32 v3, $1.270000000e+02;
	v21 =	vmin.f32 v6, $1.270000000e+02  }
0x101: {  	v10 =	vmin.f32 v10, $1.270000000e+02;
	v3 =	vcvt.f32.s32 v13;
	v6 =	vcvt.f32.s32 v14  }
0x102: {  	v13 =	vadd.s32 $0x1, v2;
	v14 =	vtrunc.f32 v11;
	v19 =	vtrunc.f32 v20  }
0x103: {  	v25 =	vtrunc.f32 v21;
	v26 =	vtrunc.f32 v10;
	vm2 =	vlt.s32 v9, $0x7E  }
0x104: {  	v14 =	vcvt.f32.s32 v14;
	vm5 =	vlt.s32 v28, $0x7E;
	vm12 =	vlt.s32 v3, $0x7E  }
0x105: {  	vm1 =	vlt.s32 v6, $0x7E;
	v19 =	vcvt.f32.s32 v19;
	v25 =	vcvt.f32.s32 v25  }
0x106: {  	v26 =	vcvt.f32.s32 v26;
	v9 =	vnsel vm2, $0x7E, v9;
	v28 =	vnsel vm5, $0x7E, v28  }
0x107: {  	v3 =	vnsel vm12, $0x7E, v3;
	v6 =	vnsel vm1, $0x7E, v6;
	vm13 =	vlt.s32 v14, $0x7E  }
0x108: {  	[tilespmem:s26+$0xE830] =	vst v24;
	v31 =	vshll.u32 v9, $0xE;
	v9 =	vcvt.s32.f32 v9;
	v24 =	vcvt.s32.f32 v28  }
0x109: {  	vm14 =	vlt.s32 v19, $0x7E;
	vm15 =	vlt.s32 v25, $0x7E;
	vm3 =	vlt.s32 v26, $0x7E  }
0x10a: {  	v29 =	vshll.u32 v3, $0xE;
	v14 =	vnsel vm13, $0x7E, v14;
	v30 =	vshll.u32 v6, $0xE  }
0x10b: {  	v31 =	vadd.s32 v0, v31;
	v32 =	vcvt.s32.f32 v3;
	v35 =	vcvt.s32.f32 v6  }
0x10c: {  	v19 =	vnsel vm14, $0x7E, v19;
	v25 =	vnsel vm15, $0x7E, v25;
	v26 =	vnsel vm3, $0x7E, v26  }
0x10d: {  	v29 =	vadd.s32 v0, v29;
	v30 =	vadd.s32 v0, v30;
	v33 =	vcvt.s32.f32 v14  }
0x10e: {  	v3 =	vshll.u32 v14, $0x7;
	v14 =	vshll.u32 v27, $0x7;
	v27 =	vcvt.s32.f32 v27  }
0x10f: {  	v9 =	vsub.f32 v18, v9;
	v34 =	vcvt.s32.f32 v19;
	v6 =	vshll.u32 v25, $0x7  }
0x110: {  	[tilespmem:s26+$0xB030] =	vst v2;
	v25 =	vcvt.s32.f32 v25;
	v36 =	vcvt.s32.f32 v26;
	v3 =	vadd.s32 v3, v29  }
0x111: {  	[tilespmem:s26+$0xB830] =	vst v13;
	v14 =	vadd.s32 v14, v31;
	v15 =	vsub.f32 v17, v32;
	v63 =	vadd.s32 v19, v3  }
0x112: {  	v3 =	vadd.s32 v28, v14;
	v14 =	vsub.f32 v11, v33;
	[tilespmem:s26+$0xB000] =	vst v63;
	v11 =	vadd.s32 $0x1, v63  }
0x113: {  	v6 =	vadd.s32 v6, v30;
	v19 =	vsub.f32 v5, v62;
	v12 =	vadd.s32 $0x80, v63;
	[tilespmem:s26+$0xB800] =	vst v11  }
0x114: {  	v5 =	vsub.f32 v16, v23;
	v6 =	vadd.s32 v26, v6;
	v17 =	vadd.s32 $0x4000, v63;
	[tilespmem:s26+$0xC000] =	vst v12  }
0x115: {  	v13 =	vsub.f32 v20, v34;
	v10 =	vsub.f32 v10, v36;
	v16 =	vadd.s32 $0x4081, v63;
	[tilespmem:s26+$0xD000] =	vst v17  }
0x116: {  	v20 =	vadd.s32 $0x1, v3;
	v11 =	vsub.f32 v7, v35;
	v7 =	vadd.s32 $0x81, v63;
	[tilespmem:s26+$0xE800] =	vst v16  }
0x117: {  	v12 =	vsub.f32 v21, v25;
	v17 =	vadd.s32 $0x4001, v63;
	v18 =	vadd.s32 $0x80, v6;
	[tilespmem:s26+$0xC800] =	vst v7  }
0x118: {  	v25 =	vadd.s32 $0x81, v6;
	v23 =	vadd.s32 $0x4001, v6;
	v21 =	vadd.s32 $0x4081, v6;
	[tilespmem:s26+$0xD800] =	vst v17  }
0x119: {  	v16 =	vadd.s32 $0x81, v3;
	v7 =	vsub.f32 v8, v27;
	v17 =	vadd.s32 $0x4080, v63;
	[tilespmem:s26+$0xC010] =	vst v18  }
0x11a: {  	v8 =	vsub.f32 v22, v24;
	v24 =	vadd.s32 $0x4000, v6;
	[tilespmem:s26+$0xE000] =	vst v17;
	v17 =	vadd.s32 $0x1, v6  }
0x11b: {  	s28 =	simm.s32 $0x0;
	s29 =	simm.s32 $0x100;
	s22 =	smov.u32 s30;
	v22 =	vadd.s32 $0x4080, v6;
	v18 =	vadd.s32 $0x80, v3;
	[tilespmem:s26+$0xB810] =	vst v17;
	v17 =	vadd.s32 $0x4000, v3  }
.LBB2_5:
0x11c: {  	s31 =	sshra.s32 s29, $0x2;
	s28 =	sadd.s32 $0x4, s28;
	[tilespmem:s26+$0xC810] =	vst v25;
	v25 =	vadd.s32 $0x4001, v3;
	v26 =	vadd.s32 $0x4080, v3;
	v27 =	vadd.s32 $0x4081, v3  }
0x11d: {  	v29 =	vadd.s32 $0x81, v2;
	v30 =	vadd.s32 $0x4000, v2;
	s22 =	sadd.s32 $0x40, s22;
	v28 =	vld [tilespmem:s31+$0x9830];
	p1 =	slt.u32 s28, $0x7C;
	[tilespmem:s26+$0xD010] =	vst v24;
	v24 =	vadd.s32 $0x80, v2  }
0x11e: {  	v33 =	vadd.s32 $0x4001, v2;
	s11 =	sadd.s32 $0xFFFFFFD0, s22;
	s10 =	sadd.s32 $0xFFFFFFE0, s22;
	s1 =	sadd.s32 $0xFFFFFFF0, s22;
	v31 =	vmov s22;
	v2 =	vadd.s32 $0x4080, v2;
	v32 =	vld [tilespmem:s31+$0xA030];
	[tilespmem:s26+$0xA030] =	vst v19  }
0x11f: {  	v19 =	vmov s11;
	v35 =	vshrl.u32 v31, $0x7;
	v31 =	vshrl.u32 v31, $0xE;
	v34 =	vld [tilespmem:s31+$0x9800];
	[tilespmem:s26+$0xD810] =	vst v23  }
0x120: {  	v23 =	vmov s10;
	v35 =	vand.u32 $0x7F, v35;
	v31 =	vcvt.s32.f32 v31;
	v36 =	vld [tilespmem:s31+$0xA830];
	[tilespmem:s26+$0xE010] =	vst v22  }
0x121: {  	v38 =	vor.u32 s22, v1;
	v37 =	vmov s1;
	v35 =	vcvt.s32.f32 v35;
	v22 =	vld [tilespmem:s31+$0x9810];
	[tilespmem:s26+$0xE810] =	vst v21  }
0x122: {  	v39 =	vshrl.u32 v19, $0x7;
	v21 =	vand.u32 $0x7F, v38;
	v40 =	vld [tilespmem:s31+$0x9820];
	v28 =	vadd.f32 v31, v28;
	[tilespmem:s26+$0xB820] =	vst v20  }
0x123: {  	v31 =	vshrl.u32 v19, $0xE;
	v20 =	vcvt.s32.f32 v21;
	v38 =	vld [tilespmem:s31+$0xA000];
	v19 =	vadd.f32 v35, v32;
	[tilespmem:s26+$0xC020] =	vst v18  }
0x124: {  	v35 =	vshrl.u32 v23, $0x7;
	v23 =	vshrl.u32 v23, $0xE;
	v32 =	vld [tilespmem:s31+$0xA800];
	v18 =	vmax.f32 v28, $0.0e+00;
	[tilespmem:s26+$0xC820] =	vst v16  }
0x125: {  	v28 =	vld [tilespmem:s31+$0xA010];
	v16 =	vmin.f32 v18, $1.270000000e+02;
	v18 =	vmax.f32 v19, $0.0e+00;
	v19 =	vadd.f32 v20, v36;
	[tilespmem:s26+$0xD020] =	vst v17  }
0x126: {  	v41 =	vshrl.u32 v37, $0x7;
	v36 =	vld [tilespmem:s31+$0xA810];
	v20 =	vtrunc.f32 v16;
	v17 =	vmin.f32 v18, $1.270000000e+02;
	[tilespmem:s26+$0xD820] =	vst v25  }
0x127: {  	v25 =	vld [tilespmem:s31+$0xA020];
	v20 =	vcvt.f32.s32 v20;
	v18 =	vtrunc.f32 v17;
	v19 =	vmax.f32 v19, $0.0e+00;
	[tilespmem:s26+$0xE020] =	vst v26  }
0x128: {  	v26 =	vshrl.u32 v37, $0xE;
	v37 =	vld [tilespmem:s31+$0xA820];
	v21 =	vcvt.f32.s32 v18;
	v18 =	vmin.f32 v19, $1.270000000e+02;
	[tilespmem:s26+$0xE820] =	vst v27  }
0x129: {  	v27 =	vor.u32 s11, v1;
	vm0 =	vlt.s32 v20, $0x7E;
	v42 =	vtrunc.f32 v18;
	[tilespmem:s26+$0xC030] =	vst v24  }
0x12a: {  	v19 =	vnsel vm0, $0x7E, v20;
	vm0 =	vlt.s32 v21, $0x7E;
	v24 =	vcvt.f32.s32 v42;
	[tilespmem:s26+$0xC830] =	vst v29  }
0x12b: {  	v29 =	vor.u32 s10, v1;
	v20 =	vnsel vm0, $0x7E, v21;
	v21 =	vshll.u32 v19, $0xE;
	[tilespmem:s26+$0xD030] =	vst v30  }
0x12c: {  	vm0 =	vlt.s32 v24, $0x7E;
	v30 =	vshll.u32 v20, $0x7;
	v42 =	vadd.s32 v0, v21;
	[tilespmem:s26+$0xD830] =	vst v33  }
0x12d: {  	v33 =	vor.u32 s1, v1;
	v21 =	vnsel vm0, $0x7E, v24;
	v24 =	vadd.s32 v30, v42;
	[tilespmem:s26+$0xE030] =	vst v2  }
0x12e: {  	v31 =	vcvt.s32.f32 v31;
	v30 =	vand.u32 $0x7F, v39;
	v2 =	vadd.s32 v21, v24;
	[tilespmem:s26+$0x9800] =	vst v15  }
0x12f: {  	v23 =	vcvt.s32.f32 v23;
	v15 =	vand.u32 $0x7F, v35;
	v24 =	vadd.s32 $0x4081, v2;
	[tilespmem:s26+$0xA000] =	vst v14  }
0x130: {  	v26 =	vcvt.s32.f32 v26;
	v14 =	vand.u32 $0x7F, v27;
	v27 =	vand.u32 $0x7F, v41;
	[tilespmem:s31+$0xE830] =	vst v24  }
0x131: {  	v29 =	vand.u32 $0x7F, v29;
	v24 =	vcvt.s32.f32 v30;
	v30 =	vand.u32 $0x7F, v33;
	[tilespmem:s26+$0xA800] =	vst v13  }
0x132: {  	v15 =	vcvt.s32.f32 v15;
	v27 =	vcvt.s32.f32 v27;
	v13 =	vadd.f32 v31, v34;
	[tilespmem:s26+$0xB010] =	vst v6  }
0x133: {  	v6 =	vcvt.s32.f32 v14;
	v14 =	vadd.f32 v23, v22;
	v22 =	vcvt.s32.f32 v29;
	[tilespmem:s26+$0x9810] =	vst v11  }
0x134: {  	v23 =	vadd.f32 v26, v40;
	v11 =	vadd.f32 v24, v38;
	v24 =	vcvt.s32.f32 v30;
	[tilespmem:s26+$0xA010] =	vst v12  }
0x135: {  	v12 =	vmax.f32 v13, $0.0e+00;
	v6 =	vadd.f32 v6, v32;
	v13 =	vadd.f32 v15, v28;
	[tilespmem:s26+$0xA810] =	vst v10  }
0x136: {  	v15 =	vadd.f32 v27, v25;
	v10 =	vmax.f32 v14, $0.0e+00;
	v14 =	vadd.f32 v22, v36;
	[tilespmem:s26+$0xB020] =	vst v3  }
0x137: {  	v12 =	vmin.f32 v12, $1.270000000e+02;
	v22 =	vadd.f32 v24, v37;
	v3 =	vmax.f32 v23, $0.0e+00;
	[tilespmem:s26+$0x9820] =	vst v9  }
0x138: {  	v10 =	vmin.f32 v10, $1.270000000e+02;
	v9 =	vmax.f32 v11, $0.0e+00;
	v23 =	vmin.f32 v3, $1.270000000e+02;
	[tilespmem:s26+$0xA020] =	vst v7  }
0x139: {  	v3 =	vmax.f32 v6, $0.0e+00;
	v6 =	vmax.f32 v13, $0.0e+00;
	v7 =	vmax.f32 v14, $0.0e+00;
	[tilespmem:s26+$0xA820] =	vst v8  }
0x13a: {  	v11 =	vmax.f32 v15, $0.0e+00;
	v13 =	vmax.f32 v22, $0.0e+00;
	v8 =	vtrunc.f32 v12;
	[tilespmem:s31+$0xB030] =	vst v2  }
0x13b: {  	v9 =	vmin.f32 v9, $1.270000000e+02;
	v14 =	vtrunc.f32 v10;
	v15 =	vtrunc.f32 v23;
	[tilespmem:s26+$0x9830] =	vst v4  }
0x13c: {  	v22 =	vmin.f32 v6, $1.270000000e+02;
	v7 =	vmin.f32 v7, $1.270000000e+02;
	v4 =	vmin.f32 v3, $1.270000000e+02;
	[tilespmem:s26+$0xA830] =	vst v5;
	s26 =	smov.u32 s31  }
0x13d: {  	v3 =	vcvt.f32.s32 v8;
	v8 =	vmin.f32 v13, $1.270000000e+02;
	v5 =	vmin.f32 v11, $1.270000000e+02  }
0x13e: {  	v6 =	vcvt.f32.s32 v14;
	v13 =	vadd.s32 $0x1, v2;
	v11 =	vcvt.f32.s32 v15  }
0x13f: {  	v14 =	vtrunc.f32 v9;
	v15 =	vtrunc.f32 v4;
	vm0 =	vlt.s32 v3, $0x7E;
	[tilespmem:s26+$0xB830] =	vst v13  }
0x140: {  	v24 =	vtrunc.f32 v7;
	vm1 =	vlt.s32 v6, $0x7E;
	v13 =	vtrunc.f32 v22  }
0x141: {  	v26 =	vtrunc.f32 v8;
	v25 =	vtrunc.f32 v5;
	vm2 =	vlt.s32 v11, $0x7E  }
0x142: {  	v14 =	vcvt.f32.s32 v14;
	v15 =	vcvt.f32.s32 v15;
	v3 =	vnsel vm0, $0x7E, v3  }
0x143: {  	v24 =	vcvt.f32.s32 v24;
	v6 =	vnsel vm1, $0x7E, v6;
	v13 =	vcvt.f32.s32 v13  }
0x144: {  	v26 =	vcvt.f32.s32 v26;
	v25 =	vcvt.f32.s32 v25;
	v11 =	vnsel vm2, $0x7E, v11  }
0x145: {  	vm0 =	vlt.s32 v14, $0x7E;
	vm1 =	vlt.s32 v15, $0x7E;
	vm2 =	vlt.s32 v13, $0x7E  }
0x146: {  	vm3 =	vlt.s32 v24, $0x7E;
	vm5 =	vlt.s32 v26, $0x7E;
	vm4 =	vlt.s32 v25, $0x7E  }
0x147: {  	v28 =	vshll.u32 v6, $0xE;
	v27 =	vshll.u32 v3, $0xE;
	v29 =	vshll.u32 v11, $0xE  }
0x148: {  	v14 =	vnsel vm0, $0x7E, v14;
	v15 =	vnsel vm1, $0x7E, v15;
	v13 =	vnsel vm2, $0x7E, v13  }
0x149: {  	v24 =	vnsel vm3, $0x7E, v24;
	v26 =	vnsel vm5, $0x7E, v26;
	v25 =	vnsel vm4, $0x7E, v25  }
0x14a: {  	v28 =	vadd.s32 v0, v28;
	v27 =	vadd.s32 v0, v27;
	v29 =	vadd.s32 v0, v29  }
0x14b: {  	v30 =	vcvt.s32.f32 v3;
	v31 =	vcvt.s32.f32 v14;
	v3 =	vshll.u32 v14, $0x7  }
0x14c: {  	v33 =	vcvt.s32.f32 v6;
	v32 =	vcvt.s32.f32 v15;
	v6 =	vshll.u32 v13, $0x7  }
0x14d: {  	v35 =	vcvt.s32.f32 v24;
	v34 =	vcvt.s32.f32 v13;
	v13 =	vshll.u32 v25, $0x7  }
0x14e: {  	v3 =	vadd.s32 v3, v27;
	v27 =	vcvt.s32.f32 v11;
	v25 =	vcvt.s32.f32 v25  }
0x14f: {  	v19 =	vcvt.s32.f32 v19;
	v6 =	vadd.s32 v6, v28;
	v28 =	vcvt.s32.f32 v26  }
0x150: {  	v20 =	vcvt.s32.f32 v20;
	v21 =	vcvt.s32.f32 v21;
	v11 =	vadd.s32 v13, v29  }
0x151: {  	v29 =	vadd.s32 v15, v3;
	v6 =	vadd.s32 v24, v6;
	v3 =	vadd.s32 v26, v11  }
0x152: {  	v14 =	vsub.f32 v9, v31;
	v15 =	vsub.f32 v12, v30;
	v9 =	vadd.s32 $0x1, v29;
	[tilespmem:s26+$0xB000] =	vst v29  }
0x153: {  	v13 =	vsub.f32 v4, v32;
	v4 =	vadd.s32 $0x80, v29;
	v11 =	vsub.f32 v10, v33;
	[tilespmem:s26+$0xB800] =	vst v9  }
0x154: {  	v12 =	vsub.f32 v22, v34;
	v10 =	vsub.f32 v7, v35;
	[tilespmem:s26+$0xC000] =	vst v4;
	v4 =	vadd.s32 $0x81, v29  }
0x155: {  	v7 =	vsub.f32 v5, v25;
	v9 =	vsub.f32 v23, v27;
	[tilespmem:s26+$0xC800] =	vst v4;
	v4 =	vadd.s32 $0x4000, v29  }
0x156: {  	v5 =	vadd.s32 $0x4001, v29;
	v8 =	vsub.f32 v8, v28;
	[tilespmem:s26+$0xD000] =	vst v4;
	v4 =	vsub.f32 v16, v19  }
.Ltmp1:
0x157: {  	v16 =	vadd.s32 $0x4080, v29;
	v19 =	vsub.f32 v17, v20;
	[tilespmem:s26+$0xD800] =	vst v5;
	v5 =	vsub.f32 v18, v21;
	(pc) =	sbr.rel @p1 .LBB2_5-.Ltmp1, $4  }
0x158: {  	v17 =	vadd.s32 $0x1, v6;
	v18 =	vadd.s32 $0x80, v6;
	[tilespmem:s26+$0xE000] =	vst v16;
	v16 =	vadd.s32 $0x4081, v29  }
0x159: {  	v25 =	vadd.s32 $0x81, v6;
	v24 =	vadd.s32 $0x4000, v6;
	v23 =	vadd.s32 $0x4001, v6;
	[tilespmem:s26+$0xE800] =	vst v16  }
0x15a: {  	v22 =	vadd.s32 $0x4080, v6;
	v20 =	vadd.s32 $0x1, v3;
	v21 =	vadd.s32 $0x4081, v6;
	[tilespmem:s26+$0xB810] =	vst v17  }
0x15b: {  	s29 =	sadd.s32 $0x100, s29;
	v16 =	vadd.s32 $0x81, v3;
	v17 =	vadd.s32 $0x4000, v3;
	[tilespmem:s26+$0xC010] =	vst v18;
	v18 =	vadd.s32 $0x80, v3  }
0x15c: {  	[tilespmem:s26+$0xC810] =	vst v25  }
0x15d: {  	[tilespmem:s26+$0xD010] =	vst v24  }
0x15e: {  	[tilespmem:s26+$0xA030] =	vst v19  }
0x15f: {  	[tilespmem:s26+$0xD810] =	vst v23  }
0x160: {  	[tilespmem:s26+$0xE010] =	vst v22  }
0x161: {  	[tilespmem:s26+$0xE810] =	vst v21  }
0x162: {  	[tilespmem:s26+$0xB820] =	vst v20  }
0x163: {  	[tilespmem:s26+$0xC020] =	vst v18  }
0x164: {  	[tilespmem:s26+$0xC820] =	vst v16  }
0x165: {  	[tilespmem:s26+$0xD020] =	vst v17  }
0x166: {  	[tilespmem:s26+$0x9800] =	vst v15  }
0x167: {  	[tilespmem:s26+$0xA000] =	vst v14  }
0x168: {  	[tilespmem:s26+$0xA800] =	vst v13  }
0x169: {  	[tilespmem:s26+$0xB010] =	vst v6  }
0x16a: {  	[tilespmem:s26+$0x9810] =	vst v11  }
0x16b: {  	[tilespmem:s26+$0xA010] =	vst v12  }
0x16c: {  	[tilespmem:s26+$0xA810] =	vst v10  }
0x16d: {  	[tilespmem:s26+$0xB020] =	vst v3  }
0x16e: {  	[tilespmem:s26+$0x9820] =	vst v9  }
0x16f: {  	[tilespmem:s26+$0xA020] =	vst v7  }
0x170: {  	[tilespmem:s26+$0xA820] =	vst v8  }
0x171: {  	[tilespmem:s26+$0x9830] =	vst v4  }
0x172: {  	v16 =	vadd.s32 $0x4001, v3;
	[tilespmem:s26+$0xA830] =	vst v5  }
0x173: {  	v17 =	vadd.s32 $0x4080, v3;
	[tilespmem:s26+$0xD820] =	vst v16  }
0x174: {  	v16 =	vadd.s32 $0x4081, v3;
	[tilespmem:s26+$0xE020] =	vst v17  }
0x175: {  	v17 =	vadd.s32 $0x80, v2;
	[tilespmem:s26+$0xE820] =	vst v16  }
0x176: {  	v16 =	vadd.s32 $0x81, v2;
	[tilespmem:s26+$0xC030] =	vst v17  }
0x177: {  	v17 =	vadd.s32 $0x4000, v2;
	[tilespmem:s26+$0xC830] =	vst v16  }
0x178: {  	v16 =	vadd.s32 $0x4001, v2;
	[tilespmem:s26+$0xD030] =	vst v17  }
0x179: {  	v2 =	vadd.s32 $0x4080, v2;
	[tilespmem:s26+$0xD830] =	vst v16  }
0x17a: {  	s1 =	simm.s32 $0xB000;
	s10 =	simm.s32 $0xF000;
	[tilespmem:s26+$0xE030] =	vst v2  }
0x17b: {  	[tilespmem:s10], [sflag:$0x2] =	stream.indirect.gather [hbm4b:s0+s19], $0x1, s1, s19, $0xb8;
	[tilespmem:$0x13800] =	vst v63  }
0x17c: {  	s11 =	simm.s32 $0xF800;
	s10 =	simm.s32 $0xB800  }
0x17d: {  	[tilespmem:s11], [sflag:$0x2] =	stream.indirect.gather [hbm4b:s0+s19], $0x1, s10, s19, $0xb8;
	[tilespmem:$0x13800] =	vst v63  }
0x17e: {  	s22 =	simm.s32 $0xC000;
	s26 =	simm.s32 $0x10000  }
0x17f: {  	[tilespmem:s26], [sflag:$0x2] =	stream.indirect.gather [hbm4b:s0+s19], $0x1, s22, s19, $0xb8;
	[tilespmem:$0x13800] =	vst v63  }
0x180: {  	s29 =	simm.s32 $0xC800;
	s31 =	simm.s32 $0x10800  }
0x181: {  	[tilespmem:s31], [sflag:$0x2] =	stream.indirect.gather [hbm4b:s0+s19], $0x1, s29, s19, $0xb8;
	[tilespmem:$0x13800] =	vst v63  }
0x182: {  	s11 =	simm.s32 $0xD000;
	s22 =	simm.s32 $0x11000  }
0x183: {  	[tilespmem:s22], [sflag:$0x2] =	stream.indirect.gather [hbm4b:s0+s19], $0x1, s11, s19, $0xb8;
	[tilespmem:$0x13800] =	vst v63  }
0x184: {  	s26 =	simm.s32 $0xD800;
	s29 =	simm.s32 $0x11800  }
0x185: {  	[tilespmem:s29], [sflag:$0x2] =	stream.indirect.gather [hbm4b:s0+s19], $0x1, s26, s19, $0xb8;
	[tilespmem:$0x13800] =	vst v63  }
0x186: {  	s31 =	simm.s32 $0xE000  }
0x187: {  	[tilespmem:s12], [sflag:$0x2] =	stream.indirect.gather [hbm4b:s0+s19], $0x1, s31, s19, $0xb8;
	[tilespmem:$0x13800] =	vst v63  }
0x188: {  	_ = 	snop  }
0x189: {  	[tilespmem:s16], [sflag:$0x2] =	stream.indirect.gather [hbm4b:s0+s19], $0x1, s14, s19, $0xb8;
	[tilespmem:$0x13800] =	vst v63  }
0x18a: {  	_ =	swait.ge [sflag:s6], $0x800  }
0x18b: {  	[sflag:s6] =	ssyncset.done $0x0  }
0x18c: {  	[sflag:s6] =	ssyncadd.s32 $0xFFFFF800  }
0x18d: {  	_ =	swait.ge [sflag:s6], $0x800  }
0x18e: {  	[sflag:s6] =	ssyncset.done $0x0  }
0x18f: {  	[sflag:s6] =	ssyncadd.s32 $0xFFFFF800  }
0x190: {  	_ =	swait.ge [sflag:s6], $0x800  }
0x191: {  	[sflag:s6] =	ssyncset.done $0x0  }
0x192: {  	[sflag:s6] =	ssyncadd.s32 $0xFFFFF800  }
0x193: {  	_ =	swait.ge [sflag:s6], $0x800  }
0x194: {  	[sflag:s6] =	ssyncset.done $0x0  }
0x195: {  	[sflag:s6] =	ssyncadd.s32 $0xFFFFF800  }
0x196: {  	_ =	swait.ge [sflag:s6], $0x800  }
0x197: {  	[sflag:s6] =	ssyncset.done $0x0  }
0x198: {  	[sflag:s6] =	ssyncadd.s32 $0xFFFFF800  }
0x199: {  	_ =	swait.ge [sflag:s6], $0x800  }
0x19a: {  	[sflag:s6] =	ssyncset.done $0x0  }
0x19b: {  	[sflag:s6] =	ssyncadd.s32 $0xFFFFF800  }
0x19c: {  	_ =	swait.ge [sflag:s6], $0x800  }
0x19d: {  	[sflag:s6] =	ssyncset.done $0x0  }
0x19e: {  	[sflag:s6] =	ssyncadd.s32 $0xFFFFF800  }
0x19f: {  	_ =	swait.ge [sflag:s6], $0x800  }
0x1a0: {  	[sflag:s6] =	ssyncset.done $0x0  }
0x1a1: {  	s22 =	simm.s32 $0x0;
	[sflag:s6] =	ssyncadd.s32 $0xFFFFF800  }
0x1a2: {  	v7 =	vld [tilespmem:s22+$0x5830]  }
0x1a3: {  	v6 =	vld [tilespmem:s22+$0x6030]  }
0x1a4: {  	v8 =	vld [tilespmem:s22+$0x6830]  }
0x1a5: {  	v9 =	vld [tilespmem:s22+$0x7030]  }
0x1a6: {  	v10 =	vld [tilespmem:s22+$0x7830]  }
0x1a7: {  	v11 =	vld [tilespmem:s22+$0x8030]  }
0x1a8: {  	v12 =	vld [tilespmem:s22+$0x8830]  }
0x1a9: {  	v13 =	vld [tilespmem:s22+$0x9030]  }
0x1aa: {  	v14 =	vld [tilespmem:s22+$0x1030]  }
0x1ab: {  	v18 =	vld [tilespmem:s22+$0x5800]  }
0x1ac: {  	v16 =	vld [tilespmem:s22+$0x6000]  }
0x1ad: {  	v2 =	vld [tilespmem:s22+$0x6800]  }
0x1ae: {  	v17 =	vld [tilespmem:s22+$0x7000]  }
0x1af: {  	v3 =	vld [tilespmem:s22+$0x7800]  }
0x1b0: {  	v19 =	vld [tilespmem:s22+$0x8000]  }
0x1b1: {  	v15 =	vld [tilespmem:s22+$0x830]  }
0x1b2: {  	v4 =	vld [tilespmem:s22+$0x8800]  }
0x1b3: {  	v20 =	vld [tilespmem:s22+$0x9000]  }
0x1b4: {  	v5 =	vld [tilespmem:s22+$0x5810]  }
0x1b5: {  	v21 =	vld [tilespmem:s22+$0x6010]  }
0x1b6: {  	v23 =	vld [tilespmem:s22+$0x30]  }
0x1b7: {  	v26 =	vld [tilespmem:s22+$0x7010]  }
0x1b8: {  	v27 =	vld [tilespmem:s22+$0x6020]  }
0x1b9: {  	v28 =	vld [tilespmem:s22+$0x7020];
	v22 =	vsub.f32 v6, v7;
	v9 =	vsub.f32 v9, v8  }
0x1ba: {  	v29 =	vld [tilespmem:s22+$0x8020];
	v11 =	vsub.f32 v11, v10;
	v13 =	vsub.f32 v13, v12  }
0x1bb: {  	v30 =	vld [tilespmem:s22+$0x9020];
	v22 =	vmul.f32 v14, v22;
	v24 =	vmul.f32 v14, v9  }
0x1bc: {  	v33 =	vld [tilespmem:s22+$0x1000];
	v11 =	vmul.f32 v14, v11;
	v13 =	vmul.f32 v14, v13  }
0x1bd: {  	v25 =	vld [tilespmem:s22+$0x1010];
	v7 =	vadd.f32 v22, v7;
	v8 =	vadd.f32 v24, v8  }
0x1be: {  	v6 =	vld [tilespmem:s22+$0x6810];
	v22 =	vadd.f32 v11, v10;
	v11 =	vadd.f32 v13, v12  }
0x1bf: {  	v9 =	vld [tilespmem:s22+$0x7810]  }
0x1c0: {  	v14 =	vld [tilespmem:s22+$0x8010];
	v8 =	vsub.f32 v8, v7;
	v12 =	vsub.f32 v11, v22  }
0x1c1: {  	v10 =	vld [tilespmem:s22+$0x8810]  }
0x1c2: {  	v24 =	vld [tilespmem:s22+$0x9010];
	v8 =	vmul.f32 v8, v15;
	v13 =	vmul.f32 v12, v15  }
0x1c3: {  	v11 =	vld [tilespmem:s22+$0x5820]  }
0x1c4: {  	v12 =	vld [tilespmem:s22+$0x6820];
	v7 =	vadd.f32 v8, v7;
	v8 =	vadd.f32 v13, v22  }
0x1c5: {  	v16 =	vsub.f32 v16, v18;
	v31 =	vsub.f32 v17, v2;
	v15 =	vld [tilespmem:s22+$0x8820]  }
0x1c6: {  	v32 =	vsub.f32 v19, v3;
	v13 =	vld [tilespmem:s22+$0x7820];
	v8 =	vsub.f32 v8, v7  }
0x1c7: {  	v34 =	vsub.f32 v20, v4;
	v35 =	vsub.f32 v21, v5;
	v20 =	vld [tilespmem:s22+$0x1020];
	v31 =	vmul.f32 v33, v31  }
0x1c8: {  	v17 =	vld [tilespmem:s22+$0x800];
	v36 =	vsub.f32 v26, v6;
	v19 =	vsub.f32 v14, v9;
	v8 =	vmul.f32 v8, v23  }
0x1c9: {  	v14 =	vld [tilespmem:s22+$0x810];
	v21 =	vsub.f32 v24, v10;
	v22 =	vsub.f32 v27, v11;
	v27 =	vmul.f32 v33, v34  }
0x1ca: {  	v23 =	vsub.f32 v28, v12;
	v28 =	vmul.f32 v33, v16;
	v16 =	vld [tilespmem:s22+$0x820];
	v7 =	vadd.f32 v8, v7  }
0x1cb: {  	v26 =	vsub.f32 v30, v15;
	v30 =	vmul.f32 v33, v32;
	v24 =	vsub.f32 v29, v13;
	v8 =	vld [tilespmem:s22+$0x0]  }
0x1cc: {  	s28 =	simm.s32 $0x100;
	s26 =	simm.s32 $0x0;
	v29 =	vmul.f32 v25, v35;
	v18 =	vadd.f32 v28, v18;
	v28 =	vmul.f32 v25, v36;
	[tilespmem:s22+$0x13030] =	vst v7;
	v7 =	vld [tilespmem:s22+$0x10]  }
.LBB2_7:
0x1cd: {  	s29 =	sshra.s32 s28, $0x2;
	v2 =	vadd.f32 v31, v2;
	v19 =	vmul.f32 v25, v19;
	v21 =	vmul.f32 v25, v21;
	v25 =	vld [tilespmem:s22+$0x20]  }
0x1ce: {  	v30 =	vadd.f32 v30, v3;
	v3 =	vmul.f32 v20, v22;
	v22 =	vmul.f32 v20, v23;
	v31 =	vld [tilespmem:s29+$0x5830]  }
0x1cf: {  	v4 =	vadd.f32 v27, v4;
	v24 =	vmul.f32 v20, v24;
	v20 =	vmul.f32 v20, v26;
	v23 =	vld [tilespmem:s29+$0x6030]  }
0x1d0: {  	v5 =	vadd.f32 v29, v5;
	v6 =	vadd.f32 v28, v6;
	v26 =	vld [tilespmem:s29+$0x6830]  }
0x1d1: {  	v9 =	vadd.f32 v19, v9;
	v10 =	vadd.f32 v21, v10;
	v27 =	vld [tilespmem:s29+$0x7030]  }
0x1d2: {  	v11 =	vadd.f32 v3, v11;
	v3 =	vadd.f32 v22, v12;
	v19 =	vld [tilespmem:s29+$0x7830]  }
0x1d3: {  	v13 =	vadd.f32 v24, v13;
	v15 =	vadd.f32 v20, v15;
	v12 =	vld [tilespmem:s29+$0x8030]  }
0x1d4: {  	s26 =	sadd.s32 $0x4, s26;
	v2 =	vsub.f32 v2, v18;
	v4 =	vsub.f32 v4, v30;
	v20 =	vld [tilespmem:s29+$0x8830]  }
0x1d5: {  	p1 =	slt.u32 s26, $0x7C;
	v6 =	vsub.f32 v6, v5;
	v10 =	vsub.f32 v10, v9;
	v21 =	vld [tilespmem:s29+$0x9030]  }
0x1d6: {  	v2 =	vmul.f32 v2, v17;
	v3 =	vsub.f32 v3, v11;
	v15 =	vsub.f32 v15, v13;
	v22 =	vld [tilespmem:s29+$0x1030]  }
0x1d7: {  	v4 =	vmul.f32 v4, v17;
	v6 =	vmul.f32 v6, v14;
	v28 =	vld [tilespmem:s29+$0x5800]  }
0x1d8: {  	v18 =	vadd.f32 v2, v18;
	v10 =	vmul.f32 v10, v14;
	v14 =	vmul.f32 v3, v16;
	v17 =	vld [tilespmem:s29+$0x6000]  }
0x1d9: {  	v15 =	vmul.f32 v15, v16;
	v23 =	vsub.f32 v23, v31;
	v24 =	vsub.f32 v27, v26;
	v2 =	vld [tilespmem:s29+$0x6800]  }
0x1da: {  	v12 =	vsub.f32 v12, v19;
	v16 =	vld [tilespmem:s29+$0x7000];
	v21 =	vsub.f32 v21, v20  }
0x1db: {  	v27 =	vadd.f32 v4, v30;
	v3 =	vld [tilespmem:s29+$0x7800];
	v23 =	vmul.f32 v22, v23;
	v24 =	vmul.f32 v22, v24  }
0x1dc: {  	v12 =	vmul.f32 v22, v12;
	v29 =	vld [tilespmem:s29+$0x8000];
	v21 =	vmul.f32 v22, v21;
	v22 =	vadd.f32 v6, v5  }
0x1dd: {  	v30 =	vld [tilespmem:s29+$0x830];
	v23 =	vadd.f32 v23, v31;
	v6 =	vadd.f32 v24, v26  }
0x1de: {  	v12 =	vadd.f32 v12, v19;
	v4 =	vld [tilespmem:s29+$0x8800];
	v19 =	vadd.f32 v21, v20  }
0x1df: {  	v31 =	vsub.f32 v17, v28;
	v20 =	vld [tilespmem:s29+$0x9000];
	v16 =	vsub.f32 v16, v2  }
0x1e0: {  	v17 =	vsub.f32 v6, v23;
	v5 =	vld [tilespmem:s29+$0x5810];
	v19 =	vsub.f32 v19, v12  }
0x1e1: {  	v10 =	vadd.f32 v10, v9;
	v29 =	vsub.f32 v29, v3;
	v21 =	vld [tilespmem:s29+$0x6010]  }
0x1e2: {  	v14 =	vadd.f32 v14, v11;
	v6 =	vld [tilespmem:s29+$0x6810];
	v9 =	vmul.f32 v17, v30;
	v17 =	vmul.f32 v19, v30  }
0x1e3: {  	v13 =	vadd.f32 v15, v13;
	v19 =	vsub.f32 v27, v18;
	v11 =	vld [tilespmem:s29+$0x30]  }
0x1e4: {  	v15 =	vld [tilespmem:s29+$0x7010];
	v23 =	vadd.f32 v9, v23;
	v12 =	vadd.f32 v17, v12  }
0x1e5: {  	v27 =	vsub.f32 v20, v4;
	v8 =	vmul.f32 v19, v8;
	v17 =	vsub.f32 v10, v22;
	v9 =	vld [tilespmem:s29+$0x7810]  }
0x1e6: {  	v19 =	vld [tilespmem:s29+$0x8010];
	v32 =	vsub.f32 v21, v5;
	v12 =	vsub.f32 v12, v23  }
0x1e7: {  	v13 =	vsub.f32 v13, v14;
	v8 =	vadd.f32 v8, v18;
	v7 =	vmul.f32 v17, v7;
	v10 =	vld [tilespmem:s29+$0x8810]  }
0x1e8: {  	v17 =	vld [tilespmem:s29+$0x9010];
	v12 =	vmul.f32 v12, v11  }
0x1e9: {  	v7 =	vadd.f32 v7, v22;
	v33 =	vsub.f32 v15, v6;
	v11 =	vld [tilespmem:s29+$0x5820];
	[tilespmem:s22+$0x13000] =	vst v8;
	v8 =	vmul.f32 v13, v25  }
0x1ea: {  	v18 =	vld [tilespmem:s29+$0x6020];
	v13 =	vadd.f32 v12, v23  }
0x1eb: {  	v19 =	vsub.f32 v19, v9;
	v12 =	vld [tilespmem:s29+$0x6820];
	[tilespmem:s22+$0x13010] =	vst v7;
	v7 =	vadd.f32 v8, v14  }
0x1ec: {  	v8 =	vld [tilespmem:s29+$0x7020];
	[tilespmem:s29+$0x13030] =	vst v13  }
0x1ed: {  	v21 =	vsub.f32 v17, v10;
	v13 =	vld [tilespmem:s29+$0x7820];
	[tilespmem:s22+$0x13020] =	vst v7;
	s22 =	smov.u32 s29  }
0x1ee: {  	v7 =	vld [tilespmem:s22+$0x8020]  }
0x1ef: {  	v15 =	vld [tilespmem:s22+$0x8820];
	v22 =	vsub.f32 v18, v11  }
0x1f0: {  	v18 =	vld [tilespmem:s22+$0x9020]  }
0x1f1: {  	v34 =	vld [tilespmem:s22+$0x1000];
	v23 =	vsub.f32 v8, v12  }
0x1f2: {  	v25 =	vld [tilespmem:s22+$0x1010]  }
0x1f3: {  	v20 =	vld [tilespmem:s22+$0x1020];
	v24 =	vsub.f32 v7, v13  }
.Ltmp2:
0x1f4: {  	v17 =	vld [tilespmem:s22+$0x800];
	(pc) =	sbr.rel @p1 .LBB2_7-.Ltmp2, $4  }
0x1f5: {  	v14 =	vld [tilespmem:s22+$0x810];
	v26 =	vsub.f32 v18, v15  }
0x1f6: {  	v7 =	vmul.f32 v34, v31;
	v31 =	vmul.f32 v34, v16;
	v16 =	vld [tilespmem:s22+$0x820]  }
0x1f7: {  	v30 =	vmul.f32 v34, v29;
	v27 =	vmul.f32 v34, v27;
	v8 =	vld [tilespmem:s22+$0x0]  }
0x1f8: {  	s28 =	sadd.s32 $0x100, s28;
	v29 =	vmul.f32 v25, v32;
	v18 =	vadd.f32 v7, v28;
	v7 =	vld [tilespmem:s22+$0x10];
	v28 =	vmul.f32 v25, v33  }
0x1f9: {  	v2 =	vadd.f32 v31, v2;
	v19 =	vmul.f32 v25, v19  }
0x1fa: {  	v21 =	vmul.f32 v25, v21;
	v3 =	vadd.f32 v30, v3;
	v22 =	vmul.f32 v20, v22  }
0x1fb: {  	v23 =	vmul.f32 v20, v23;
	v4 =	vadd.f32 v27, v4;
	v5 =	vadd.f32 v29, v5  }
0x1fc: {  	v24 =	vmul.f32 v20, v24;
	v6 =	vadd.f32 v28, v6;
	v9 =	vadd.f32 v19, v9  }
0x1fd: {  	v56 =	vmul.f32 v20, v26;
	v10 =	vadd.f32 v21, v10;
	v11 =	vadd.f32 v22, v11  }
0x1fe: {  	v12 =	vadd.f32 v23, v12;
	v13 =	vadd.f32 v24, v13  }
0x1ff: {  	v15 =	vadd.f32 v56, v15;
	v2 =	vsub.f32 v2, v18  }
0x200: {  	v4 =	vsub.f32 v4, v3;
	v6 =	vsub.f32 v6, v5  }
0x201: {  	v10 =	vsub.f32 v10, v9;
	v2 =	vmul.f32 v2, v17;
	v12 =	vsub.f32 v12, v11  }
0x202: {  	v15 =	vsub.f32 v15, v13;
	v4 =	vmul.f32 v4, v17;
	v6 =	vmul.f32 v6, v14  }
0x203: {  	v2 =	vadd.f32 v2, v18;
	v10 =	vmul.f32 v10, v14;
	v12 =	vmul.f32 v12, v16  }
0x204: {  	v57 =	vmul.f32 v15, v16;
	v3 =	vadd.f32 v4, v3;
	v58 =	vadd.f32 v6, v5  }
0x205: {  	v59 =	vld [tilespmem:s22+$0x20];
	v60 =	vadd.f32 v10, v9;
	v61 =	vadd.f32 v12, v11  }
0x206: {  	v3 =	vsub.f32 v3, v2;
	v62 =	vadd.f32 v57, v13  }
0x207: {  	v6 =	vsub.f32 v60, v58  }
0x208: {  	v3 =	vmul.f32 v3, v8;
	v63 =	vsub.f32 v62, v61  }
0x209: {  	v6 =	vmul.f32 v6, v7  }
0x20a: {  	v2 =	vadd.f32 v3, v2;
	v3 =	vmul.f32 v63, v59  }
0x20b: {  	v4 =	vadd.f32 v6, v58  }
0x20c: {  	s1 =	sor.u32 s13, s25;
	[tilespmem:s22+$0x13000] =	vst v2;
	v2 =	vadd.f32 v3, v61  }
0x20d: {  	p1 =	seq.s32 s23, $0x1F;
	s1 =	sshrl.u32 s1, $0x3;
	[tilespmem:s22+$0x13010] =	vst v4  }
.Ltmp3:
0x20e: {  	s1 =	sadd.s32 s3, s1;
	[tilespmem:s22+$0x13020] =	vst v2;
	(pc) =	sbr.rel @p1 .LBB2_12-.Ltmp3, $4  }
0x20f: {  	[hbm4b:s1+s4] =	stream.linear.scatter [tilespmem:s17], [sflag:$0x3], $0x800, $0x38;
	[tilespmem:$0x13800] =	vst v63  }
0x210: {  	_ =	swait.ge [sflag:s18], $0x800  }
0x211: {  	[sflag:s18] =	ssyncset.done $0x0  }
0x212: {  	[sflag:s18] =	ssyncadd.s32 $0xFFFFF800  }
0x213: {  	s1 =	sadd.s32 $0x1000, s25  }
0x214: {  	s10 =	sadd.s32 s5, s1  }
0x215: {  	s10 =	sshrl.u32 s10, $0x3  }
0x216: {  	s11 =	simm.s32 $0x0;
	s10 =	sadd.s32 s2, s10  }
0x217: {  	[tilespmem:s11], [sflag:$0x3] =	stream.linear.gather [hbm4b:s10+s11], $0x800, $0x38;
	[tilespmem:$0x13800] =	vst v63  }
0x218: {  	s22 =	sadd.s32 s8, s1;
	_ =	swait.ge [sflag:s18], $0x800  }
0x219: {  	s10 =	sshrl.u32 s22, $0x3;
	[sflag:s18] =	ssyncset.done $0x0  }
0x21a: {  	s10 =	sadd.s32 s2, s10;
	[sflag:s18] =	ssyncadd.s32 $0xFFFFF800  }
0x21b: {  	[tilespmem:s19], [sflag:$0x3] =	stream.linear.gather [hbm4b:s10+s11], $0x800, $0x38;
	[tilespmem:$0x13800] =	vst v63  }
0x21c: {  	s1 =	sadd.s32 s9, s1;
	_ =	swait.ge [sflag:s18], $0x800  }
0x21d: {  	s1 =	sshrl.u32 s1, $0x3;
	[sflag:s18] =	ssyncset.done $0x0  }
0x21e: {  	s25 =	simm.s32 $0x1000;
	s1 =	sadd.s32 s2, s1;
	[sflag:s18] =	ssyncadd.s32 $0xFFFFF800  }
0x21f: {  	[tilespmem:s25], [sflag:$0x3] =	stream.linear.gather [hbm4b:s1+s11], $0x800, $0x38;
	[tilespmem:$0x13800] =	vst v63  }
0x220: {  	_ =	swait.ge [sflag:s18], $0x800  }
0x221: {  	[sflag:s18] =	ssyncset.done $0x0  }
0x222: {  	s26 =	sadd.s32 $0xFFFFFFD0, s21;
	v3 =	vmov s21;
	s25 =	simm.s32 $0x0;
	[sflag:s18] =	ssyncadd.s32 $0xFFFFF800  }
0x223: {  	s29 =	sadd.s32 $0xFFFFFFE0, s21;
	s31 =	sadd.s32 $0xFFFFFFF0, s21;
	v10 =	vor.u32 s21, v1;
	v5 =	vmov s26;
	v6 =	vshrl.u32 v3, $0x7;
	v2 =	vld [tilespmem:s25+$0x30]  }
0x224: {  	v3 =	vshrl.u32 v3, $0xE;
	v7 =	vmov s29;
	v9 =	vmov s31;
	v4 =	vld [tilespmem:s25+$0x830]  }
0x225: {  	v10 =	vand.u32 $0x7F, v10;
	v17 =	vor.u32 s29, v1;
	v22 =	vor.u32 s31, v1;
	v21 =	vld [tilespmem:s25+$0x800]  }
0x226: {  	v6 =	vand.u32 $0x7F, v6;
	v3 =	vcvt.s32.f32 v3;
	v11 =	vshrl.u32 v5, $0x7  }
0x227: {  	v17 =	vand.u32 $0x7F, v17;
	v6 =	vcvt.s32.f32 v6;
	v11 =	vand.u32 $0x7F, v11  }
0x228: {  	v22 =	vand.u32 $0x7F, v22;
	v11 =	vcvt.s32.f32 v11;
	v8 =	vld [tilespmem:s25+$0x1030];
	v2 =	vadd.f32 v3, v2  }
0x229: {  	v14 =	vld [tilespmem:s25+$0x0];
	v3 =	vshrl.u32 v5, $0xE;
	v5 =	vadd.f32 v6, v4;
	v6 =	vcvt.s32.f32 v10  }
0x22a: {  	v10 =	vshrl.u32 v7, $0x7;
	v7 =	vshrl.u32 v7, $0xE;
	v11 =	vadd.f32 v11, v21  }
0x22b: {  	v3 =	vcvt.s32.f32 v3;
	v10 =	vand.u32 $0x7F, v10;
	v7 =	vcvt.s32.f32 v7  }
0x22c: {  	v2 =	vmax.f32 v2, $0.0e+00;
	v10 =	vcvt.s32.f32 v10;
	v11 =	vmax.f32 v11, $0.0e+00  }
0x22d: {  	v4 =	vmin.f32 v2, $1.270000000e+02;
	v2 =	vmax.f32 v5, $0.0e+00;
	v5 =	vadd.f32 v6, v8  }
0x22e: {  	v19 =	vld [tilespmem:s25+$0x20];
	v8 =	vshrl.u32 v9, $0x7;
	v9 =	vshrl.u32 v9, $0xE;
	v3 =	vadd.f32 v3, v14  }
0x22f: {  	v14 =	vcvt.s32.f32 v22;
	v11 =	vmin.f32 v11, $1.270000000e+02;
	v12 =	vtrunc.f32 v4  }
0x230: {  	v26 =	vld [tilespmem:s25+$0x820];
	v6 =	vmin.f32 v2, $1.270000000e+02;
	v8 =	vand.u32 $0x7F, v8;
	v9 =	vcvt.s32.f32 v9  }
0x231: {  	v2 =	vcvt.f32.s32 v12;
	v12 =	vtrunc.f32 v6;
	v5 =	vmax.f32 v5, $0.0e+00  }
0x232: {  	v8 =	vcvt.s32.f32 v8;
	v3 =	vmax.f32 v3, $0.0e+00;
	v12 =	vcvt.f32.s32 v12  }
0x233: {  	v16 =	vmin.f32 v5, $1.270000000e+02;
	v5 =	vor.u32 s26, v1;
	v9 =	vadd.f32 v9, v19  }
0x234: {  	vm0 =	vlt.s32 v2, $0x7E;
	v13 =	vtrunc.f32 v16;
	v5 =	vand.u32 $0x7F, v5  }
0x235: {  	v8 =	vadd.f32 v8, v26;
	v15 =	vnsel vm0, $0x7E, v2;
	vm10 =	vlt.s32 v12, $0x7E  }
0x236: {  	v2 =	vcvt.f32.s32 v13;
	v13 =	vld [tilespmem:s25+$0x10];
	v5 =	vcvt.s32.f32 v5;
	v12 =	vnsel vm10, $0x7E, v12  }
0x237: {  	v27 =	vld [tilespmem:s25+$0x1020];
	v18 =	vshll.u32 v15, $0xE;
	v8 =	vmax.f32 v8, $0.0e+00;
	v61 =	vcvt.s32.f32 v15  }
0x238: {  	v25 =	vld [tilespmem:s25+$0x1010];
	vm11 =	vlt.s32 v2, $0x7E;
	v20 =	vshll.u32 v12, $0x7;
	v18 =	vadd.s32 v0, v18  }
0x239: {  	v8 =	vmin.f32 v8, $1.270000000e+02;
	v23 =	vnsel vm11, $0x7E, v2;
	v2 =	vadd.s32 v20, v18;
	v18 =	vld [tilespmem:s25+$0x1000]  }
0x23a: {  	v62 =	vcvt.s32.f32 v12;
	v20 =	vld [tilespmem:s25+$0x810];
	v2 =	vadd.s32 v23, v2;
	v23 =	vcvt.s32.f32 v23  }
0x23b: {  	v7 =	vadd.f32 v7, v13;
	v13 =	vcvt.s32.f32 v17;
	v17 =	vmin.f32 v3, $1.270000000e+02  }
0x23c: {  	v3 =	vmax.f32 v9, $0.0e+00;
	v9 =	vadd.f32 v14, v27;
	v27 =	vtrunc.f32 v8  }
0x23d: {  	v6 =	vsub.f32 v6, v62;
	v24 =	vadd.s32 $0x4081, v2;
	v27 =	vcvt.f32.s32 v27  }
0x23e: {  	v7 =	vmax.f32 v7, $0.0e+00;
	v13 =	vadd.f32 v13, v25;
	v9 =	vmax.f32 v9, $0.0e+00  }
0x23f: {  	v5 =	vadd.f32 v5, v18;
	v10 =	vadd.f32 v10, v20;
	v18 =	vmin.f32 v7, $1.270000000e+02  }
0x240: {  	v20 =	vmin.f32 v3, $1.270000000e+02;
	v9 =	vmin.f32 v9, $1.270000000e+02;
	vm4 =	vlt.s32 v27, $0x7E  }
0x241: {  	v7 =	vmax.f32 v13, $0.0e+00;
	v13 =	vtrunc.f32 v18;
	v14 =	vtrunc.f32 v20  }
0x242: {  	v28 =	vtrunc.f32 v9;
	v27 =	vnsel vm4, $0x7E, v27;
	v3 =	vmax.f32 v5, $0.0e+00  }
0x243: {  	v5 =	vmax.f32 v10, $0.0e+00;
	v10 =	vtrunc.f32 v17;
	v22 =	vmin.f32 v7, $1.270000000e+02  }
0x244: {  	v7 =	vcvt.f32.s32 v13;
	v13 =	vadd.s32 $0x1, v2;
	v28 =	vcvt.f32.s32 v28  }
0x245: {  	v21 =	vmin.f32 v3, $1.270000000e+02;
	v3 =	vcvt.f32.s32 v10;
	v10 =	vcvt.f32.s32 v14  }
0x246: {  	v5 =	vmin.f32 v5, $1.270000000e+02;
	v14 =	vtrunc.f32 v11;
	v26 =	vtrunc.f32 v22  }
0x247: {  	v19 =	vtrunc.f32 v21;
	vm1 =	vlt.s32 v7, $0x7E;
	v25 =	vtrunc.f32 v5  }
0x248: {  	v14 =	vcvt.f32.s32 v14;
	v26 =	vcvt.f32.s32 v26;
	vm5 =	vlt.s32 v28, $0x7E  }
0x249: {  	vm12 =	vlt.s32 v3, $0x7E;
	vm2 =	vlt.s32 v10, $0x7E;
	v19 =	vcvt.f32.s32 v19  }
0x24a: {  	v7 =	vnsel vm1, $0x7E, v7;
	v25 =	vcvt.f32.s32 v25;
	v28 =	vnsel vm5, $0x7E, v28  }
0x24b: {  	v3 =	vnsel vm12, $0x7E, v3;
	v10 =	vnsel vm2, $0x7E, v10;
	vm13 =	vlt.s32 v14, $0x7E  }
0x24c: {  	vm3 =	vlt.s32 v26, $0x7E;
	v30 =	vshll.u32 v7, $0xE;
	v35 =	vcvt.s32.f32 v7  }
0x24d: {  	[tilespmem:s25+$0x5030] =	vst v24;
	v24 =	vcvt.s32.f32 v28;
	vm14 =	vlt.s32 v19, $0x7E;
	vm15 =	vlt.s32 v25, $0x7E  }
0x24e: {  	v29 =	vshll.u32 v3, $0xE;
	v14 =	vnsel vm13, $0x7E, v14;
	v31 =	vshll.u32 v10, $0xE  }
0x24f: {  	v26 =	vnsel vm3, $0x7E, v26;
	v30 =	vadd.s32 v0, v30;
	v32 =	vcvt.s32.f32 v3  }
0x250: {  	v10 =	vcvt.s32.f32 v10;
	v19 =	vnsel vm14, $0x7E, v19;
	v25 =	vnsel vm15, $0x7E, v25  }
0x251: {  	v29 =	vadd.s32 v0, v29;
	v31 =	vadd.s32 v0, v31;
	v33 =	vcvt.s32.f32 v14  }
0x252: {  	v3 =	vshll.u32 v14, $0x7;
	v36 =	vcvt.s32.f32 v26;
	v14 =	vshll.u32 v27, $0x7  }
0x253: {  	v27 =	vcvt.s32.f32 v27;
	v12 =	vsub.f32 v18, v35;
	v9 =	vsub.f32 v9, v24  }
0x254: {  	[tilespmem:s25+$0x1830] =	vst v2;
	v34 =	vcvt.s32.f32 v19;
	v7 =	vshll.u32 v25, $0x7;
	v3 =	vadd.s32 v3, v29  }
0x255: {  	[tilespmem:s25+$0x2030] =	vst v13;
	v25 =	vcvt.s32.f32 v25;
	v14 =	vadd.s32 v14, v31;
	v63 =	vadd.s32 v19, v3  }
0x256: {  	v3 =	vadd.s32 v28, v14;
	v14 =	vsub.f32 v11, v33;
	[tilespmem:s25+$0x1800] =	vst v63;
	v11 =	vadd.s32 $0x1, v63  }
0x257: {  	v10 =	vsub.f32 v20, v10;
	v19 =	vsub.f32 v17, v32;
	v17 =	vadd.s32 $0x81, v63;
	[tilespmem:s25+$0x2000] =	vst v11  }
0x258: {  	v7 =	vadd.s32 v7, v30;
	v13 =	vsub.f32 v5, v25;
	v5 =	vadd.s32 $0x4000, v63;
	[tilespmem:s25+$0x3000] =	vst v17  }
0x259: {  	v8 =	vsub.f32 v8, v27;
	v7 =	vadd.s32 v26, v7;
	v11 =	vadd.s32 $0x80, v63;
	[tilespmem:s25+$0x3800] =	vst v5  }
0x25a: {  	v15 =	vsub.f32 v21, v34;
	v20 =	vadd.s32 $0x1, v3;
	v17 =	vadd.s32 $0x4001, v63;
	[tilespmem:s25+$0x2800] =	vst v11  }
0x25b: {  	v5 =	vsub.f32 v4, v61;
	v4 =	vsub.f32 v16, v23;
	v16 =	vadd.s32 $0x4081, v63;
	[tilespmem:s25+$0x4000] =	vst v17  }
0x25c: {  	v18 =	vadd.s32 $0x80, v7;
	v25 =	vadd.s32 $0x81, v7;
	v24 =	vadd.s32 $0x4000, v7;
	[tilespmem:s25+$0x5000] =	vst v16  }
0x25d: {  	v23 =	vadd.s32 $0x4001, v7;
	v21 =	vadd.s32 $0x4081, v7;
	v17 =	vadd.s32 $0x4080, v63;
	[tilespmem:s25+$0x2810] =	vst v18  }
0x25e: {  	v11 =	vsub.f32 v22, v36;
	v22 =	vadd.s32 $0x4080, v7;
	[tilespmem:s25+$0x4800] =	vst v17;
	v17 =	vadd.s32 $0x1, v7  }
0x25f: {  	s28 =	simm.s32 $0x100;
	s22 =	smov.u32 s21;
	s26 =	simm.s32 $0x0;
	v18 =	vadd.s32 $0x80, v3;
	v16 =	vadd.s32 $0x81, v3;
	[tilespmem:s25+$0x2010] =	vst v17;
	v17 =	vadd.s32 $0x4000, v3  }
.LBB2_10:
0x260: {  	s29 =	sshra.s32 s28, $0x2;
	s26 =	sadd.s32 $0x4, s26;
	[tilespmem:s25+$0x3010] =	vst v25;
	v25 =	vadd.s32 $0x4001, v3;
	v26 =	vadd.s32 $0x4080, v3;
	v27 =	vadd.s32 $0x4081, v3  }
0x261: {  	v29 =	vadd.s32 $0x81, v2;
	v30 =	vadd.s32 $0x4000, v2;
	s22 =	sadd.s32 $0x40, s22;
	v28 =	vld [tilespmem:s29+$0x30];
	p1 =	slt.u32 s26, $0x7C;
	[tilespmem:s25+$0x3810] =	vst v24;
	v24 =	vadd.s32 $0x80, v2  }
0x262: {  	v33 =	vadd.s32 $0x4001, v2;
	s11 =	sadd.s32 $0xFFFFFFD0, s22;
	s10 =	sadd.s32 $0xFFFFFFE0, s22;
	s1 =	sadd.s32 $0xFFFFFFF0, s22;
	v31 =	vmov s22;
	v2 =	vadd.s32 $0x4080, v2;
	v32 =	vld [tilespmem:s29+$0x830];
	[tilespmem:s25+$0x0] =	vst v19  }
0x263: {  	v19 =	vmov s11;
	v35 =	vshrl.u32 v31, $0x7;
	v31 =	vshrl.u32 v31, $0xE;
	v34 =	vld [tilespmem:s29+$0x0];
	[tilespmem:s25+$0x4010] =	vst v23  }
0x264: {  	v23 =	vmov s10;
	v35 =	vand.u32 $0x7F, v35;
	v31 =	vcvt.s32.f32 v31;
	v36 =	vld [tilespmem:s29+$0x1030];
	[tilespmem:s25+$0x4810] =	vst v22  }
0x265: {  	v38 =	vor.u32 s22, v1;
	v37 =	vmov s1;
	v35 =	vcvt.s32.f32 v35;
	v22 =	vld [tilespmem:s29+$0x10];
	[tilespmem:s25+$0x5010] =	vst v21  }
0x266: {  	v39 =	vshrl.u32 v19, $0x7;
	v21 =	vand.u32 $0x7F, v38;
	v40 =	vld [tilespmem:s29+$0x20];
	v28 =	vadd.f32 v31, v28;
	[tilespmem:s25+$0x2020] =	vst v20  }
0x267: {  	v31 =	vshrl.u32 v19, $0xE;
	v20 =	vcvt.s32.f32 v21;
	v38 =	vld [tilespmem:s29+$0x800];
	v19 =	vadd.f32 v35, v32;
	[tilespmem:s25+$0x2820] =	vst v18  }
0x268: {  	v35 =	vshrl.u32 v23, $0x7;
	v23 =	vshrl.u32 v23, $0xE;
	v32 =	vld [tilespmem:s29+$0x1000];
	v18 =	vmax.f32 v28, $0.0e+00;
	[tilespmem:s25+$0x3020] =	vst v16  }
0x269: {  	v28 =	vld [tilespmem:s29+$0x810];
	v16 =	vmin.f32 v18, $1.270000000e+02;
	v18 =	vmax.f32 v19, $0.0e+00;
	v19 =	vadd.f32 v20, v36;
	[tilespmem:s25+$0x3820] =	vst v17  }
0x26a: {  	v41 =	vshrl.u32 v37, $0x7;
	v36 =	vld [tilespmem:s29+$0x1010];
	v20 =	vtrunc.f32 v16;
	v17 =	vmin.f32 v18, $1.270000000e+02;
	[tilespmem:s25+$0x4020] =	vst v25  }
0x26b: {  	v25 =	vld [tilespmem:s29+$0x820];
	v20 =	vcvt.f32.s32 v20;
	v18 =	vtrunc.f32 v17;
	v19 =	vmax.f32 v19, $0.0e+00;
	[tilespmem:s25+$0x4820] =	vst v26  }
0x26c: {  	v26 =	vshrl.u32 v37, $0xE;
	v37 =	vld [tilespmem:s29+$0x1020];
	v21 =	vcvt.f32.s32 v18;
	v18 =	vmin.f32 v19, $1.270000000e+02;
	[tilespmem:s25+$0x5020] =	vst v27  }
0x26d: {  	v27 =	vor.u32 s11, v1;
	vm0 =	vlt.s32 v20, $0x7E;
	v42 =	vtrunc.f32 v18;
	[tilespmem:s25+$0x2830] =	vst v24  }
0x26e: {  	v19 =	vnsel vm0, $0x7E, v20;
	vm0 =	vlt.s32 v21, $0x7E;
	v24 =	vcvt.f32.s32 v42;
	[tilespmem:s25+$0x3030] =	vst v29  }
0x26f: {  	v29 =	vor.u32 s10, v1;
	v20 =	vnsel vm0, $0x7E, v21;
	v21 =	vshll.u32 v19, $0xE;
	[tilespmem:s25+$0x3830] =	vst v30  }
0x270: {  	vm0 =	vlt.s32 v24, $0x7E;
	v30 =	vshll.u32 v20, $0x7;
	v42 =	vadd.s32 v0, v21;
	[tilespmem:s25+$0x4030] =	vst v33  }
0x271: {  	v33 =	vor.u32 s1, v1;
	v21 =	vnsel vm0, $0x7E, v24;
	v24 =	vadd.s32 v30, v42;
	[tilespmem:s25+$0x4830] =	vst v2  }
0x272: {  	v31 =	vcvt.s32.f32 v31;
	v30 =	vand.u32 $0x7F, v39;
	v2 =	vadd.s32 v21, v24;
	[tilespmem:s25+$0x800] =	vst v14  }
0x273: {  	v23 =	vcvt.s32.f32 v23;
	v14 =	vand.u32 $0x7F, v35;
	v24 =	vadd.s32 $0x4081, v2;
	[tilespmem:s25+$0x1000] =	vst v15  }
0x274: {  	v26 =	vcvt.s32.f32 v26;
	v15 =	vand.u32 $0x7F, v27;
	v27 =	vand.u32 $0x7F, v41;
	[tilespmem:s29+$0x5030] =	vst v24  }
0x275: {  	v29 =	vand.u32 $0x7F, v29;
	v24 =	vcvt.s32.f32 v30;
	v30 =	vand.u32 $0x7F, v33;
	[tilespmem:s25+$0x1810] =	vst v7  }
0x276: {  	v14 =	vcvt.s32.f32 v14;
	v27 =	vcvt.s32.f32 v27;
	v7 =	vadd.f32 v31, v34;
	[tilespmem:s25+$0x10] =	vst v12  }
0x277: {  	v12 =	vcvt.s32.f32 v15;
	v15 =	vadd.f32 v23, v22;
	v22 =	vcvt.s32.f32 v29;
	[tilespmem:s25+$0x810] =	vst v13  }
0x278: {  	v23 =	vadd.f32 v26, v40;
	v13 =	vadd.f32 v24, v38;
	v24 =	vcvt.s32.f32 v30;
	[tilespmem:s25+$0x1010] =	vst v11  }
0x279: {  	v7 =	vmax.f32 v7, $0.0e+00;
	v11 =	vadd.f32 v12, v32;
	v12 =	vadd.f32 v14, v28;
	[tilespmem:s25+$0x1820] =	vst v3  }
0x27a: {  	v14 =	vadd.f32 v22, v36;
	v3 =	vmax.f32 v15, $0.0e+00;
	v15 =	vadd.f32 v27, v25;
	[tilespmem:s25+$0x20] =	vst v10  }
0x27b: {  	v22 =	vadd.f32 v24, v37;
	v10 =	vmin.f32 v7, $1.270000000e+02;
	v7 =	vmax.f32 v23, $0.0e+00;
	[tilespmem:s25+$0x820] =	vst v8  }
0x27c: {  	v8 =	vmax.f32 v13, $0.0e+00;
	v13 =	vmin.f32 v3, $1.270000000e+02;
	v23 =	vmin.f32 v7, $1.270000000e+02;
	[tilespmem:s25+$0x1020] =	vst v9  }
0x27d: {  	v3 =	vmax.f32 v11, $0.0e+00;
	v7 =	vmax.f32 v12, $0.0e+00;
	v9 =	vmax.f32 v14, $0.0e+00;
	[tilespmem:s29+$0x1830] =	vst v2  }
0x27e: {  	v11 =	vtrunc.f32 v10;
	v12 =	vmax.f32 v15, $0.0e+00;
	v14 =	vmax.f32 v22, $0.0e+00;
	[tilespmem:s25+$0x30] =	vst v5  }
0x27f: {  	v15 =	vtrunc.f32 v23;
	v5 =	vmin.f32 v8, $1.270000000e+02;
	v8 =	vtrunc.f32 v13;
	[tilespmem:s25+$0x830] =	vst v6  }
0x280: {  	v22 =	vmin.f32 v7, $1.270000000e+02;
	v9 =	vmin.f32 v9, $1.270000000e+02;
	v6 =	vmin.f32 v3, $1.270000000e+02;
	[tilespmem:s25+$0x1030] =	vst v4;
	s25 =	smov.u32 s29  }
0x281: {  	v24 =	vmin.f32 v14, $1.270000000e+02;
	v3 =	vcvt.f32.s32 v11;
	v4 =	vmin.f32 v12, $1.270000000e+02  }
0x282: {  	v7 =	vcvt.f32.s32 v8;
	v8 =	vcvt.f32.s32 v15;
	v11 =	vadd.s32 $0x1, v2  }
0x283: {  	v12 =	vtrunc.f32 v5;
	v14 =	vtrunc.f32 v6;
	vm0 =	vlt.s32 v3, $0x7E;
	[tilespmem:s25+$0x2030] =	vst v11  }
0x284: {  	v15 =	vtrunc.f32 v9;
	vm1 =	vlt.s32 v7, $0x7E;
	v11 =	vtrunc.f32 v22  }
0x285: {  	v26 =	vtrunc.f32 v24;
	vm2 =	vlt.s32 v8, $0x7E;
	v25 =	vtrunc.f32 v4  }
0x286: {  	v12 =	vcvt.f32.s32 v12;
	v14 =	vcvt.f32.s32 v14;
	v3 =	vnsel vm0, $0x7E, v3  }
0x287: {  	v15 =	vcvt.f32.s32 v15;
	v7 =	vnsel vm1, $0x7E, v7;
	v11 =	vcvt.f32.s32 v11  }
0x288: {  	v26 =	vcvt.f32.s32 v26;
	v8 =	vnsel vm2, $0x7E, v8;
	v25 =	vcvt.f32.s32 v25  }
0x289: {  	vm0 =	vlt.s32 v12, $0x7E;
	vm1 =	vlt.s32 v14, $0x7E;
	vm2 =	vlt.s32 v11, $0x7E  }
0x28a: {  	vm5 =	vlt.s32 v26, $0x7E;
	vm3 =	vlt.s32 v15, $0x7E;
	vm4 =	vlt.s32 v25, $0x7E  }
0x28b: {  	v27 =	vshll.u32 v3, $0xE;
	v28 =	vshll.u32 v7, $0xE;
	v29 =	vshll.u32 v8, $0xE  }
0x28c: {  	v12 =	vnsel vm0, $0x7E, v12;
	v14 =	vnsel vm1, $0x7E, v14;
	v11 =	vnsel vm2, $0x7E, v11  }
0x28d: {  	v26 =	vnsel vm5, $0x7E, v26;
	v15 =	vnsel vm3, $0x7E, v15;
	v25 =	vnsel vm4, $0x7E, v25  }
0x28e: {  	v27 =	vadd.s32 v0, v27;
	v28 =	vadd.s32 v0, v28;
	v29 =	vadd.s32 v0, v29  }
0x28f: {  	v30 =	vcvt.s32.f32 v3;
	v31 =	vcvt.s32.f32 v12;
	v3 =	vshll.u32 v12, $0x7  }
0x290: {  	v32 =	vcvt.s32.f32 v7;
	v12 =	vcvt.s32.f32 v14;
	v7 =	vshll.u32 v11, $0x7  }
0x291: {  	v33 =	vcvt.s32.f32 v15;
	v34 =	vshll.u32 v25, $0x7;
	v11 =	vcvt.s32.f32 v11  }
0x292: {  	v8 =	vcvt.s32.f32 v8;
	v3 =	vadd.s32 v3, v27;
	v25 =	vcvt.s32.f32 v25  }
0x293: {  	v27 =	vcvt.s32.f32 v26;
	v7 =	vadd.s32 v7, v28;
	v28 =	vcvt.s32.f32 v19  }
0x294: {  	v20 =	vcvt.s32.f32 v20;
	v21 =	vcvt.s32.f32 v21;
	v19 =	vadd.s32 v34, v29  }
0x295: {  	v29 =	vadd.s32 v14, v3;
	v7 =	vadd.s32 v15, v7;
	v3 =	vadd.s32 v26, v19  }
0x296: {  	v14 =	vsub.f32 v5, v31;
	v19 =	vsub.f32 v10, v30;
	v5 =	vadd.s32 $0x1, v29;
	[tilespmem:s25+$0x1800] =	vst v29  }
0x297: {  	v15 =	vsub.f32 v6, v12;
	v12 =	vsub.f32 v13, v32;
	[tilespmem:s25+$0x2000] =	vst v5;
	v5 =	vadd.s32 $0x80, v29  }
0x298: {  	v13 =	vsub.f32 v22, v11;
	v11 =	vsub.f32 v9, v33;
	[tilespmem:s25+$0x2800] =	vst v5;
	v5 =	vadd.s32 $0x81, v29  }
0x299: {  	v10 =	vsub.f32 v23, v8;
	v8 =	vsub.f32 v4, v25;
	[tilespmem:s25+$0x3000] =	vst v5;
	v5 =	vadd.s32 $0x4000, v29  }
0x29a: {  	v4 =	vadd.s32 $0x4001, v29;
	v9 =	vsub.f32 v24, v27;
	[tilespmem:s25+$0x3800] =	vst v5;
	v5 =	vsub.f32 v16, v28  }
.Ltmp4:
0x29b: {  	v6 =	vsub.f32 v17, v20;
	v16 =	vadd.s32 $0x4080, v29;
	[tilespmem:s25+$0x4000] =	vst v4;
	v4 =	vsub.f32 v18, v21;
	(pc) =	sbr.rel @p1 .LBB2_10-.Ltmp4, $4  }
0x29c: {  	v17 =	vadd.s32 $0x1, v7;
	v18 =	vadd.s32 $0x80, v7;
	[tilespmem:s25+$0x4800] =	vst v16;
	v16 =	vadd.s32 $0x4081, v29  }
0x29d: {  	v25 =	vadd.s32 $0x81, v7;
	v24 =	vadd.s32 $0x4000, v7;
	v23 =	vadd.s32 $0x4001, v7;
	[tilespmem:s25+$0x5000] =	vst v16  }
0x29e: {  	v22 =	vadd.s32 $0x4080, v7;
	v20 =	vadd.s32 $0x1, v3;
	v21 =	vadd.s32 $0x4081, v7;
	[tilespmem:s25+$0x2010] =	vst v17  }
0x29f: {  	s28 =	sadd.s32 $0x100, s28;
	v16 =	vadd.s32 $0x81, v3;
	v17 =	vadd.s32 $0x4000, v3;
	[tilespmem:s25+$0x2810] =	vst v18;
	v18 =	vadd.s32 $0x80, v3  }
0x2a0: {  	[tilespmem:s25+$0x3010] =	vst v25  }
0x2a1: {  	[tilespmem:s25+$0x3810] =	vst v24  }
0x2a2: {  	[tilespmem:s25+$0x0] =	vst v19  }
0x2a3: {  	[tilespmem:s25+$0x4010] =	vst v23  }
0x2a4: {  	[tilespmem:s25+$0x4810] =	vst v22  }
0x2a5: {  	[tilespmem:s25+$0x5010] =	vst v21  }
0x2a6: {  	[tilespmem:s25+$0x2020] =	vst v20  }
0x2a7: {  	[tilespmem:s25+$0x2820] =	vst v18  }
0x2a8: {  	[tilespmem:s25+$0x3020] =	vst v16  }
0x2a9: {  	[tilespmem:s25+$0x3820] =	vst v17  }
0x2aa: {  	[tilespmem:s25+$0x800] =	vst v14  }
0x2ab: {  	[tilespmem:s25+$0x1000] =	vst v15  }
0x2ac: {  	[tilespmem:s25+$0x1810] =	vst v7  }
0x2ad: {  	[tilespmem:s25+$0x10] =	vst v12  }
0x2ae: {  	[tilespmem:s25+$0x810] =	vst v13  }
0x2af: {  	[tilespmem:s25+$0x1010] =	vst v11  }
0x2b0: {  	[tilespmem:s25+$0x1820] =	vst v3  }
0x2b1: {  	[tilespmem:s25+$0x20] =	vst v10  }
0x2b2: {  	[tilespmem:s25+$0x820] =	vst v8  }
0x2b3: {  	[tilespmem:s25+$0x1020] =	vst v9  }
0x2b4: {  	[tilespmem:s25+$0x30] =	vst v5  }
0x2b5: {  	[tilespmem:s25+$0x830] =	vst v6  }
0x2b6: {  	v57 =	vadd.s32 $0x4001, v3;
	[tilespmem:s25+$0x1030] =	vst v4  }
0x2b7: {  	v58 =	vadd.s32 $0x4080, v3;
	[tilespmem:s25+$0x4020] =	vst v57  }
0x2b8: {  	v59 =	vadd.s32 $0x4081, v3;
	[tilespmem:s25+$0x4820] =	vst v58  }
0x2b9: {  	v60 =	vadd.s32 $0x80, v2;
	[tilespmem:s25+$0x5020] =	vst v59  }
0x2ba: {  	v61 =	vadd.s32 $0x81, v2;
	[tilespmem:s25+$0x2830] =	vst v60  }
0x2bb: {  	v62 =	vadd.s32 $0x4000, v2;
	[tilespmem:s25+$0x3030] =	vst v61  }
0x2bc: {  	v63 =	vadd.s32 $0x4001, v2;
	[tilespmem:s25+$0x3830] =	vst v62  }
0x2bd: {  	v2 =	vadd.s32 $0x4080, v2;
	[tilespmem:s25+$0x4030] =	vst v63  }
0x2be: {  	s1 =	simm.s32 $0x1800;
	s10 =	simm.s32 $0x5800;
	[tilespmem:s25+$0x4830] =	vst v2  }
0x2bf: {  	[tilespmem:s10], [sflag:$0x1] =	stream.indirect.gather [hbm4b:s0+s19], $0x1, s1, s19, $0xb8;
	[tilespmem:$0x13800] =	vst v63  }
0x2c0: {  	s22 =	simm.s32 $0x2000;
	s25 =	simm.s32 $0x6000  }
0x2c1: {  	[tilespmem:s25], [sflag:$0x1] =	stream.indirect.gather [hbm4b:s0+s19], $0x1, s22, s19, $0xb8;
	[tilespmem:$0x13800] =	vst v63  }
0x2c2: {  	s26 =	simm.s32 $0x2800;
	s28 =	simm.s32 $0x6800  }
0x2c3: {  	[tilespmem:s28], [sflag:$0x1] =	stream.indirect.gather [hbm4b:s0+s19], $0x1, s26, s19, $0xb8;
	[tilespmem:$0x13800] =	vst v63  }
0x2c4: {  	s29 =	simm.s32 $0x3000;
	s31 =	simm.s32 $0x7000  }
0x2c5: {  	[tilespmem:s31], [sflag:$0x1] =	stream.indirect.gather [hbm4b:s0+s19], $0x1, s29, s19, $0xb8;
	[tilespmem:$0x13800] =	vst v63  }
0x2c6: {  	s11 =	simm.s32 $0x7800;
	s10 =	simm.s32 $0x3800  }
0x2c7: {  	[tilespmem:s11], [sflag:$0x1] =	stream.indirect.gather [hbm4b:s0+s19], $0x1, s10, s19, $0xb8;
	[tilespmem:$0x13800] =	vst v63  }
0x2c8: {  	s22 =	simm.s32 $0x4000;
	s25 =	simm.s32 $0x8000  }
0x2c9: {  	[tilespmem:s25], [sflag:$0x1] =	stream.indirect.gather [hbm4b:s0+s19], $0x1, s22, s19, $0xb8;
	[tilespmem:$0x13800] =	vst v63  }
0x2ca: {  	s26 =	simm.s32 $0x4800;
	s28 =	simm.s32 $0x8800  }
0x2cb: {  	[tilespmem:s28], [sflag:$0x1] =	stream.indirect.gather [hbm4b:s0+s19], $0x1, s26, s19, $0xb8;
	[tilespmem:$0x13800] =	vst v63  }
0x2cc: {  	s29 =	simm.s32 $0x5000;
	s31 =	simm.s32 $0x9000  }
0x2cd: {  	[tilespmem:s31], [sflag:$0x1] =	stream.indirect.gather [hbm4b:s0+s19], $0x1, s29, s19, $0xb8;
	[tilespmem:$0x13800] =	vst v63  }
.LBB2_12:
0x2ce: {  	_ =	swait.ge [sflag:s15], $0x800  }
0x2cf: {  	[sflag:s15] =	ssyncset.done $0x0  }
0x2d0: {  	[sflag:s15] =	ssyncadd.s32 $0xFFFFF800  }
0x2d1: {  	_ =	swait.ge [sflag:s15], $0x800  }
0x2d2: {  	[sflag:s15] =	ssyncset.done $0x0  }
0x2d3: {  	[sflag:s15] =	ssyncadd.s32 $0xFFFFF800  }
0x2d4: {  	_ =	swait.ge [sflag:s15], $0x800  }
0x2d5: {  	[sflag:s15] =	ssyncset.done $0x0  }
0x2d6: {  	[sflag:s15] =	ssyncadd.s32 $0xFFFFF800  }
0x2d7: {  	_ =	swait.ge [sflag:s15], $0x800  }
0x2d8: {  	[sflag:s15] =	ssyncset.done $0x0  }
0x2d9: {  	[sflag:s15] =	ssyncadd.s32 $0xFFFFF800  }
0x2da: {  	_ =	swait.ge [sflag:s15], $0x800  }
0x2db: {  	[sflag:s15] =	ssyncset.done $0x0  }
0x2dc: {  	[sflag:s15] =	ssyncadd.s32 $0xFFFFF800  }
0x2dd: {  	_ =	swait.ge [sflag:s15], $0x800  }
0x2de: {  	[sflag:s15] =	ssyncset.done $0x0  }
0x2df: {  	[sflag:s15] =	ssyncadd.s32 $0xFFFFF800  }
0x2e0: {  	_ =	swait.ge [sflag:s15], $0x800  }
0x2e1: {  	[sflag:s15] =	ssyncset.done $0x0  }
0x2e2: {  	[sflag:s15] =	ssyncadd.s32 $0xFFFFF800  }
0x2e3: {  	_ =	swait.ge [sflag:s15], $0x800  }
0x2e4: {  	[sflag:s15] =	ssyncset.done $0x0  }
0x2e5: {  	s22 =	simm.s32 $0x0;
	[sflag:s15] =	ssyncadd.s32 $0xFFFFF800  }
0x2e6: {  	v7 =	vld [tilespmem:s22+$0xF030]  }
0x2e7: {  	v6 =	vld [tilespmem:s22+$0xF830]  }
0x2e8: {  	v8 =	vld [tilespmem:s22+$0x10030]  }
0x2e9: {  	v9 =	vld [tilespmem:s22+$0x10830]  }
0x2ea: {  	v10 =	vld [tilespmem:s22+$0x11030]  }
0x2eb: {  	v11 =	vld [tilespmem:s22+$0x11830]  }
0x2ec: {  	v12 =	vld [tilespmem:s22+$0x12030]  }
0x2ed: {  	v13 =	vld [tilespmem:s22+$0x12830]  }
0x2ee: {  	v14 =	vld [tilespmem:s22+$0xA830]  }
0x2ef: {  	v18 =	vld [tilespmem:s22+$0xF000]  }
0x2f0: {  	v16 =	vld [tilespmem:s22+$0xF800]  }
0x2f1: {  	v2 =	vld [tilespmem:s22+$0x10000]  }
0x2f2: {  	v17 =	vld [tilespmem:s22+$0x10800]  }
0x2f3: {  	v3 =	vld [tilespmem:s22+$0x11000]  }
0x2f4: {  	v19 =	vld [tilespmem:s22+$0x11800]  }
0x2f5: {  	v15 =	vld [tilespmem:s22+$0xA030]  }
0x2f6: {  	v4 =	vld [tilespmem:s22+$0x12000]  }
0x2f7: {  	v20 =	vld [tilespmem:s22+$0x12800]  }
0x2f8: {  	v5 =	vld [tilespmem:s22+$0xF010]  }
0x2f9: {  	v21 =	vld [tilespmem:s22+$0xF810]  }
0x2fa: {  	v23 =	vld [tilespmem:s22+$0x9830]  }
0x2fb: {  	v26 =	vld [tilespmem:s22+$0x10810]  }
0x2fc: {  	v27 =	vld [tilespmem:s22+$0xF820]  }
0x2fd: {  	v28 =	vld [tilespmem:s22+$0x10820];
	v22 =	vsub.f32 v6, v7;
	v9 =	vsub.f32 v9, v8  }
0x2fe: {  	v29 =	vld [tilespmem:s22+$0x11820];
	v11 =	vsub.f32 v11, v10;
	v13 =	vsub.f32 v13, v12  }
0x2ff: {  	v30 =	vld [tilespmem:s22+$0x12820];
	v22 =	vmul.f32 v14, v22;
	v24 =	vmul.f32 v14, v9  }
0x300: {  	v33 =	vld [tilespmem:s22+$0xA800];
	v11 =	vmul.f32 v14, v11;
	v13 =	vmul.f32 v14, v13  }
0x301: {  	v25 =	vld [tilespmem:s22+$0xA810];
	v7 =	vadd.f32 v22, v7;
	v8 =	vadd.f32 v24, v8  }
0x302: {  	v6 =	vld [tilespmem:s22+$0x10010];
	v22 =	vadd.f32 v11, v10;
	v11 =	vadd.f32 v13, v12  }
0x303: {  	v9 =	vld [tilespmem:s22+$0x11010]  }
0x304: {  	v14 =	vld [tilespmem:s22+$0x11810];
	v8 =	vsub.f32 v8, v7;
	v12 =	vsub.f32 v11, v22  }
0x305: {  	v10 =	vld [tilespmem:s22+$0x12010]  }
0x306: {  	v24 =	vld [tilespmem:s22+$0x12810];
	v8 =	vmul.f32 v8, v15;
	v13 =	vmul.f32 v12, v15  }
0x307: {  	v11 =	vld [tilespmem:s22+$0xF020]  }
0x308: {  	v12 =	vld [tilespmem:s22+$0x10020];
	v7 =	vadd.f32 v8, v7;
	v8 =	vadd.f32 v13, v22  }
0x309: {  	v16 =	vsub.f32 v16, v18;
	v31 =	vsub.f32 v17, v2;
	v15 =	vld [tilespmem:s22+$0x12020]  }
0x30a: {  	v32 =	vsub.f32 v19, v3;
	v13 =	vld [tilespmem:s22+$0x11020];
	v8 =	vsub.f32 v8, v7  }
0x30b: {  	v34 =	vsub.f32 v20, v4;
	v35 =	vsub.f32 v21, v5;
	v20 =	vld [tilespmem:s22+$0xA820];
	v31 =	vmul.f32 v33, v31  }
0x30c: {  	v17 =	vld [tilespmem:s22+$0xA000];
	v36 =	vsub.f32 v26, v6;
	v19 =	vsub.f32 v14, v9;
	v8 =	vmul.f32 v8, v23  }
0x30d: {  	v14 =	vld [tilespmem:s22+$0xA010];
	v21 =	vsub.f32 v24, v10;
	v22 =	vsub.f32 v27, v11;
	v27 =	vmul.f32 v33, v34  }
0x30e: {  	v23 =	vsub.f32 v28, v12;
	v28 =	vmul.f32 v33, v16;
	v16 =	vld [tilespmem:s22+$0xA020];
	v7 =	vadd.f32 v8, v7  }
0x30f: {  	v26 =	vsub.f32 v30, v15;
	v30 =	vmul.f32 v33, v32;
	v24 =	vsub.f32 v29, v13;
	v8 =	vld [tilespmem:s22+$0x9800]  }
0x310: {  	s23 =	sadd.s32 $0x1, s23;
	s25 =	simm.s32 $0x0;
	s26 =	simm.s32 $0x100;
	v29 =	vmul.f32 v25, v35;
	v18 =	vadd.f32 v28, v18;
	v28 =	vmul.f32 v25, v36;
	[tilespmem:s22+$0x13030] =	vst v7;
	v7 =	vld [tilespmem:s22+$0x9810]  }
.LBB2_13:
0x311: {  	s28 =	sshra.s32 s26, $0x2;
	v2 =	vadd.f32 v31, v2;
	v19 =	vmul.f32 v25, v19;
	v21 =	vmul.f32 v25, v21;
	v25 =	vld [tilespmem:s22+$0x9820]  }
0x312: {  	v30 =	vadd.f32 v30, v3;
	v3 =	vmul.f32 v20, v22;
	v22 =	vmul.f32 v20, v23;
	v31 =	vld [tilespmem:s28+$0xF030]  }
0x313: {  	v4 =	vadd.f32 v27, v4;
	v24 =	vmul.f32 v20, v24;
	v20 =	vmul.f32 v20, v26;
	v23 =	vld [tilespmem:s28+$0xF830]  }
0x314: {  	v5 =	vadd.f32 v29, v5;
	v6 =	vadd.f32 v28, v6;
	v26 =	vld [tilespmem:s28+$0x10030]  }
0x315: {  	v9 =	vadd.f32 v19, v9;
	v10 =	vadd.f32 v21, v10;
	v27 =	vld [tilespmem:s28+$0x10830]  }
0x316: {  	v11 =	vadd.f32 v3, v11;
	v3 =	vadd.f32 v22, v12;
	v19 =	vld [tilespmem:s28+$0x11030]  }
0x317: {  	v13 =	vadd.f32 v24, v13;
	v15 =	vadd.f32 v20, v15;
	v12 =	vld [tilespmem:s28+$0x11830]  }
0x318: {  	s25 =	sadd.s32 $0x4, s25;
	v2 =	vsub.f32 v2, v18;
	v4 =	vsub.f32 v4, v30;
	v20 =	vld [tilespmem:s28+$0x12030]  }
0x319: {  	p1 =	slt.u32 s25, $0x7C;
	v6 =	vsub.f32 v6, v5;
	v10 =	vsub.f32 v10, v9;
	v21 =	vld [tilespmem:s28+$0x12830]  }
0x31a: {  	v2 =	vmul.f32 v2, v17;
	v3 =	vsub.f32 v3, v11;
	v15 =	vsub.f32 v15, v13;
	v22 =	vld [tilespmem:s28+$0xA830]  }
0x31b: {  	v4 =	vmul.f32 v4, v17;
	v6 =	vmul.f32 v6, v14;
	v28 =	vld [tilespmem:s28+$0xF000]  }
0x31c: {  	v18 =	vadd.f32 v2, v18;
	v10 =	vmul.f32 v10, v14;
	v14 =	vmul.f32 v3, v16;
	v17 =	vld [tilespmem:s28+$0xF800]  }
0x31d: {  	v15 =	vmul.f32 v15, v16;
	v23 =	vsub.f32 v23, v31;
	v24 =	vsub.f32 v27, v26;
	v2 =	vld [tilespmem:s28+$0x10000]  }
0x31e: {  	v12 =	vsub.f32 v12, v19;
	v16 =	vld [tilespmem:s28+$0x10800];
	v21 =	vsub.f32 v21, v20  }
0x31f: {  	v27 =	vadd.f32 v4, v30;
	v3 =	vld [tilespmem:s28+$0x11000];
	v23 =	vmul.f32 v22, v23;
	v24 =	vmul.f32 v22, v24  }
0x320: {  	v12 =	vmul.f32 v22, v12;
	v29 =	vld [tilespmem:s28+$0x11800];
	v21 =	vmul.f32 v22, v21;
	v22 =	vadd.f32 v6, v5  }
0x321: {  	v30 =	vld [tilespmem:s28+$0xA030];
	v23 =	vadd.f32 v23, v31;
	v6 =	vadd.f32 v24, v26  }
0x322: {  	v12 =	vadd.f32 v12, v19;
	v4 =	vld [tilespmem:s28+$0x12000];
	v19 =	vadd.f32 v21, v20  }
0x323: {  	v31 =	vsub.f32 v17, v28;
	v20 =	vld [tilespmem:s28+$0x12800];
	v16 =	vsub.f32 v16, v2  }
0x324: {  	v17 =	vsub.f32 v6, v23;
	v5 =	vld [tilespmem:s28+$0xF010];
	v19 =	vsub.f32 v19, v12  }
0x325: {  	v10 =	vadd.f32 v10, v9;
	v29 =	vsub.f32 v29, v3;
	v21 =	vld [tilespmem:s28+$0xF810]  }
0x326: {  	v14 =	vadd.f32 v14, v11;
	v6 =	vld [tilespmem:s28+$0x10010];
	v9 =	vmul.f32 v17, v30;
	v17 =	vmul.f32 v19, v30  }
0x327: {  	v13 =	vadd.f32 v15, v13;
	v19 =	vsub.f32 v27, v18;
	v11 =	vld [tilespmem:s28+$0x9830]  }
0x328: {  	v15 =	vld [tilespmem:s28+$0x10810];
	v23 =	vadd.f32 v9, v23;
	v12 =	vadd.f32 v17, v12  }
0x329: {  	v27 =	vsub.f32 v20, v4;
	v8 =	vmul.f32 v19, v8;
	v17 =	vsub.f32 v10, v22;
	v9 =	vld [tilespmem:s28+$0x11010]  }
0x32a: {  	v19 =	vld [tilespmem:s28+$0x11810];
	v32 =	vsub.f32 v21, v5;
	v12 =	vsub.f32 v12, v23  }
0x32b: {  	v13 =	vsub.f32 v13, v14;
	v8 =	vadd.f32 v8, v18;
	v7 =	vmul.f32 v17, v7;
	v10 =	vld [tilespmem:s28+$0x12010]  }
0x32c: {  	v17 =	vld [tilespmem:s28+$0x12810];
	v12 =	vmul.f32 v12, v11  }
0x32d: {  	v7 =	vadd.f32 v7, v22;
	v33 =	vsub.f32 v15, v6;
	v11 =	vld [tilespmem:s28+$0xF020];
	[tilespmem:s22+$0x13000] =	vst v8;
	v8 =	vmul.f32 v13, v25  }
0x32e: {  	v18 =	vld [tilespmem:s28+$0xF820];
	v13 =	vadd.f32 v12, v23  }
0x32f: {  	v19 =	vsub.f32 v19, v9;
	v12 =	vld [tilespmem:s28+$0x10020];
	[tilespmem:s22+$0x13010] =	vst v7;
	v7 =	vadd.f32 v8, v14  }
0x330: {  	v8 =	vld [tilespmem:s28+$0x10820];
	[tilespmem:s28+$0x13030] =	vst v13  }
0x331: {  	v21 =	vsub.f32 v17, v10;
	v13 =	vld [tilespmem:s28+$0x11020];
	[tilespmem:s22+$0x13020] =	vst v7;
	s22 =	smov.u32 s28  }
0x332: {  	v7 =	vld [tilespmem:s22+$0x11820]  }
0x333: {  	v15 =	vld [tilespmem:s22+$0x12020];
	v22 =	vsub.f32 v18, v11  }
0x334: {  	v18 =	vld [tilespmem:s22+$0x12820]  }
0x335: {  	v34 =	vld [tilespmem:s22+$0xA800];
	v23 =	vsub.f32 v8, v12  }
0x336: {  	v25 =	vld [tilespmem:s22+$0xA810]  }
0x337: {  	v20 =	vld [tilespmem:s22+$0xA820];
	v24 =	vsub.f32 v7, v13  }
.Ltmp5:
0x338: {  	v17 =	vld [tilespmem:s22+$0xA000];
	(pc) =	sbr.rel @p1 .LBB2_13-.Ltmp5, $4  }
0x339: {  	v14 =	vld [tilespmem:s22+$0xA010];
	v26 =	vsub.f32 v18, v15  }
0x33a: {  	v7 =	vmul.f32 v34, v31;
	v31 =	vmul.f32 v34, v16;
	v16 =	vld [tilespmem:s22+$0xA020]  }
0x33b: {  	v30 =	vmul.f32 v34, v29;
	v27 =	vmul.f32 v34, v27;
	v8 =	vld [tilespmem:s22+$0x9800]  }
0x33c: {  	s26 =	sadd.s32 $0x100, s26;
	v29 =	vmul.f32 v25, v32;
	v18 =	vadd.f32 v7, v28;
	v7 =	vld [tilespmem:s22+$0x9810];
	v28 =	vmul.f32 v25, v33  }
0x33d: {  	v2 =	vadd.f32 v31, v2;
	v19 =	vmul.f32 v25, v19  }
0x33e: {  	v21 =	vmul.f32 v25, v21;
	v3 =	vadd.f32 v30, v3;
	v22 =	vmul.f32 v20, v22  }
0x33f: {  	v23 =	vmul.f32 v20, v23;
	v4 =	vadd.f32 v27, v4;
	v5 =	vadd.f32 v29, v5  }
0x340: {  	v24 =	vmul.f32 v20, v24;
	v6 =	vadd.f32 v28, v6;
	v9 =	vadd.f32 v19, v9  }
0x341: {  	v56 =	vmul.f32 v20, v26;
	v10 =	vadd.f32 v21, v10;
	v11 =	vadd.f32 v22, v11  }
0x342: {  	v12 =	vadd.f32 v23, v12;
	v13 =	vadd.f32 v24, v13  }
0x343: {  	v15 =	vadd.f32 v56, v15;
	v2 =	vsub.f32 v2, v18  }
0x344: {  	v4 =	vsub.f32 v4, v3;
	v6 =	vsub.f32 v6, v5  }
0x345: {  	v10 =	vsub.f32 v10, v9;
	v2 =	vmul.f32 v2, v17;
	v12 =	vsub.f32 v12, v11  }
0x346: {  	v15 =	vsub.f32 v15, v13;
	v4 =	vmul.f32 v4, v17;
	v6 =	vmul.f32 v6, v14  }
0x347: {  	v2 =	vadd.f32 v2, v18;
	v10 =	vmul.f32 v10, v14;
	v12 =	vmul.f32 v12, v16  }
0x348: {  	v57 =	vmul.f32 v15, v16;
	v3 =	vadd.f32 v4, v3;
	v58 =	vadd.f32 v6, v5  }
0x349: {  	v59 =	vld [tilespmem:s22+$0x9820];
	v60 =	vadd.f32 v10, v9;
	v61 =	vadd.f32 v12, v11  }
0x34a: {  	v3 =	vsub.f32 v3, v2;
	v62 =	vadd.f32 v57, v13  }
0x34b: {  	v6 =	vsub.f32 v60, v58  }
0x34c: {  	v3 =	vmul.f32 v3, v8;
	v63 =	vsub.f32 v62, v61  }
0x34d: {  	v6 =	vmul.f32 v6, v7  }
0x34e: {  	v2 =	vadd.f32 v3, v2;
	v3 =	vmul.f32 v63, v59  }
0x34f: {  	v4 =	vadd.f32 v6, v58  }
0x350: {  	s1 =	sor.u32 s13, s24;
	[tilespmem:s22+$0x13000] =	vst v2;
	v2 =	vadd.f32 v3, v61  }
0x351: {  	p1 =	sne.s32 s23, $0x20;
	s1 =	sshrl.u32 s1, $0x3;
	[tilespmem:s22+$0x13010] =	vst v4  }
.Ltmp6:
0x352: {  	s1 =	sadd.s32 s3, s1;
	[tilespmem:s22+$0x13020] =	vst v2;
	(pc) =	sbr.rel @p1 .LBB2_4-.Ltmp6, $4  }
0x353: {  	[hbm4b:s1+s4] =	stream.linear.scatter [tilespmem:s17], [sflag:$0x3], $0x800, $0x38;
	[tilespmem:$0x13800] =	vst v63  }
0x354: {  	_ =	swait.ge [sflag:s18], $0x800  }
0x355: {  	[sflag:s18] =	ssyncset.done $0x0  }
0x356: {  	s30 =	sadd.s32 $0x1000, s30;
	s21 =	sadd.s32 $0x1000, s21;
	[sflag:s18] =	ssyncadd.s32 $0xFFFFF800  }
0x357: {  	s10 =	rddreg [dreg:$0xb]  }
0x358: {  	s1 =	rddreg [dreg:$0x7];
	s10 =	sadd.s32 $0x1, s10  }
0x359: {  	p1 =	sne.s32 s10, s1  }
.Ltmp7:
0x35a: {  	_ = 	snop;
	(pc) =	sbr.rel @p1 .LBB2_1-.Ltmp7, $1  }
0x35b: {  	_ =	sdelay $0x3  }
0x35c: {  	_ =	sfence.sel $0x180000  }
0x35d: {  	[bflag:$0x0] =	sbarrier.arrive $0xFFFF  }
0x35e: {  	_ =	strace $0x90000047  }
0x35f: {  	[bflag:$0x2] =	sbarrier.arrive $0xFFFF  }
0x360: {  	s0 =	rddreg [dreg:$0x3]  }
0x361: {  	s0 =	sadd.s32 @!p0 $0x100000, s0  }
0x362: {  	[sflag:s0] =	ssyncadd.tile.s32 @!p0 $0x1;
	_ =	shalt  }
.Lfunc_end2:
_tile_overlayer_lowered:
.L_overlay_start_2:
0x363: {  	(tag) =	ssettag $0x2  }
0x364: {  	s0 =	rddreg [dreg:$0x0];
	s2 =	stileid.u32  }
0x365: {  	s1 =	rddreg [dreg:$0x1];
	p0 =	sne.s32 s2, $0x0  }
0x366: {  	s3 =	rddreg [dreg:$0x2];
	[bflag:$0x3] =	sbarrier.arrive $0xFFFF;
	s2 =	simm.s32 @!p0 $0x1C03  }
0x367: {  	[timem:s3], [sflag:s2] =	dma.local @!p0 [hbm:s0], s1  }
0x368: {  	s0 =	simm.s32 @!p0 $0x3  }
0x369: {  	_ =	swait.ge @!p0 [sflag:s0], s1  }
0x36a: {  	s1 =	ssub.s32 @!p0 $0x0, s1;
	[sflag:s0] =	ssyncset.done @!p0 $0x0  }
0x36b: {  	[sflag:s0] =	ssyncadd.s32 @!p0 s1  }
0x36c: {  	[bflag:$0x3] =	sbarrier.arrive $0xFFFF  }
0x36d: {  	_ =	shalt  }

</sc_bundles>
